<compile_context>
chip_gen: v7x
topology: tpu7x:2x2x1
jax: 0.10.2.dev20260603
libtpu: 0.0.44.dev20260713+nightly
codegen_flags: <defaults>
</compile_context>

<pallas_src>
import functools

import jax
import jax.numpy as jnp
from jax import lax
from jax.experimental import pallas as pl
from jax.experimental.pallas import tpu as pltpu
from jax.experimental.pallas import tpu_sc as plsc

V = 100000
D = 64
L = 20
R_ALL = 71680
NW = 32
RPW = R_ALL // NW
CH = 224
CHP = 256
NCH = RPW // CH
NCHG = R_ALL // CH
HALF = 112
NG = CH // 16
CLIST = CH * L + 4 * HALF


def _sc_pool(idx_flat, len_pad, table):
    mesh = plsc.VectorSubcoreMesh(core_axis_name="c", subcore_axis_name="s")

    @functools.partial(
        pl.kernel,
        out_type=(
            jax.ShapeDtypeStruct((R_ALL * D,), jnp.float32),
            jax.ShapeDtypeStruct((NCHG * CHP,), jnp.float32),
        ),
        mesh=mesh,
        compiler_params=pltpu.CompilerParams(
            needs_layout_passes=False, use_tc_tiling_on_sc=False),
        scratch_types=[
            pltpu.VMEM((CH * L,), jnp.int32),
            pltpu.VMEM((CHP,), jnp.int32),
            pltpu.VMEM((2 * L * HALF,), jnp.int32),
            pltpu.VMEM((4 * HALF, D // 2), jnp.int32),
            pltpu.VMEM((CH * D,), jnp.float32),
            pltpu.VMEM((CHP,), jnp.float32),
            pltpu.SemaphoreType.DMA((4,)),
            pltpu.SemaphoreType.DMA,
        ],
    )
    def sc_kernel(idx_hbm, len_hbm, table_hbm, acc_hbm, nval_hbm,
                  idxr_v, len_v, idxt_v, rows_v, acc_v, nval_v, sem_g, sem_o):
        wid = lax.axis_index("s") * 2 + lax.axis_index("c")
        base = wid * RPW

        def wait_out():
            pltpu.make_async_copy(
                acc_v, acc_hbm.at[pl.ds(0, CH * D)], sem_o).wait()
            pltpu.make_async_copy(
                nval_v, nval_hbm.at[pl.ds(0, CHP)], sem_o).wait()

        def fire(j, b):
            pltpu.make_async_copy(
                table_hbm.at[idxt_v.at[pl.ds(j * HALF, HALF)]],
                rows_v.at[pl.ds(b * HALF, HALF), :],
                sem_g.at[b]).start()

        def wait_g(j, b):
            pltpu.make_async_copy(
                table_hbm.at[idxt_v.at[pl.ds(j * HALF, HALF)]],
                rows_v.at[pl.ds(b * HALF, HALF), :],
                sem_g.at[b]).wait()

        def accum(b, h):
            def arow(rr, _):
                rs = b * HALF + rr * 4
                rd = h * HALF + rr * 4
                for u in range(4):
                    for k in range(D // 32):
                        w = rows_v[rs + u, pl.ds(k * 16, 16)]
                        ab = plsc.bitcast(w, jnp.bfloat16)
                        ea, eb = plsc.unpack(
                            ab, format=plsc.PackFormat.INTERLEAVED)
                        bb = (rd + u) * D + k * 32
                        plsc.addupdate(acc_v.at[pl.ds(bb, 16)], ea)
                        plsc.addupdate(acc_v.at[pl.ds(bb + 16, 16)], eb)
                return _
            lax.fori_loop(0, HALF // 4, arow, None, unroll=False)

        def do_chunk(c, _):
            row0 = base + c * CH
            cg = row0 // CH
            pl.when(c > 0)(wait_out)
            pltpu.sync_copy(idx_hbm.at[pl.ds(row0 * L, CH * L)], idxr_v)
            pltpu.sync_copy(len_hbm.at[pl.ds(cg * CHP, CHP)], len_v)

            def grp(g, _):
                len_g = len_v[pl.ds(g * 16, 16)]
                h = g // 7
                col = (g - h * 7) * 16
                nv = jnp.zeros((16,), jnp.int32)
                for l in range(L):
                    iv = idxr_v[pl.ds(l * CH + g * 16, 16)]
                    valid = (l < len_g) & (iv != 0)
                    nv = nv + valid.astype(jnp.int32)
                    ivm = jnp.where(valid, iv, 0)
                    idxt_v[pl.ds((2 * l) * HALF + h * HALF + col, 16)] = ivm
                nval_v[pl.ds(g * 16, 16)] = nv.astype(jnp.float32)
                return _
            lax.fori_loop(0, NG, grp, None, unroll=False)

            for k in range(4):
                fire(k, k)

            def zrow(q, _):
                zz = jnp.zeros((16,), jnp.float32)
                for u in range(8):
                    acc_v[pl.ds(q * 128 + u * 16, 16)] = zz
                return _
            lax.fori_loop(0, CH * D // 128, zrow, None, unroll=False)

            def lstep(l2, _):
                j0 = 4 * l2
                for k in range(4):
                    wait_g(j0 + k, k)
                    accum(k, k % 2)
                    fire(j0 + k + 4, k)
                return _
            lax.fori_loop(0, (2 * L - 4) // 4, lstep, None, unroll=False)
            for k in range(4):
                wait_g(2 * L - 4 + k, k)
                accum(k, k % 2)

            pltpu.make_async_copy(
                acc_v, acc_hbm.at[pl.ds(row0 * D, CH * D)], sem_o).start()
            pltpu.make_async_copy(
                nval_v, nval_hbm.at[pl.ds(cg * CHP, CHP)], sem_o).start()
            return _

        lax.fori_loop(0, NCH, do_chunk, None, unroll=False)
        wait_out()

    return sc_kernel(idx_flat, len_pad, table)


BT = 256
GRID = 10240 // BT
BC = BT * 5


def _tc_epilogue(acc, nval, lens, t0, numc):
    def body(acc_t, nv_t, ln_t, acc_p, nv_p, ln_p, acc_c, nv_c, ln_c,
             t0_ref, num_ref, out_t, out_p, out_c):
        t0v = t0_ref[...]

        def mean(a, nv, ln):
            corr = (jnp.float32(L) - nv) * t0v
            return jnp.where(ln > 0.0, (a - corr) / ln, 0.0)

        out_t[...] = mean(acc_t[...], nv_t[...], ln_t[...])
        out_p[...] = mean(acc_p[...], nv_p[...], ln_p[...])
        m3 = mean(acc_c[...], nv_c[...], ln_c[...]).reshape(BT, 5, D)
        numv = num_ref[...]
        nmask = (lax.broadcasted_iota(jnp.int32, (BT, 5, 1), 1).astype(
            jnp.float32) < numv[:, :, None])
        s = jnp.sum(jnp.where(nmask, m3, 0.0), axis=1)
        out_c[...] = jnp.where(numv > 0.0, s / numv, 0.0)

    def rows(n):
        return pl.BlockSpec((n, D), lambda i, n=n: (i, 0))

    def rows_off(n, off):
        return pl.BlockSpec((n, D), lambda i, off=off, n=n: (i + off, 0))

    def col(n):
        return pl.BlockSpec((n, 1), lambda i, n=n: (i, 0))

    def col_off(n, off):
        return pl.BlockSpec((n, 1), lambda i, off=off, n=n: (i + off, 0))

    return pl.pallas_call(
        body,
        grid=(GRID,),
        in_specs=[
            rows(BT), col(BT), col(BT),
            rows_off(BT, GRID), col_off(BT, GRID), col_off(BT, GRID),
            rows_off(BC, 2 * GRID // 5), col_off(BC, 2 * GRID // 5),
            col_off(BC, 2 * GRID // 5),
            pl.BlockSpec((1, D), lambda i: (0, 0)),
            col(BT),
        ],
        out_specs=[rows(BT), rows(BT), rows(BT)],
        out_shape=[jax.ShapeDtypeStruct((10240, D), jnp.float32)] * 3,
    )(acc, nval, lens, acc, nval, lens, acc, nval, lens, t0, numc)


def kernel(x_type_bow, x_types, x_type_bow_len, x_path_bow, x_paths,
           x_path_bow_len, x_ctx_ents, x_ctx_ent_len, x_ctx_ent_num,
           embed_weight):
    B, C, _ = x_type_bow.shape
    idx_all = jnp.concatenate([
        x_type_bow.reshape(-1, L),
        x_path_bow.reshape(-1, L),
        x_ctx_ents.reshape(-1, L),
    ], axis=0)
    idx_slab = idx_all.reshape(-1, CH, L).transpose(0, 2, 1)
    len_all = jnp.concatenate([
        x_type_bow_len.reshape(-1),
        x_path_bow_len.reshape(-1),
        x_ctx_ent_len.reshape(-1),
    ])
    len_pad = jnp.pad(len_all.reshape(NCHG, CH), ((0, 0), (0, CHP - CH)))
    table_bf = embed_weight.astype(jnp.bfloat16)
    table32 = lax.bitcast_convert_type(
        table_bf.reshape(V, D // 2, 2), jnp.int32)
    acc, nval = _sc_pool(idx_slab.reshape(-1), len_pad.reshape(-1), table32)
    acc = (acc.reshape(R_ALL, D // 32, 2, 16).transpose(0, 1, 3, 2)
           .reshape(R_ALL, D))
    nval = nval.reshape(NCHG, CHP)[:, :CH].reshape(-1, 1)
    lens_f = len_all.astype(jnp.float32).reshape(-1, 1)
    t0 = embed_weight[0:1, :].astype(jnp.bfloat16).astype(jnp.float32)
    out_t, out_p, out_c = _tc_epilogue(
        acc, nval, lens_f, t0,
        x_ctx_ent_num.reshape(-1, 1).astype(jnp.float32))
    return (out_t.reshape(B, C, D), out_p.reshape(B, C, D),
            out_c.reshape(B, C, D))

# --- scband reference (transcript-rebuilt; emitter-appended) ---
"""Pipeline reference for scband-ans-encoder-75634374082722 (READ-ONLY COPY).

The authoritative reference and input builder live on the scoring server;
editing this copy changes nothing except your own understanding.
"""

import jax, jax.numpy as jnp
import numpy as np

V = 100000
D = 64
VERY_SMALL_NUMBER = 1e-10


def setup_inputs(seed: int = 0) -> dict:
    key = jax.random.key(seed)
    ks = jax.random.split(key, 10)
    inp = {}
    inp["x_type_bow"] = jax.random.randint(ks[0], (1024, 10, 20), 0, V, dtype=jnp.int32)
    inp["x_types"] = jax.random.randint(ks[1], (1024, 10), 0, V, dtype=jnp.int32)
    inp["x_type_bow_len"] = jax.random.randint(ks[2], (1024, 10), 0, 20, dtype=jnp.int32)
    inp["x_path_bow"] = jax.random.randint(ks[3], (1024, 10, 20), 0, V, dtype=jnp.int32)
    inp["x_paths"] = jax.random.randint(ks[4], (1024, 10), 0, V, dtype=jnp.int32)
    inp["x_path_bow_len"] = jax.random.randint(ks[5], (1024, 10), 0, 20, dtype=jnp.int32)
    inp["x_ctx_ents"] = jax.random.randint(ks[6], (1024, 10, 5, 20), 0, V, dtype=jnp.int32)
    inp["x_ctx_ent_len"] = jax.random.randint(ks[7], (1024, 10, 5), 0, 20, dtype=jnp.int32)
    inp["x_ctx_ent_num"] = jax.random.randint(ks[8], (1024, 10), 0, 5, dtype=jnp.int32)
    inp["embed_weight"] = jax.random.uniform(ks[9], (V, D), minval=-0.08, maxval=0.08, dtype=jnp.float32)
    return inp


def _bow_enc(table, x, x_len):
    # x: [R, L] int, x_len: [R] int
    L = x.shape[1]
    mask = (jnp.arange(L)[None, :] < x_len[:, None]).astype(jnp.float32)
    emb = jnp.take(table, x, axis=0)  # [R, L, D]
    num = jnp.sum(emb * mask[..., None], axis=1)
    den = jnp.maximum(jnp.sum(mask, axis=-1, keepdims=True), VERY_SMALL_NUMBER)
    return num / den


def reference(x_type_bow, x_types, x_type_bow_len, x_path_bow, x_paths, x_path_bow_len, x_ctx_ents, x_ctx_ent_len, x_ctx_ent_num, embed_weight):
    # padding_idx=0 -> row 0 of embedding is zero
    pad_mask = (jnp.arange(embed_weight.shape[0]) != 0).astype(embed_weight.dtype)[:, None]
    table = embed_weight * pad_mask

    B, C, L1 = x_type_bow.shape
    ans_type_bow = _bow_enc(table, x_type_bow.reshape(-1, L1), x_type_bow_len.reshape(-1)).reshape(B, C, -1)

    B2, C2, L2 = x_path_bow.shape
    ans_path_bow = _bow_enc(table, x_path_bow.reshape(-1, L2), x_path_bow_len.reshape(-1)).reshape(B2, C2, -1)

    Bc, Cc, Nc, Lc = x_ctx_ents.shape
    ctx_num_mask = (jnp.arange(Nc)[None, :] < x_ctx_ent_num.reshape(-1)[:, None]).astype(jnp.float32).reshape(Bc, Cc, Nc)
    ans_ctx_ent = _bow_enc(table, x_ctx_ents.reshape(-1, Lc), x_ctx_ent_len.reshape(-1)).reshape(Bc, Cc, Nc, -1)
    ans_ctx_ent = ctx_num_mask[..., None] * ans_ctx_ent
    ans_ctx_ent = jnp.sum(ans_ctx_ent, axis=2) / jnp.maximum(x_ctx_ent_num.astype(jnp.float32)[..., None], VERY_SMALL_NUMBER)

    return (ans_type_bow, ans_path_bow, ans_ctx_ent)

if __name__ == "__main__":
    import jax
    _d = setup_inputs()
    print(jax.jit(kernel)(*tuple(_d.values())))

</pallas_src>

<mosaic_0001>
#map = affine_map<(d0, d1) -> (0)>
#map1 = affine_map<(d0, d1) -> (0, 0)>
module attributes {stable_mosaic.version = 14 : i64} {
  func.func @sc_kernel(%arg0: i32, %arg1: i32, %arg2: memref<1433600xi32, #tpu.memory_space<hbm>>, %arg3: memref<81920xi32, #tpu.memory_space<hbm>>, %arg4: memref<100000x32xi32, #tpu.memory_space<hbm>>, %arg5: memref<4587520xf32, #tpu.memory_space<hbm>>, %arg6: memref<81920xf32, #tpu.memory_space<hbm>>, %arg7: memref<4480xi32, #tpu.memory_space<vmem>>, %arg8: memref<256xi32, #tpu.memory_space<vmem>>, %arg9: memref<4480xi32, #tpu.memory_space<vmem>>, %arg10: memref<448x32xi32, #tpu.memory_space<vmem>>, %arg11: memref<14336xf32, #tpu.memory_space<vmem>>, %arg12: memref<256xf32, #tpu.memory_space<vmem>>, %arg13: memref<4x!tpu.dma_semaphore, #tpu.memory_space<semaphore_mem>>, %arg14: memref<!tpu.dma_semaphore, #tpu.memory_space<semaphore_mem>>) attributes {dimension_semantics = [#tpu.dimension_semantics<core_parallel>, #tpu.dimension_semantics<subcore_parallel>], iteration_bounds = array<i64: 2, 16>, scalar_prefetch = 0 : i64, scratch_operands = 8 : i64, tpu.core_type = #tpu.core_type<sc_vector_subcore>, window_params = [{transform_indices = #map}, {transform_indices = #map}, {transform_indices = #map1}, {transform_indices = #map}, {transform_indices = #map}]} {
    %mul3A = arith.constant 2 : i32
    %mul3A_0 = arith.muli %arg1, %mul3A : i32
    %add3A = arith.addi %mul3A_0, %arg0 : i32
    %mul3A_1 = arith.constant 2240 : i32
    %mul3A_2 = arith.muli %add3A, %mul3A_1 : i32
    %scan3A = arith.constant 0 : i32
    %scan3A_3 = arith.constant 10 : i32
    %scan3A_4 = arith.addi %scan3A, %scan3A_3 : i32
    %scan3A_5 = arith.constant 1 : i32
    scf.for %scan3A_14 = %scan3A to %scan3A_4 step %scan3A_5  : i32 {
      %mul3A_15 = arith.constant 224 : i32
      %mul3A_16 = arith.muli %scan3A_14, %mul3A_15 : i32
      %add3A_17 = arith.addi %mul3A_2, %mul3A_16 : i32
      %jit3A = arith.constant 224 : i32
      %div3A = arith.divsi %add3A_17, %jit3A : i32
      %sign3A = arith.constant 0 : i32
      %sign3A_18 = arith.cmpi sgt, %add3A_17, %sign3A : i32
      %sign3A_19 = arith.extui %sign3A_18 : i1 to i32
      %sign3A_20 = arith.constant 0 : i32
      %sign3A_21 = arith.cmpi slt, %add3A_17, %sign3A_20 : i32
      %sign3A_22 = arith.extui %sign3A_21 : i1 to i32
      %sign3A_23 = arith.subi %sign3A_19, %sign3A_22 : i32
      %sign3A_24 = arith.constant 0 : i32
      %sign3A_25 = arith.cmpi sgt, %jit3A, %sign3A_24 : i32
      %sign3A_26 = arith.extui %sign3A_25 : i1 to i32
      %sign3A_27 = arith.constant 0 : i32
      %sign3A_28 = arith.cmpi slt, %jit3A, %sign3A_27 : i32
      %sign3A_29 = arith.extui %sign3A_28 : i1 to i32
      %sign3A_30 = arith.subi %sign3A_26, %sign3A_29 : i32
      %ne3A = arith.cmpi ne, %sign3A_23, %sign3A_30 : i32
      %rem3A = arith.remsi %add3A_17, %jit3A : i32
      %ne3A_31 = arith.constant 0 : i32
      %ne3A_32 = arith.cmpi ne, %rem3A, %ne3A_31 : i32
      %and3A = arith.andi %ne3A, %ne3A_32 : i1
      %sub3A = arith.constant 1 : i32
      %sub3A_33 = arith.subi %div3A, %sub3A : i32
      %select_n3A = arith.select %and3A, %sub3A_33, %div3A : i32
      %gt3A = arith.constant 0 : i32
      %gt3A_34 = arith.cmpi sgt, %scan3A_14, %gt3A : i32
      %convert_element_type3A = arith.extui %gt3A_34 : i1 to i32
      %cond3A = arith.constant 0 : i32
      %cond3A_35 = arith.cmpi ne, %convert_element_type3A, %cond3A : i32
      scf.if %cond3A_35 {
        %dma_wait3A_170 = arith.constant 0 : i32
        %dma_wait3A_171 = tpu.memref_slice %arg5[%dma_wait3A_170] : memref<4587520xf32, #tpu.memory_space<hbm>> -> memref<14336xf32, #tpu.memory_space<hbm>>
        %dma_wait3A_172 = arith.constant 0 : i32
        %dma_wait3A_173 = tpu.memref_slice %arg5[%dma_wait3A_172] : memref<4587520xf32, #tpu.memory_space<hbm>> -> memref<14336xf32, #tpu.memory_space<hbm>>
        tpu.wait_dma2 semaphore(%arg14 : memref<!tpu.dma_semaphore, #tpu.memory_space<semaphore_mem>>) src(%arg11 : memref<14336xf32, #tpu.memory_space<vmem>>) dst(%dma_wait3A_173 : memref<14336xf32, #tpu.memory_space<hbm>>)
        %dma_wait3A_174 = arith.constant 0 : i32
        %dma_wait3A_175 = tpu.memref_slice %arg6[%dma_wait3A_174] : memref<81920xf32, #tpu.memory_space<hbm>> -> memref<256xf32, #tpu.memory_space<hbm>>
        %dma_wait3A_176 = arith.constant 0 : i32
        %dma_wait3A_177 = tpu.memref_slice %arg6[%dma_wait3A_176] : memref<81920xf32, #tpu.memory_space<hbm>> -> memref<256xf32, #tpu.memory_space<hbm>>
        tpu.wait_dma2 semaphore(%arg14 : memref<!tpu.dma_semaphore, #tpu.memory_space<semaphore_mem>>) src(%arg12 : memref<256xf32, #tpu.memory_space<vmem>>) dst(%dma_wait3A_177 : memref<256xf32, #tpu.memory_space<hbm>>)
      } else {
      }
      %mul3A_36 = arith.constant 20 : i32
      %mul3A_37 = arith.muli %add3A_17, %mul3A_36 : i32
      "tpu.region"() ({
        %run_scoped3A = tpu.sem_alloc : memref<!tpu.dma_semaphore, #tpu.memory_space<semaphore_mem>>
        %dma_start3A_170 = tpu.memref_slice %arg2[%mul3A_37] : memref<1433600xi32, #tpu.memory_space<hbm>> -> memref<4480xi32, #tpu.memory_space<hbm>>
        %dma_start3A_171 = tpu.memref_slice %arg2[%mul3A_37] : memref<1433600xi32, #tpu.memory_space<hbm>> -> memref<4480xi32, #tpu.memory_space<hbm>>
        tpu.enqueue_dma source(%dma_start3A_171 : memref<4480xi32, #tpu.memory_space<hbm>>) target(%arg7 : memref<4480xi32, #tpu.memory_space<vmem>>) target_semaphore(%run_scoped3A : memref<!tpu.dma_semaphore, #tpu.memory_space<semaphore_mem>>)
        %dma_wait3A_172 = tpu.memref_slice %arg2[%mul3A_37] : memref<1433600xi32, #tpu.memory_space<hbm>> -> memref<4480xi32, #tpu.memory_space<hbm>>
        %dma_wait3A_173 = tpu.memref_slice %arg2[%mul3A_37] : memref<1433600xi32, #tpu.memory_space<hbm>> -> memref<4480xi32, #tpu.memory_space<hbm>>
        tpu.wait_dma2 semaphore(%run_scoped3A : memref<!tpu.dma_semaphore, #tpu.memory_space<semaphore_mem>>) src(%dma_wait3A_173 : memref<4480xi32, #tpu.memory_space<hbm>>) dst(%arg7 : memref<4480xi32, #tpu.memory_space<vmem>>)
        tpu.yield
      }) : () -> ()
      %mul3A_38 = arith.constant 256 : i32
      %mul3A_39 = arith.muli %select_n3A, %mul3A_38 : i32
      "tpu.region"() ({
        %run_scoped3A = tpu.sem_alloc : memref<!tpu.dma_semaphore, #tpu.memory_space<semaphore_mem>>
        %dma_start3A_170 = tpu.memref_slice %arg3[%mul3A_39] : memref<81920xi32, #tpu.memory_space<hbm>> -> memref<256xi32, #tpu.memory_space<hbm>>
        %dma_start3A_171 = tpu.memref_slice %arg3[%mul3A_39] : memref<81920xi32, #tpu.memory_space<hbm>> -> memref<256xi32, #tpu.memory_space<hbm>>
        tpu.enqueue_dma source(%dma_start3A_171 : memref<256xi32, #tpu.memory_space<hbm>>) target(%arg8 : memref<256xi32, #tpu.memory_space<vmem>>) target_semaphore(%run_scoped3A : memref<!tpu.dma_semaphore, #tpu.memory_space<semaphore_mem>>)
        %dma_wait3A_172 = tpu.memref_slice %arg3[%mul3A_39] : memref<81920xi32, #tpu.memory_space<hbm>> -> memref<256xi32, #tpu.memory_space<hbm>>
        %dma_wait3A_173 = tpu.memref_slice %arg3[%mul3A_39] : memref<81920xi32, #tpu.memory_space<hbm>> -> memref<256xi32, #tpu.memory_space<hbm>>
        tpu.wait_dma2 semaphore(%run_scoped3A : memref<!tpu.dma_semaphore, #tpu.memory_space<semaphore_mem>>) src(%dma_wait3A_173 : memref<256xi32, #tpu.memory_space<hbm>>) dst(%arg8 : memref<256xi32, #tpu.memory_space<vmem>>)
        tpu.yield
      }) : () -> ()
      %scan3A_40 = arith.constant 0 : i32
      %scan3A_41 = arith.constant 14 : i32
      %scan3A_42 = arith.addi %scan3A_40, %scan3A_41 : i32
      %scan3A_43 = arith.constant 1 : i32
      scf.for %scan3A_170 = %scan3A_40 to %scan3A_42 step %scan3A_43  : i32 {
        %mul3A_171 = arith.constant 16 : i32
        %mul3A_172 = arith.muli %scan3A_170, %mul3A_171 : i32
        %get3A = arith.index_cast %mul3A_172 : i32 to index
        %get3A_173 = tpu.vector_load %arg8[%get3A] {strides = array<i32>} : memref<256xi32, #tpu.memory_space<vmem>>, vector<16xi32>,
        %jit3A_174 = arith.constant 7 : i32
        %div3A_175 = arith.divsi %scan3A_170, %jit3A_174 : i32
        %sign3A_176 = arith.constant 0 : i32
        %sign3A_177 = arith.cmpi sgt, %scan3A_170, %sign3A_176 : i32
        %sign3A_178 = arith.extui %sign3A_177 : i1 to i32
        %sign3A_179 = arith.constant 0 : i32
        %sign3A_180 = arith.cmpi slt, %scan3A_170, %sign3A_179 : i32
        %sign3A_181 = arith.extui %sign3A_180 : i1 to i32
        %sign3A_182 = arith.subi %sign3A_178, %sign3A_181 : i32
        %sign3A_183 = arith.constant 0 : i32
        %sign3A_184 = arith.cmpi sgt, %jit3A_174, %sign3A_183 : i32
        %sign3A_185 = arith.extui %sign3A_184 : i1 to i32
        %sign3A_186 = arith.constant 0 : i32
        %sign3A_187 = arith.cmpi slt, %jit3A_174, %sign3A_186 : i32
        %sign3A_188 = arith.extui %sign3A_187 : i1 to i32
        %sign3A_189 = arith.subi %sign3A_185, %sign3A_188 : i32
        %ne3A_190 = arith.cmpi ne, %sign3A_182, %sign3A_189 : i32
        %rem3A_191 = arith.remsi %scan3A_170, %jit3A_174 : i32
        %ne3A_192 = arith.constant 0 : i32
        %ne3A_193 = arith.cmpi ne, %rem3A_191, %ne3A_192 : i32
        %and3A_194 = arith.andi %ne3A_190, %ne3A_193 : i1
        %sub3A_195 = arith.constant 1 : i32
        %sub3A_196 = arith.subi %div3A_175, %sub3A_195 : i32
        %select_n3A_197 = arith.select %and3A_194, %sub3A_196, %div3A_175 : i32
        %mul3A_198 = arith.constant 7 : i32
        %mul3A_199 = arith.muli %select_n3A_197, %mul3A_198 : i32
        %sub3A_200 = arith.subi %scan3A_170, %mul3A_199 : i32
        %mul3A_201 = arith.constant 16 : i32
        %mul3A_202 = arith.muli %sub3A_200, %mul3A_201 : i32
        %broadcast_in_dim3A = arith.constant 0 : i32
        %broadcast_in_dim3A_203 = vector.broadcast %broadcast_in_dim3A : i32 to vector<16xi32>
        %mul3A_204 = arith.constant 16 : i32
        %mul3A_205 = arith.muli %scan3A_170, %mul3A_204 : i32
        %add3A_206 = arith.constant 0 : i32
        %add3A_207 = arith.addi %add3A_206, %mul3A_205 : i32
        %get3A_208 = arith.index_cast %add3A_207 : i32 to index
        %get3A_209 = tpu.vector_load %arg7[%get3A_208] {strides = array<i32>} : memref<4480xi32, #tpu.memory_space<vmem>>, vector<16xi32>,
        %gt3A_210 = arith.constant 0 : i32
        %gt3A_211 = vector.broadcast %gt3A_210 : i32 to vector<16xi32>
        %gt3A_212 = arith.cmpi sgt, %get3A_173, %gt3A_211 : vector<16xi32>
        %ne3A_213 = arith.constant 0 : i32
        %ne3A_214 = vector.broadcast %ne3A_213 : i32 to vector<16xi32>
        %ne3A_215 = arith.cmpi ne, %get3A_209, %ne3A_214 : vector<16xi32>
        %and3A_216 = arith.andi %gt3A_212, %ne3A_215 : vector<16xi1>
        %convert_element_type3A_217 = arith.extui %and3A_216 : vector<16xi1> to vector<16xi32>
        %add3A_218 = arith.addi %broadcast_in_dim3A_203, %convert_element_type3A_217 : vector<16xi32>
        %jit3A_219 = arith.constant 0 : i32
        %broadcast_in_dim3A_220 = vector.broadcast %jit3A_219 : i32 to vector<16xi32>
        %select_n3A_221 = arith.select %and3A_216, %get3A_209, %broadcast_in_dim3A_220 : vector<16xi1>, vector<16xi32>
        %mul3A_222 = arith.constant 112 : i32
        %mul3A_223 = arith.muli %select_n3A_197, %mul3A_222 : i32
        %add3A_224 = arith.constant 0 : i32
        %add3A_225 = arith.addi %add3A_224, %mul3A_223 : i32
        %add3A_226 = arith.addi %add3A_225, %mul3A_202 : i32
        %swap3A = arith.index_cast %add3A_226 : i32 to index
        %swap3A_227 = tpu.vector_load %arg9[%swap3A] {strides = array<i32>} : memref<4480xi32, #tpu.memory_space<vmem>>, vector<16xi32>,
        tpu.vector_store %arg9[%swap3A], %select_n3A_221 {strides = array<i32>} : memref<4480xi32, #tpu.memory_space<vmem>>, vector<16xi32>,
        %mul3A_228 = arith.constant 16 : i32
        %mul3A_229 = arith.muli %scan3A_170, %mul3A_228 : i32
        %add3A_230 = arith.constant 224 : i32
        %add3A_231 = arith.addi %add3A_230, %mul3A_229 : i32
        %get3A_232 = arith.index_cast %add3A_231 : i32 to index
        %get3A_233 = tpu.vector_load %arg7[%get3A_232] {strides = array<i32>} : memref<4480xi32, #tpu.memory_space<vmem>>, vector<16xi32>,
        %gt3A_234 = arith.constant 1 : i32
        %gt3A_235 = vector.broadcast %gt3A_234 : i32 to vector<16xi32>
        %gt3A_236 = arith.cmpi sgt, %get3A_173, %gt3A_235 : vector<16xi32>
        %ne3A_237 = arith.constant 0 : i32
        %ne3A_238 = vector.broadcast %ne3A_237 : i32 to vector<16xi32>
        %ne3A_239 = arith.cmpi ne, %get3A_233, %ne3A_238 : vector<16xi32>
        %and3A_240 = arith.andi %gt3A_236, %ne3A_239 : vector<16xi1>
        %convert_element_type3A_241 = arith.extui %and3A_240 : vector<16xi1> to vector<16xi32>
        %add3A_242 = arith.addi %add3A_218, %convert_element_type3A_241 : vector<16xi32>
        %jit3A_243 = arith.constant 0 : i32
        %broadcast_in_dim3A_244 = vector.broadcast %jit3A_243 : i32 to vector<16xi32>
        %select_n3A_245 = arith.select %and3A_240, %get3A_233, %broadcast_in_dim3A_244 : vector<16xi1>, vector<16xi32>
        %mul3A_246 = arith.constant 112 : i32
        %mul3A_247 = arith.muli %select_n3A_197, %mul3A_246 : i32
        %add3A_248 = arith.constant 224 : i32
        %add3A_249 = arith.addi %add3A_248, %mul3A_247 : i32
        %add3A_250 = arith.addi %add3A_249, %mul3A_202 : i32
        %swap3A_251 = arith.index_cast %add3A_250 : i32 to index
        %swap3A_252 = tpu.vector_load %arg9[%swap3A_251] {strides = array<i32>} : memref<4480xi32, #tpu.memory_space<vmem>>, vector<16xi32>,
        tpu.vector_store %arg9[%swap3A_251], %select_n3A_245 {strides = array<i32>} : memref<4480xi32, #tpu.memory_space<vmem>>, vector<16xi32>,
        %mul3A_253 = arith.constant 16 : i32
        %mul3A_254 = arith.muli %scan3A_170, %mul3A_253 : i32
        %add3A_255 = arith.constant 448 : i32
        %add3A_256 = arith.addi %add3A_255, %mul3A_254 : i32
        %get3A_257 = arith.index_cast %add3A_256 : i32 to index
        %get3A_258 = tpu.vector_load %arg7[%get3A_257] {strides = array<i32>} : memref<4480xi32, #tpu.memory_space<vmem>>, vector<16xi32>,
        %gt3A_259 = arith.constant 2 : i32
        %gt3A_260 = vector.broadcast %gt3A_259 : i32 to vector<16xi32>
        %gt3A_261 = arith.cmpi sgt, %get3A_173, %gt3A_260 : vector<16xi32>
        %ne3A_262 = arith.constant 0 : i32
        %ne3A_263 = vector.broadcast %ne3A_262 : i32 to vector<16xi32>
        %ne3A_264 = arith.cmpi ne, %get3A_258, %ne3A_263 : vector<16xi32>
        %and3A_265 = arith.andi %gt3A_261, %ne3A_264 : vector<16xi1>
        %convert_element_type3A_266 = arith.extui %and3A_265 : vector<16xi1> to vector<16xi32>
        %add3A_267 = arith.addi %add3A_242, %convert_element_type3A_266 : vector<16xi32>
        %jit3A_268 = arith.constant 0 : i32
        %broadcast_in_dim3A_269 = vector.broadcast %jit3A_268 : i32 to vector<16xi32>
        %select_n3A_270 = arith.select %and3A_265, %get3A_258, %broadcast_in_dim3A_269 : vector<16xi1>, vector<16xi32>
        %mul3A_271 = arith.constant 112 : i32
        %mul3A_272 = arith.muli %select_n3A_197, %mul3A_271 : i32
        %add3A_273 = arith.constant 448 : i32
        %add3A_274 = arith.addi %add3A_273, %mul3A_272 : i32
        %add3A_275 = arith.addi %add3A_274, %mul3A_202 : i32
        %swap3A_276 = arith.index_cast %add3A_275 : i32 to index
        %swap3A_277 = tpu.vector_load %arg9[%swap3A_276] {strides = array<i32>} : memref<4480xi32, #tpu.memory_space<vmem>>, vector<16xi32>,
        tpu.vector_store %arg9[%swap3A_276], %select_n3A_270 {strides = array<i32>} : memref<4480xi32, #tpu.memory_space<vmem>>, vector<16xi32>,
        %mul3A_278 = arith.constant 16 : i32
        %mul3A_279 = arith.muli %scan3A_170, %mul3A_278 : i32
        %add3A_280 = arith.constant 672 : i32
        %add3A_281 = arith.addi %add3A_280, %mul3A_279 : i32
        %get3A_282 = arith.index_cast %add3A_281 : i32 to index
        %get3A_283 = tpu.vector_load %arg7[%get3A_282] {strides = array<i32>} : memref<4480xi32, #tpu.memory_space<vmem>>, vector<16xi32>,
        %gt3A_284 = arith.constant 3 : i32
        %gt3A_285 = vector.broadcast %gt3A_284 : i32 to vector<16xi32>
        %gt3A_286 = arith.cmpi sgt, %get3A_173, %gt3A_285 : vector<16xi32>
        %ne3A_287 = arith.constant 0 : i32
        %ne3A_288 = vector.broadcast %ne3A_287 : i32 to vector<16xi32>
        %ne3A_289 = arith.cmpi ne, %get3A_283, %ne3A_288 : vector<16xi32>
        %and3A_290 = arith.andi %gt3A_286, %ne3A_289 : vector<16xi1>
        %convert_element_type3A_291 = arith.extui %and3A_290 : vector<16xi1> to vector<16xi32>
        %add3A_292 = arith.addi %add3A_267, %convert_element_type3A_291 : vector<16xi32>
        %jit3A_293 = arith.constant 0 : i32
        %broadcast_in_dim3A_294 = vector.broadcast %jit3A_293 : i32 to vector<16xi32>
        %select_n3A_295 = arith.select %and3A_290, %get3A_283, %broadcast_in_dim3A_294 : vector<16xi1>, vector<16xi32>
        %mul3A_296 = arith.constant 112 : i32
        %mul3A_297 = arith.muli %select_n3A_197, %mul3A_296 : i32
        %add3A_298 = arith.constant 672 : i32
        %add3A_299 = arith.addi %add3A_298, %mul3A_297 : i32
        %add3A_300 = arith.addi %add3A_299, %mul3A_202 : i32
        %swap3A_301 = arith.index_cast %add3A_300 : i32 to index
        %swap3A_302 = tpu.vector_load %arg9[%swap3A_301] {strides = array<i32>} : memref<4480xi32, #tpu.memory_space<vmem>>, vector<16xi32>,
        tpu.vector_store %arg9[%swap3A_301], %select_n3A_295 {strides = array<i32>} : memref<4480xi32, #tpu.memory_space<vmem>>, vector<16xi32>,
        %mul3A_303 = arith.constant 16 : i32
        %mul3A_304 = arith.muli %scan3A_170, %mul3A_303 : i32
        %add3A_305 = arith.constant 896 : i32
        %add3A_306 = arith.addi %add3A_305, %mul3A_304 : i32
        %get3A_307 = arith.index_cast %add3A_306 : i32 to index
        %get3A_308 = tpu.vector_load %arg7[%get3A_307] {strides = array<i32>} : memref<4480xi32, #tpu.memory_space<vmem>>, vector<16xi32>,
        %gt3A_309 = arith.constant 4 : i32
        %gt3A_310 = vector.broadcast %gt3A_309 : i32 to vector<16xi32>
        %gt3A_311 = arith.cmpi sgt, %get3A_173, %gt3A_310 : vector<16xi32>
        %ne3A_312 = arith.constant 0 : i32
        %ne3A_313 = vector.broadcast %ne3A_312 : i32 to vector<16xi32>
        %ne3A_314 = arith.cmpi ne, %get3A_308, %ne3A_313 : vector<16xi32>
        %and3A_315 = arith.andi %gt3A_311, %ne3A_314 : vector<16xi1>
        %convert_element_type3A_316 = arith.extui %and3A_315 : vector<16xi1> to vector<16xi32>
        %add3A_317 = arith.addi %add3A_292, %convert_element_type3A_316 : vector<16xi32>
        %jit3A_318 = arith.constant 0 : i32
        %broadcast_in_dim3A_319 = vector.broadcast %jit3A_318 : i32 to vector<16xi32>
        %select_n3A_320 = arith.select %and3A_315, %get3A_308, %broadcast_in_dim3A_319 : vector<16xi1>, vector<16xi32>
        %mul3A_321 = arith.constant 112 : i32
        %mul3A_322 = arith.muli %select_n3A_197, %mul3A_321 : i32
        %add3A_323 = arith.constant 896 : i32
        %add3A_324 = arith.addi %add3A_323, %mul3A_322 : i32
        %add3A_325 = arith.addi %add3A_324, %mul3A_202 : i32
        %swap3A_326 = arith.index_cast %add3A_325 : i32 to index
        %swap3A_327 = tpu.vector_load %arg9[%swap3A_326] {strides = array<i32>} : memref<4480xi32, #tpu.memory_space<vmem>>, vector<16xi32>,
        tpu.vector_store %arg9[%swap3A_326], %select_n3A_320 {strides = array<i32>} : memref<4480xi32, #tpu.memory_space<vmem>>, vector<16xi32>,
        %mul3A_328 = arith.constant 16 : i32
        %mul3A_329 = arith.muli %scan3A_170, %mul3A_328 : i32
        %add3A_330 = arith.constant 1120 : i32
        %add3A_331 = arith.addi %add3A_330, %mul3A_329 : i32
        %get3A_332 = arith.index_cast %add3A_331 : i32 to index
        %get3A_333 = tpu.vector_load %arg7[%get3A_332] {strides = array<i32>} : memref<4480xi32, #tpu.memory_space<vmem>>, vector<16xi32>,
        %gt3A_334 = arith.constant 5 : i32
        %gt3A_335 = vector.broadcast %gt3A_334 : i32 to vector<16xi32>
        %gt3A_336 = arith.cmpi sgt, %get3A_173, %gt3A_335 : vector<16xi32>
        %ne3A_337 = arith.constant 0 : i32
        %ne3A_338 = vector.broadcast %ne3A_337 : i32 to vector<16xi32>
        %ne3A_339 = arith.cmpi ne, %get3A_333, %ne3A_338 : vector<16xi32>
        %and3A_340 = arith.andi %gt3A_336, %ne3A_339 : vector<16xi1>
        %convert_element_type3A_341 = arith.extui %and3A_340 : vector<16xi1> to vector<16xi32>
        %add3A_342 = arith.addi %add3A_317, %convert_element_type3A_341 : vector<16xi32>
        %jit3A_343 = arith.constant 0 : i32
        %broadcast_in_dim3A_344 = vector.broadcast %jit3A_343 : i32 to vector<16xi32>
        %select_n3A_345 = arith.select %and3A_340, %get3A_333, %broadcast_in_dim3A_344 : vector<16xi1>, vector<16xi32>
        %mul3A_346 = arith.constant 112 : i32
        %mul3A_347 = arith.muli %select_n3A_197, %mul3A_346 : i32
        %add3A_348 = arith.constant 1120 : i32
        %add3A_349 = arith.addi %add3A_348, %mul3A_347 : i32
        %add3A_350 = arith.addi %add3A_349, %mul3A_202 : i32
        %swap3A_351 = arith.index_cast %add3A_350 : i32 to index
        %swap3A_352 = tpu.vector_load %arg9[%swap3A_351] {strides = array<i32>} : memref<4480xi32, #tpu.memory_space<vmem>>, vector<16xi32>,
        tpu.vector_store %arg9[%swap3A_351], %select_n3A_345 {strides = array<i32>} : memref<4480xi32, #tpu.memory_space<vmem>>, vector<16xi32>,
        %mul3A_353 = arith.constant 16 : i32
        %mul3A_354 = arith.muli %scan3A_170, %mul3A_353 : i32
        %add3A_355 = arith.constant 1344 : i32
        %add3A_356 = arith.addi %add3A_355, %mul3A_354 : i32
        %get3A_357 = arith.index_cast %add3A_356 : i32 to index
        %get3A_358 = tpu.vector_load %arg7[%get3A_357] {strides = array<i32>} : memref<4480xi32, #tpu.memory_space<vmem>>, vector<16xi32>,
        %gt3A_359 = arith.constant 6 : i32
        %gt3A_360 = vector.broadcast %gt3A_359 : i32 to vector<16xi32>
        %gt3A_361 = arith.cmpi sgt, %get3A_173, %gt3A_360 : vector<16xi32>
        %ne3A_362 = arith.constant 0 : i32
        %ne3A_363 = vector.broadcast %ne3A_362 : i32 to vector<16xi32>
        %ne3A_364 = arith.cmpi ne, %get3A_358, %ne3A_363 : vector<16xi32>
        %and3A_365 = arith.andi %gt3A_361, %ne3A_364 : vector<16xi1>
        %convert_element_type3A_366 = arith.extui %and3A_365 : vector<16xi1> to vector<16xi32>
        %add3A_367 = arith.addi %add3A_342, %convert_element_type3A_366 : vector<16xi32>
        %jit3A_368 = arith.constant 0 : i32
        %broadcast_in_dim3A_369 = vector.broadcast %jit3A_368 : i32 to vector<16xi32>
        %select_n3A_370 = arith.select %and3A_365, %get3A_358, %broadcast_in_dim3A_369 : vector<16xi1>, vector<16xi32>
        %mul3A_371 = arith.constant 112 : i32
        %mul3A_372 = arith.muli %select_n3A_197, %mul3A_371 : i32
        %add3A_373 = arith.constant 1344 : i32
        %add3A_374 = arith.addi %add3A_373, %mul3A_372 : i32
        %add3A_375 = arith.addi %add3A_374, %mul3A_202 : i32
        %swap3A_376 = arith.index_cast %add3A_375 : i32 to index
        %swap3A_377 = tpu.vector_load %arg9[%swap3A_376] {strides = array<i32>} : memref<4480xi32, #tpu.memory_space<vmem>>, vector<16xi32>,
        tpu.vector_store %arg9[%swap3A_376], %select_n3A_370 {strides = array<i32>} : memref<4480xi32, #tpu.memory_space<vmem>>, vector<16xi32>,
        %mul3A_378 = arith.constant 16 : i32
        %mul3A_379 = arith.muli %scan3A_170, %mul3A_378 : i32
        %add3A_380 = arith.constant 1568 : i32
        %add3A_381 = arith.addi %add3A_380, %mul3A_379 : i32
        %get3A_382 = arith.index_cast %add3A_381 : i32 to index
        %get3A_383 = tpu.vector_load %arg7[%get3A_382] {strides = array<i32>} : memref<4480xi32, #tpu.memory_space<vmem>>, vector<16xi32>,
        %gt3A_384 = arith.constant 7 : i32
        %gt3A_385 = vector.broadcast %gt3A_384 : i32 to vector<16xi32>
        %gt3A_386 = arith.cmpi sgt, %get3A_173, %gt3A_385 : vector<16xi32>
        %ne3A_387 = arith.constant 0 : i32
        %ne3A_388 = vector.broadcast %ne3A_387 : i32 to vector<16xi32>
        %ne3A_389 = arith.cmpi ne, %get3A_383, %ne3A_388 : vector<16xi32>
        %and3A_390 = arith.andi %gt3A_386, %ne3A_389 : vector<16xi1>
        %convert_element_type3A_391 = arith.extui %and3A_390 : vector<16xi1> to vector<16xi32>
        %add3A_392 = arith.addi %add3A_367, %convert_element_type3A_391 : vector<16xi32>
        %jit3A_393 = arith.constant 0 : i32
        %broadcast_in_dim3A_394 = vector.broadcast %jit3A_393 : i32 to vector<16xi32>
        %select_n3A_395 = arith.select %and3A_390, %get3A_383, %broadcast_in_dim3A_394 : vector<16xi1>, vector<16xi32>
        %mul3A_396 = arith.constant 112 : i32
        %mul3A_397 = arith.muli %select_n3A_197, %mul3A_396 : i32
        %add3A_398 = arith.constant 1568 : i32
        %add3A_399 = arith.addi %add3A_398, %mul3A_397 : i32
        %add3A_400 = arith.addi %add3A_399, %mul3A_202 : i32
        %swap3A_401 = arith.index_cast %add3A_400 : i32 to index
        %swap3A_402 = tpu.vector_load %arg9[%swap3A_401] {strides = array<i32>} : memref<4480xi32, #tpu.memory_space<vmem>>, vector<16xi32>,
        tpu.vector_store %arg9[%swap3A_401], %select_n3A_395 {strides = array<i32>} : memref<4480xi32, #tpu.memory_space<vmem>>, vector<16xi32>,
        %mul3A_403 = arith.constant 16 : i32
        %mul3A_404 = arith.muli %scan3A_170, %mul3A_403 : i32
        %add3A_405 = arith.constant 1792 : i32
        %add3A_406 = arith.addi %add3A_405, %mul3A_404 : i32
        %get3A_407 = arith.index_cast %add3A_406 : i32 to index
        %get3A_408 = tpu.vector_load %arg7[%get3A_407] {strides = array<i32>} : memref<4480xi32, #tpu.memory_space<vmem>>, vector<16xi32>,
        %gt3A_409 = arith.constant 8 : i32
        %gt3A_410 = vector.broadcast %gt3A_409 : i32 to vector<16xi32>
        %gt3A_411 = arith.cmpi sgt, %get3A_173, %gt3A_410 : vector<16xi32>
        %ne3A_412 = arith.constant 0 : i32
        %ne3A_413 = vector.broadcast %ne3A_412 : i32 to vector<16xi32>
        %ne3A_414 = arith.cmpi ne, %get3A_408, %ne3A_413 : vector<16xi32>
        %and3A_415 = arith.andi %gt3A_411, %ne3A_414 : vector<16xi1>
        %convert_element_type3A_416 = arith.extui %and3A_415 : vector<16xi1> to vector<16xi32>
        %add3A_417 = arith.addi %add3A_392, %convert_element_type3A_416 : vector<16xi32>
        %jit3A_418 = arith.constant 0 : i32
        %broadcast_in_dim3A_419 = vector.broadcast %jit3A_418 : i32 to vector<16xi32>
        %select_n3A_420 = arith.select %and3A_415, %get3A_408, %broadcast_in_dim3A_419 : vector<16xi1>, vector<16xi32>
        %mul3A_421 = arith.constant 112 : i32
        %mul3A_422 = arith.muli %select_n3A_197, %mul3A_421 : i32
        %add3A_423 = arith.constant 1792 : i32
        %add3A_424 = arith.addi %add3A_423, %mul3A_422 : i32
        %add3A_425 = arith.addi %add3A_424, %mul3A_202 : i32
        %swap3A_426 = arith.index_cast %add3A_425 : i32 to index
        %swap3A_427 = tpu.vector_load %arg9[%swap3A_426] {strides = array<i32>} : memref<4480xi32, #tpu.memory_space<vmem>>, vector<16xi32>,
        tpu.vector_store %arg9[%swap3A_426], %select_n3A_420 {strides = array<i32>} : memref<4480xi32, #tpu.memory_space<vmem>>, vector<16xi32>,
        %mul3A_428 = arith.constant 16 : i32
        %mul3A_429 = arith.muli %scan3A_170, %mul3A_428 : i32
        %add3A_430 = arith.constant 2016 : i32
        %add3A_431 = arith.addi %add3A_430, %mul3A_429 : i32
        %get3A_432 = arith.index_cast %add3A_431 : i32 to index
        %get3A_433 = tpu.vector_load %arg7[%get3A_432] {strides = array<i32>} : memref<4480xi32, #tpu.memory_space<vmem>>, vector<16xi32>,
        %gt3A_434 = arith.constant 9 : i32
        %gt3A_435 = vector.broadcast %gt3A_434 : i32 to vector<16xi32>
        %gt3A_436 = arith.cmpi sgt, %get3A_173, %gt3A_435 : vector<16xi32>
        %ne3A_437 = arith.constant 0 : i32
        %ne3A_438 = vector.broadcast %ne3A_437 : i32 to vector<16xi32>
        %ne3A_439 = arith.cmpi ne, %get3A_433, %ne3A_438 : vector<16xi32>
        %and3A_440 = arith.andi %gt3A_436, %ne3A_439 : vector<16xi1>
        %convert_element_type3A_441 = arith.extui %and3A_440 : vector<16xi1> to vector<16xi32>
        %add3A_442 = arith.addi %add3A_417, %convert_element_type3A_441 : vector<16xi32>
        %jit3A_443 = arith.constant 0 : i32
        %broadcast_in_dim3A_444 = vector.broadcast %jit3A_443 : i32 to vector<16xi32>
        %select_n3A_445 = arith.select %and3A_440, %get3A_433, %broadcast_in_dim3A_444 : vector<16xi1>, vector<16xi32>
        %mul3A_446 = arith.constant 112 : i32
        %mul3A_447 = arith.muli %select_n3A_197, %mul3A_446 : i32
        %add3A_448 = arith.constant 2016 : i32
        %add3A_449 = arith.addi %add3A_448, %mul3A_447 : i32
        %add3A_450 = arith.addi %add3A_449, %mul3A_202 : i32
        %swap3A_451 = arith.index_cast %add3A_450 : i32 to index
        %swap3A_452 = tpu.vector_load %arg9[%swap3A_451] {strides = array<i32>} : memref<4480xi32, #tpu.memory_space<vmem>>, vector<16xi32>,
        tpu.vector_store %arg9[%swap3A_451], %select_n3A_445 {strides = array<i32>} : memref<4480xi32, #tpu.memory_space<vmem>>, vector<16xi32>,
        %mul3A_453 = arith.constant 16 : i32
        %mul3A_454 = arith.muli %scan3A_170, %mul3A_453 : i32
        %add3A_455 = arith.constant 2240 : i32
        %add3A_456 = arith.addi %add3A_455, %mul3A_454 : i32
        %get3A_457 = arith.index_cast %add3A_456 : i32 to index
        %get3A_458 = tpu.vector_load %arg7[%get3A_457] {strides = array<i32>} : memref<4480xi32, #tpu.memory_space<vmem>>, vector<16xi32>,
        %gt3A_459 = arith.constant 10 : i32
        %gt3A_460 = vector.broadcast %gt3A_459 : i32 to vector<16xi32>
        %gt3A_461 = arith.cmpi sgt, %get3A_173, %gt3A_460 : vector<16xi32>
        %ne3A_462 = arith.constant 0 : i32
        %ne3A_463 = vector.broadcast %ne3A_462 : i32 to vector<16xi32>
        %ne3A_464 = arith.cmpi ne, %get3A_458, %ne3A_463 : vector<16xi32>
        %and3A_465 = arith.andi %gt3A_461, %ne3A_464 : vector<16xi1>
        %convert_element_type3A_466 = arith.extui %and3A_465 : vector<16xi1> to vector<16xi32>
        %add3A_467 = arith.addi %add3A_442, %convert_element_type3A_466 : vector<16xi32>
        %jit3A_468 = arith.constant 0 : i32
        %broadcast_in_dim3A_469 = vector.broadcast %jit3A_468 : i32 to vector<16xi32>
        %select_n3A_470 = arith.select %and3A_465, %get3A_458, %broadcast_in_dim3A_469 : vector<16xi1>, vector<16xi32>
        %mul3A_471 = arith.constant 112 : i32
        %mul3A_472 = arith.muli %select_n3A_197, %mul3A_471 : i32
        %add3A_473 = arith.constant 2240 : i32
        %add3A_474 = arith.addi %add3A_473, %mul3A_472 : i32
        %add3A_475 = arith.addi %add3A_474, %mul3A_202 : i32
        %swap3A_476 = arith.index_cast %add3A_475 : i32 to index
        %swap3A_477 = tpu.vector_load %arg9[%swap3A_476] {strides = array<i32>} : memref<4480xi32, #tpu.memory_space<vmem>>, vector<16xi32>,
        tpu.vector_store %arg9[%swap3A_476], %select_n3A_470 {strides = array<i32>} : memref<4480xi32, #tpu.memory_space<vmem>>, vector<16xi32>,
        %mul3A_478 = arith.constant 16 : i32
        %mul3A_479 = arith.muli %scan3A_170, %mul3A_478 : i32
        %add3A_480 = arith.constant 2464 : i32
        %add3A_481 = arith.addi %add3A_480, %mul3A_479 : i32
        %get3A_482 = arith.index_cast %add3A_481 : i32 to index
        %get3A_483 = tpu.vector_load %arg7[%get3A_482] {strides = array<i32>} : memref<4480xi32, #tpu.memory_space<vmem>>, vector<16xi32>,
        %gt3A_484 = arith.constant 11 : i32
        %gt3A_485 = vector.broadcast %gt3A_484 : i32 to vector<16xi32>
        %gt3A_486 = arith.cmpi sgt, %get3A_173, %gt3A_485 : vector<16xi32>
        %ne3A_487 = arith.constant 0 : i32
        %ne3A_488 = vector.broadcast %ne3A_487 : i32 to vector<16xi32>
        %ne3A_489 = arith.cmpi ne, %get3A_483, %ne3A_488 : vector<16xi32>
        %and3A_490 = arith.andi %gt3A_486, %ne3A_489 : vector<16xi1>
        %convert_element_type3A_491 = arith.extui %and3A_490 : vector<16xi1> to vector<16xi32>
        %add3A_492 = arith.addi %add3A_467, %convert_element_type3A_491 : vector<16xi32>
        %jit3A_493 = arith.constant 0 : i32
        %broadcast_in_dim3A_494 = vector.broadcast %jit3A_493 : i32 to vector<16xi32>
        %select_n3A_495 = arith.select %and3A_490, %get3A_483, %broadcast_in_dim3A_494 : vector<16xi1>, vector<16xi32>
        %mul3A_496 = arith.constant 112 : i32
        %mul3A_497 = arith.muli %select_n3A_197, %mul3A_496 : i32
        %add3A_498 = arith.constant 2464 : i32
        %add3A_499 = arith.addi %add3A_498, %mul3A_497 : i32
        %add3A_500 = arith.addi %add3A_499, %mul3A_202 : i32
        %swap3A_501 = arith.index_cast %add3A_500 : i32 to index
        %swap3A_502 = tpu.vector_load %arg9[%swap3A_501] {strides = array<i32>} : memref<4480xi32, #tpu.memory_space<vmem>>, vector<16xi32>,
        tpu.vector_store %arg9[%swap3A_501], %select_n3A_495 {strides = array<i32>} : memref<4480xi32, #tpu.memory_space<vmem>>, vector<16xi32>,
        %mul3A_503 = arith.constant 16 : i32
        %mul3A_504 = arith.muli %scan3A_170, %mul3A_503 : i32
        %add3A_505 = arith.constant 2688 : i32
        %add3A_506 = arith.addi %add3A_505, %mul3A_504 : i32
        %get3A_507 = arith.index_cast %add3A_506 : i32 to index
        %get3A_508 = tpu.vector_load %arg7[%get3A_507] {strides = array<i32>} : memref<4480xi32, #tpu.memory_space<vmem>>, vector<16xi32>,
        %gt3A_509 = arith.constant 12 : i32
        %gt3A_510 = vector.broadcast %gt3A_509 : i32 to vector<16xi32>
        %gt3A_511 = arith.cmpi sgt, %get3A_173, %gt3A_510 : vector<16xi32>
        %ne3A_512 = arith.constant 0 : i32
        %ne3A_513 = vector.broadcast %ne3A_512 : i32 to vector<16xi32>
        %ne3A_514 = arith.cmpi ne, %get3A_508, %ne3A_513 : vector<16xi32>
        %and3A_515 = arith.andi %gt3A_511, %ne3A_514 : vector<16xi1>
        %convert_element_type3A_516 = arith.extui %and3A_515 : vector<16xi1> to vector<16xi32>
        %add3A_517 = arith.addi %add3A_492, %convert_element_type3A_516 : vector<16xi32>
        %jit3A_518 = arith.constant 0 : i32
        %broadcast_in_dim3A_519 = vector.broadcast %jit3A_518 : i32 to vector<16xi32>
        %select_n3A_520 = arith.select %and3A_515, %get3A_508, %broadcast_in_dim3A_519 : vector<16xi1>, vector<16xi32>
        %mul3A_521 = arith.constant 112 : i32
        %mul3A_522 = arith.muli %select_n3A_197, %mul3A_521 : i32
        %add3A_523 = arith.constant 2688 : i32
        %add3A_524 = arith.addi %add3A_523, %mul3A_522 : i32
        %add3A_525 = arith.addi %add3A_524, %mul3A_202 : i32
        %swap3A_526 = arith.index_cast %add3A_525 : i32 to index
        %swap3A_527 = tpu.vector_load %arg9[%swap3A_526] {strides = array<i32>} : memref<4480xi32, #tpu.memory_space<vmem>>, vector<16xi32>,
        tpu.vector_store %arg9[%swap3A_526], %select_n3A_520 {strides = array<i32>} : memref<4480xi32, #tpu.memory_space<vmem>>, vector<16xi32>,
        %mul3A_528 = arith.constant 16 : i32
        %mul3A_529 = arith.muli %scan3A_170, %mul3A_528 : i32
        %add3A_530 = arith.constant 2912 : i32
        %add3A_531 = arith.addi %add3A_530, %mul3A_529 : i32
        %get3A_532 = arith.index_cast %add3A_531 : i32 to index
        %get3A_533 = tpu.vector_load %arg7[%get3A_532] {strides = array<i32>} : memref<4480xi32, #tpu.memory_space<vmem>>, vector<16xi32>,
        %gt3A_534 = arith.constant 13 : i32
        %gt3A_535 = vector.broadcast %gt3A_534 : i32 to vector<16xi32>
        %gt3A_536 = arith.cmpi sgt, %get3A_173, %gt3A_535 : vector<16xi32>
        %ne3A_537 = arith.constant 0 : i32
        %ne3A_538 = vector.broadcast %ne3A_537 : i32 to vector<16xi32>
        %ne3A_539 = arith.cmpi ne, %get3A_533, %ne3A_538 : vector<16xi32>
        %and3A_540 = arith.andi %gt3A_536, %ne3A_539 : vector<16xi1>
        %convert_element_type3A_541 = arith.extui %and3A_540 : vector<16xi1> to vector<16xi32>
        %add3A_542 = arith.addi %add3A_517, %convert_element_type3A_541 : vector<16xi32>
        %jit3A_543 = arith.constant 0 : i32
        %broadcast_in_dim3A_544 = vector.broadcast %jit3A_543 : i32 to vector<16xi32>
        %select_n3A_545 = arith.select %and3A_540, %get3A_533, %broadcast_in_dim3A_544 : vector<16xi1>, vector<16xi32>
        %mul3A_546 = arith.constant 112 : i32
        %mul3A_547 = arith.muli %select_n3A_197, %mul3A_546 : i32
        %add3A_548 = arith.constant 2912 : i32
        %add3A_549 = arith.addi %add3A_548, %mul3A_547 : i32
        %add3A_550 = arith.addi %add3A_549, %mul3A_202 : i32
        %swap3A_551 = arith.index_cast %add3A_550 : i32 to index
        %swap3A_552 = tpu.vector_load %arg9[%swap3A_551] {strides = array<i32>} : memref<4480xi32, #tpu.memory_space<vmem>>, vector<16xi32>,
        tpu.vector_store %arg9[%swap3A_551], %select_n3A_545 {strides = array<i32>} : memref<4480xi32, #tpu.memory_space<vmem>>, vector<16xi32>,
        %mul3A_553 = arith.constant 16 : i32
        %mul3A_554 = arith.muli %scan3A_170, %mul3A_553 : i32
        %add3A_555 = arith.constant 3136 : i32
        %add3A_556 = arith.addi %add3A_555, %mul3A_554 : i32
        %get3A_557 = arith.index_cast %add3A_556 : i32 to index
        %get3A_558 = tpu.vector_load %arg7[%get3A_557] {strides = array<i32>} : memref<4480xi32, #tpu.memory_space<vmem>>, vector<16xi32>,
        %gt3A_559 = arith.constant 14 : i32
        %gt3A_560 = vector.broadcast %gt3A_559 : i32 to vector<16xi32>
        %gt3A_561 = arith.cmpi sgt, %get3A_173, %gt3A_560 : vector<16xi32>
        %ne3A_562 = arith.constant 0 : i32
        %ne3A_563 = vector.broadcast %ne3A_562 : i32 to vector<16xi32>
        %ne3A_564 = arith.cmpi ne, %get3A_558, %ne3A_563 : vector<16xi32>
        %and3A_565 = arith.andi %gt3A_561, %ne3A_564 : vector<16xi1>
        %convert_element_type3A_566 = arith.extui %and3A_565 : vector<16xi1> to vector<16xi32>
        %add3A_567 = arith.addi %add3A_542, %convert_element_type3A_566 : vector<16xi32>
        %jit3A_568 = arith.constant 0 : i32
        %broadcast_in_dim3A_569 = vector.broadcast %jit3A_568 : i32 to vector<16xi32>
        %select_n3A_570 = arith.select %and3A_565, %get3A_558, %broadcast_in_dim3A_569 : vector<16xi1>, vector<16xi32>
        %mul3A_571 = arith.constant 112 : i32
        %mul3A_572 = arith.muli %select_n3A_197, %mul3A_571 : i32
        %add3A_573 = arith.constant 3136 : i32
        %add3A_574 = arith.addi %add3A_573, %mul3A_572 : i32
        %add3A_575 = arith.addi %add3A_574, %mul3A_202 : i32
        %swap3A_576 = arith.index_cast %add3A_575 : i32 to index
        %swap3A_577 = tpu.vector_load %arg9[%swap3A_576] {strides = array<i32>} : memref<4480xi32, #tpu.memory_space<vmem>>, vector<16xi32>,
        tpu.vector_store %arg9[%swap3A_576], %select_n3A_570 {strides = array<i32>} : memref<4480xi32, #tpu.memory_space<vmem>>, vector<16xi32>,
        %mul3A_578 = arith.constant 16 : i32
        %mul3A_579 = arith.muli %scan3A_170, %mul3A_578 : i32
        %add3A_580 = arith.constant 3360 : i32
        %add3A_581 = arith.addi %add3A_580, %mul3A_579 : i32
        %get3A_582 = arith.index_cast %add3A_581 : i32 to index
        %get3A_583 = tpu.vector_load %arg7[%get3A_582] {strides = array<i32>} : memref<4480xi32, #tpu.memory_space<vmem>>, vector<16xi32>,
        %gt3A_584 = arith.constant 15 : i32
        %gt3A_585 = vector.broadcast %gt3A_584 : i32 to vector<16xi32>
        %gt3A_586 = arith.cmpi sgt, %get3A_173, %gt3A_585 : vector<16xi32>
        %ne3A_587 = arith.constant 0 : i32
        %ne3A_588 = vector.broadcast %ne3A_587 : i32 to vector<16xi32>
        %ne3A_589 = arith.cmpi ne, %get3A_583, %ne3A_588 : vector<16xi32>
        %and3A_590 = arith.andi %gt3A_586, %ne3A_589 : vector<16xi1>
        %convert_element_type3A_591 = arith.extui %and3A_590 : vector<16xi1> to vector<16xi32>
        %add3A_592 = arith.addi %add3A_567, %convert_element_type3A_591 : vector<16xi32>
        %jit3A_593 = arith.constant 0 : i32
        %broadcast_in_dim3A_594 = vector.broadcast %jit3A_593 : i32 to vector<16xi32>
        %select_n3A_595 = arith.select %and3A_590, %get3A_583, %broadcast_in_dim3A_594 : vector<16xi1>, vector<16xi32>
        %mul3A_596 = arith.constant 112 : i32
        %mul3A_597 = arith.muli %select_n3A_197, %mul3A_596 : i32
        %add3A_598 = arith.constant 3360 : i32
        %add3A_599 = arith.addi %add3A_598, %mul3A_597 : i32
        %add3A_600 = arith.addi %add3A_599, %mul3A_202 : i32
        %swap3A_601 = arith.index_cast %add3A_600 : i32 to index
        %swap3A_602 = tpu.vector_load %arg9[%swap3A_601] {strides = array<i32>} : memref<4480xi32, #tpu.memory_space<vmem>>, vector<16xi32>,
        tpu.vector_store %arg9[%swap3A_601], %select_n3A_595 {strides = array<i32>} : memref<4480xi32, #tpu.memory_space<vmem>>, vector<16xi32>,
        %mul3A_603 = arith.constant 16 : i32
        %mul3A_604 = arith.muli %scan3A_170, %mul3A_603 : i32
        %add3A_605 = arith.constant 3584 : i32
        %add3A_606 = arith.addi %add3A_605, %mul3A_604 : i32
        %get3A_607 = arith.index_cast %add3A_606 : i32 to index
        %get3A_608 = tpu.vector_load %arg7[%get3A_607] {strides = array<i32>} : memref<4480xi32, #tpu.memory_space<vmem>>, vector<16xi32>,
        %gt3A_609 = arith.constant 16 : i32
        %gt3A_610 = vector.broadcast %gt3A_609 : i32 to vector<16xi32>
        %gt3A_611 = arith.cmpi sgt, %get3A_173, %gt3A_610 : vector<16xi32>
        %ne3A_612 = arith.constant 0 : i32
        %ne3A_613 = vector.broadcast %ne3A_612 : i32 to vector<16xi32>
        %ne3A_614 = arith.cmpi ne, %get3A_608, %ne3A_613 : vector<16xi32>
        %and3A_615 = arith.andi %gt3A_611, %ne3A_614 : vector<16xi1>
        %convert_element_type3A_616 = arith.extui %and3A_615 : vector<16xi1> to vector<16xi32>
        %add3A_617 = arith.addi %add3A_592, %convert_element_type3A_616 : vector<16xi32>
        %jit3A_618 = arith.constant 0 : i32
        %broadcast_in_dim3A_619 = vector.broadcast %jit3A_618 : i32 to vector<16xi32>
        %select_n3A_620 = arith.select %and3A_615, %get3A_608, %broadcast_in_dim3A_619 : vector<16xi1>, vector<16xi32>
        %mul3A_621 = arith.constant 112 : i32
        %mul3A_622 = arith.muli %select_n3A_197, %mul3A_621 : i32
        %add3A_623 = arith.constant 3584 : i32
        %add3A_624 = arith.addi %add3A_623, %mul3A_622 : i32
        %add3A_625 = arith.addi %add3A_624, %mul3A_202 : i32
        %swap3A_626 = arith.index_cast %add3A_625 : i32 to index
        %swap3A_627 = tpu.vector_load %arg9[%swap3A_626] {strides = array<i32>} : memref<4480xi32, #tpu.memory_space<vmem>>, vector<16xi32>,
        tpu.vector_store %arg9[%swap3A_626], %select_n3A_620 {strides = array<i32>} : memref<4480xi32, #tpu.memory_space<vmem>>, vector<16xi32>,
        %mul3A_628 = arith.constant 16 : i32
        %mul3A_629 = arith.muli %scan3A_170, %mul3A_628 : i32
        %add3A_630 = arith.constant 3808 : i32
        %add3A_631 = arith.addi %add3A_630, %mul3A_629 : i32
        %get3A_632 = arith.index_cast %add3A_631 : i32 to index
        %get3A_633 = tpu.vector_load %arg7[%get3A_632] {strides = array<i32>} : memref<4480xi32, #tpu.memory_space<vmem>>, vector<16xi32>,
        %gt3A_634 = arith.constant 17 : i32
        %gt3A_635 = vector.broadcast %gt3A_634 : i32 to vector<16xi32>
        %gt3A_636 = arith.cmpi sgt, %get3A_173, %gt3A_635 : vector<16xi32>
        %ne3A_637 = arith.constant 0 : i32
        %ne3A_638 = vector.broadcast %ne3A_637 : i32 to vector<16xi32>
        %ne3A_639 = arith.cmpi ne, %get3A_633, %ne3A_638 : vector<16xi32>
        %and3A_640 = arith.andi %gt3A_636, %ne3A_639 : vector<16xi1>
        %convert_element_type3A_641 = arith.extui %and3A_640 : vector<16xi1> to vector<16xi32>
        %add3A_642 = arith.addi %add3A_617, %convert_element_type3A_641 : vector<16xi32>
        %jit3A_643 = arith.constant 0 : i32
        %broadcast_in_dim3A_644 = vector.broadcast %jit3A_643 : i32 to vector<16xi32>
        %select_n3A_645 = arith.select %and3A_640, %get3A_633, %broadcast_in_dim3A_644 : vector<16xi1>, vector<16xi32>
        %mul3A_646 = arith.constant 112 : i32
        %mul3A_647 = arith.muli %select_n3A_197, %mul3A_646 : i32
        %add3A_648 = arith.constant 3808 : i32
        %add3A_649 = arith.addi %add3A_648, %mul3A_647 : i32
        %add3A_650 = arith.addi %add3A_649, %mul3A_202 : i32
        %swap3A_651 = arith.index_cast %add3A_650 : i32 to index
        %swap3A_652 = tpu.vector_load %arg9[%swap3A_651] {strides = array<i32>} : memref<4480xi32, #tpu.memory_space<vmem>>, vector<16xi32>,
        tpu.vector_store %arg9[%swap3A_651], %select_n3A_645 {strides = array<i32>} : memref<4480xi32, #tpu.memory_space<vmem>>, vector<16xi32>,
        %mul3A_653 = arith.constant 16 : i32
        %mul3A_654 = arith.muli %scan3A_170, %mul3A_653 : i32
        %add3A_655 = arith.constant 4032 : i32
        %add3A_656 = arith.addi %add3A_655, %mul3A_654 : i32
        %get3A_657 = arith.index_cast %add3A_656 : i32 to index
        %get3A_658 = tpu.vector_load %arg7[%get3A_657] {strides = array<i32>} : memref<4480xi32, #tpu.memory_space<vmem>>, vector<16xi32>,
        %gt3A_659 = arith.constant 18 : i32
        %gt3A_660 = vector.broadcast %gt3A_659 : i32 to vector<16xi32>
        %gt3A_661 = arith.cmpi sgt, %get3A_173, %gt3A_660 : vector<16xi32>
        %ne3A_662 = arith.constant 0 : i32
        %ne3A_663 = vector.broadcast %ne3A_662 : i32 to vector<16xi32>
        %ne3A_664 = arith.cmpi ne, %get3A_658, %ne3A_663 : vector<16xi32>
        %and3A_665 = arith.andi %gt3A_661, %ne3A_664 : vector<16xi1>
        %convert_element_type3A_666 = arith.extui %and3A_665 : vector<16xi1> to vector<16xi32>
        %add3A_667 = arith.addi %add3A_642, %convert_element_type3A_666 : vector<16xi32>
        %jit3A_668 = arith.constant 0 : i32
        %broadcast_in_dim3A_669 = vector.broadcast %jit3A_668 : i32 to vector<16xi32>
        %select_n3A_670 = arith.select %and3A_665, %get3A_658, %broadcast_in_dim3A_669 : vector<16xi1>, vector<16xi32>
        %mul3A_671 = arith.constant 112 : i32
        %mul3A_672 = arith.muli %select_n3A_197, %mul3A_671 : i32
        %add3A_673 = arith.constant 4032 : i32
        %add3A_674 = arith.addi %add3A_673, %mul3A_672 : i32
        %add3A_675 = arith.addi %add3A_674, %mul3A_202 : i32
        %swap3A_676 = arith.index_cast %add3A_675 : i32 to index
        %swap3A_677 = tpu.vector_load %arg9[%swap3A_676] {strides = array<i32>} : memref<4480xi32, #tpu.memory_space<vmem>>, vector<16xi32>,
        tpu.vector_store %arg9[%swap3A_676], %select_n3A_670 {strides = array<i32>} : memref<4480xi32, #tpu.memory_space<vmem>>, vector<16xi32>,
        %mul3A_678 = arith.constant 16 : i32
        %mul3A_679 = arith.muli %scan3A_170, %mul3A_678 : i32
        %add3A_680 = arith.constant 4256 : i32
        %add3A_681 = arith.addi %add3A_680, %mul3A_679 : i32
        %get3A_682 = arith.index_cast %add3A_681 : i32 to index
        %get3A_683 = tpu.vector_load %arg7[%get3A_682] {strides = array<i32>} : memref<4480xi32, #tpu.memory_space<vmem>>, vector<16xi32>,
        %gt3A_684 = arith.constant 19 : i32
        %gt3A_685 = vector.broadcast %gt3A_684 : i32 to vector<16xi32>
        %gt3A_686 = arith.cmpi sgt, %get3A_173, %gt3A_685 : vector<16xi32>
        %ne3A_687 = arith.constant 0 : i32
        %ne3A_688 = vector.broadcast %ne3A_687 : i32 to vector<16xi32>
        %ne3A_689 = arith.cmpi ne, %get3A_683, %ne3A_688 : vector<16xi32>
        %and3A_690 = arith.andi %gt3A_686, %ne3A_689 : vector<16xi1>
        %convert_element_type3A_691 = arith.extui %and3A_690 : vector<16xi1> to vector<16xi32>
        %add3A_692 = arith.addi %add3A_667, %convert_element_type3A_691 : vector<16xi32>
        %jit3A_693 = arith.constant 0 : i32
        %broadcast_in_dim3A_694 = vector.broadcast %jit3A_693 : i32 to vector<16xi32>
        %select_n3A_695 = arith.select %and3A_690, %get3A_683, %broadcast_in_dim3A_694 : vector<16xi1>, vector<16xi32>
        %mul3A_696 = arith.constant 112 : i32
        %mul3A_697 = arith.muli %select_n3A_197, %mul3A_696 : i32
        %add3A_698 = arith.constant 4256 : i32
        %add3A_699 = arith.addi %add3A_698, %mul3A_697 : i32
        %add3A_700 = arith.addi %add3A_699, %mul3A_202 : i32
        %swap3A_701 = arith.index_cast %add3A_700 : i32 to index
        %swap3A_702 = tpu.vector_load %arg9[%swap3A_701] {strides = array<i32>} : memref<4480xi32, #tpu.memory_space<vmem>>, vector<16xi32>,
        tpu.vector_store %arg9[%swap3A_701], %select_n3A_695 {strides = array<i32>} : memref<4480xi32, #tpu.memory_space<vmem>>, vector<16xi32>,
        %convert_element_type3A_703 = arith.sitofp %add3A_692 : vector<16xi32> to vector<16xf32>
        %mul3A_704 = arith.constant 16 : i32
        %mul3A_705 = arith.muli %scan3A_170, %mul3A_704 : i32
        %swap3A_706 = arith.index_cast %mul3A_705 : i32 to index
        %swap3A_707 = tpu.vector_load %arg12[%swap3A_706] {strides = array<i32>} : memref<256xf32, #tpu.memory_space<vmem>>, vector<16xf32>,
        tpu.vector_store %arg12[%swap3A_706], %convert_element_type3A_703 {strides = array<i32>} : memref<256xf32, #tpu.memory_space<vmem>>, vector<16xf32>,
      }
      %scan3A_44 = arith.constant 14 : i32
      %dma_start3A = arith.constant 0 : i32
      %dma_start3A_45 = arith.constant 0 : i32
      %dma_start3A_46 = arith.constant 0 : i32
      %dma_start3A_47 = tpu.memref_slice %arg10[%dma_start3A_45, %dma_start3A_46] : memref<448x32xi32, #tpu.memory_space<vmem>> -> memref<112x32xi32, #tpu.memory_space<vmem>>
      %dma_start3A_48 = arith.constant 0 : i32
      %dma_start3A_49 = tpu.memref_slice %arg9[%dma_start3A_48] : memref<4480xi32, #tpu.memory_space<vmem>> -> memref<112xi32, #tpu.memory_space<vmem>>
      %dma_start3A_50 = arith.constant 0 : i32
      %dma_start3A_51 = arith.constant 0 : i32
      %dma_start3A_52 = tpu.memref_slice %arg4[%dma_start3A_50, %dma_start3A_51] : memref<100000x32xi32, #tpu.memory_space<hbm>> -> memref<100000x32xi32, #tpu.memory_space<hbm>>
      %dma_start3A_53 = tpu.memref_slice %arg13[%dma_start3A] : memref<4x!tpu.dma_semaphore, #tpu.memory_space<semaphore_mem>> -> memref<1x!tpu.dma_semaphore, #tpu.memory_space<semaphore_mem>>
      %dma_start3A_54 = tpu.memref_squeeze %dma_start3A_53 : memref<1x!tpu.dma_semaphore, #tpu.memory_space<semaphore_mem>> -> memref<!tpu.dma_semaphore, #tpu.memory_space<semaphore_mem>>
      tpu.enqueue_indirect_dma source(%dma_start3A_52 : memref<100000x32xi32, #tpu.memory_space<hbm>>) target(%dma_start3A_47 : memref<112x32xi32, #tpu.memory_space<vmem>>) offsets(%dma_start3A_49 : memref<112xi32, #tpu.memory_space<vmem>>) semaphore(%dma_start3A_54 : memref<!tpu.dma_semaphore, #tpu.memory_space<semaphore_mem>>)
      %dma_start3A_55 = arith.constant 1 : i32
      %dma_start3A_56 = arith.constant 112 : i32
      %dma_start3A_57 = arith.constant 0 : i32
      %dma_start3A_58 = tpu.memref_slice %arg10[%dma_start3A_56, %dma_start3A_57] : memref<448x32xi32, #tpu.memory_space<vmem>> -> memref<112x32xi32, #tpu.memory_space<vmem>>
      %dma_start3A_59 = arith.constant 112 : i32
      %dma_start3A_60 = tpu.memref_slice %arg9[%dma_start3A_59] : memref<4480xi32, #tpu.memory_space<vmem>> -> memref<112xi32, #tpu.memory_space<vmem>>
      %dma_start3A_61 = arith.constant 0 : i32
      %dma_start3A_62 = arith.constant 0 : i32
      %dma_start3A_63 = tpu.memref_slice %arg4[%dma_start3A_61, %dma_start3A_62] : memref<100000x32xi32, #tpu.memory_space<hbm>> -> memref<100000x32xi32, #tpu.memory_space<hbm>>
      %dma_start3A_64 = tpu.memref_slice %arg13[%dma_start3A_55] : memref<4x!tpu.dma_semaphore, #tpu.memory_space<semaphore_mem>> -> memref<1x!tpu.dma_semaphore, #tpu.memory_space<semaphore_mem>>
      %dma_start3A_65 = tpu.memref_squeeze %dma_start3A_64 : memref<1x!tpu.dma_semaphore, #tpu.memory_space<semaphore_mem>> -> memref<!tpu.dma_semaphore, #tpu.memory_space<semaphore_mem>>
      tpu.enqueue_indirect_dma source(%dma_start3A_63 : memref<100000x32xi32, #tpu.memory_space<hbm>>) target(%dma_start3A_58 : memref<112x32xi32, #tpu.memory_space<vmem>>) offsets(%dma_start3A_60 : memref<112xi32, #tpu.memory_space<vmem>>) semaphore(%dma_start3A_65 : memref<!tpu.dma_semaphore, #tpu.memory_space<semaphore_mem>>)
      %dma_start3A_66 = arith.constant 2 : i32
      %dma_start3A_67 = arith.constant 224 : i32
      %dma_start3A_68 = arith.constant 0 : i32
      %dma_start3A_69 = tpu.memref_slice %arg10[%dma_start3A_67, %dma_start3A_68] : memref<448x32xi32, #tpu.memory_space<vmem>> -> memref<112x32xi32, #tpu.memory_space<vmem>>
      %dma_start3A_70 = arith.constant 224 : i32
      %dma_start3A_71 = tpu.memref_slice %arg9[%dma_start3A_70] : memref<4480xi32, #tpu.memory_space<vmem>> -> memref<112xi32, #tpu.memory_space<vmem>>
      %dma_start3A_72 = arith.constant 0 : i32
      %dma_start3A_73 = arith.constant 0 : i32
      %dma_start3A_74 = tpu.memref_slice %arg4[%dma_start3A_72, %dma_start3A_73] : memref<100000x32xi32, #tpu.memory_space<hbm>> -> memref<100000x32xi32, #tpu.memory_space<hbm>>
      %dma_start3A_75 = tpu.memref_slice %arg13[%dma_start3A_66] : memref<4x!tpu.dma_semaphore, #tpu.memory_space<semaphore_mem>> -> memref<1x!tpu.dma_semaphore, #tpu.memory_space<semaphore_mem>>
      %dma_start3A_76 = tpu.memref_squeeze %dma_start3A_75 : memref<1x!tpu.dma_semaphore, #tpu.memory_space<semaphore_mem>> -> memref<!tpu.dma_semaphore, #tpu.memory_space<semaphore_mem>>
      tpu.enqueue_indirect_dma source(%dma_start3A_74 : memref<100000x32xi32, #tpu.memory_space<hbm>>) target(%dma_start3A_69 : memref<112x32xi32, #tpu.memory_space<vmem>>) offsets(%dma_start3A_71 : memref<112xi32, #tpu.memory_space<vmem>>) semaphore(%dma_start3A_76 : memref<!tpu.dma_semaphore, #tpu.memory_space<semaphore_mem>>)
      %dma_start3A_77 = arith.constant 3 : i32
      %dma_start3A_78 = arith.constant 336 : i32
      %dma_start3A_79 = arith.constant 0 : i32
      %dma_start3A_80 = tpu.memref_slice %arg10[%dma_start3A_78, %dma_start3A_79] : memref<448x32xi32, #tpu.memory_space<vmem>> -> memref<112x32xi32, #tpu.memory_space<vmem>>
      %dma_start3A_81 = arith.constant 336 : i32
      %dma_start3A_82 = tpu.memref_slice %arg9[%dma_start3A_81] : memref<4480xi32, #tpu.memory_space<vmem>> -> memref<112xi32, #tpu.memory_space<vmem>>
      %dma_start3A_83 = arith.constant 0 : i32
      %dma_start3A_84 = arith.constant 0 : i32
      %dma_start3A_85 = tpu.memref_slice %arg4[%dma_start3A_83, %dma_start3A_84] : memref<100000x32xi32, #tpu.memory_space<hbm>> -> memref<100000x32xi32, #tpu.memory_space<hbm>>
      %dma_start3A_86 = tpu.memref_slice %arg13[%dma_start3A_77] : memref<4x!tpu.dma_semaphore, #tpu.memory_space<semaphore_mem>> -> memref<1x!tpu.dma_semaphore, #tpu.memory_space<semaphore_mem>>
      %dma_start3A_87 = tpu.memref_squeeze %dma_start3A_86 : memref<1x!tpu.dma_semaphore, #tpu.memory_space<semaphore_mem>> -> memref<!tpu.dma_semaphore, #tpu.memory_space<semaphore_mem>>
      tpu.enqueue_indirect_dma source(%dma_start3A_85 : memref<100000x32xi32, #tpu.memory_space<hbm>>) target(%dma_start3A_80 : memref<112x32xi32, #tpu.memory_space<vmem>>) offsets(%dma_start3A_82 : memref<112xi32, #tpu.memory_space<vmem>>) semaphore(%dma_start3A_87 : memref<!tpu.dma_semaphore, #tpu.memory_space<semaphore_mem>>)
      %scan3A_88 = arith.constant 0 : i32
      %scan3A_89 = arith.constant 112 : i32
      %scan3A_90 = arith.addi %scan3A_88, %scan3A_89 : i32
      %scan3A_91 = arith.constant 1 : i32
      scf.for %scan3A_170 = %scan3A_88 to %scan3A_90 step %scan3A_91  : i32 {
        %broadcast_in_dim3A = arith.constant 0.000000e+00 : f32
        %broadcast_in_dim3A_171 = vector.broadcast %broadcast_in_dim3A : f32 to vector<16xf32>
        %mul3A_172 = arith.constant 128 : i32
        %mul3A_173 = arith.muli %scan3A_170, %mul3A_172 : i32
        %add3A_174 = arith.constant 0 : i32
        %add3A_175 = arith.addi %mul3A_173, %add3A_174 : i32
        %swap3A = arith.index_cast %add3A_175 : i32 to index
        %swap3A_176 = tpu.vector_load %arg11[%swap3A] {strides = array<i32>} : memref<14336xf32, #tpu.memory_space<vmem>>, vector<16xf32>,
        tpu.vector_store %arg11[%swap3A], %broadcast_in_dim3A_171 {strides = array<i32>} : memref<14336xf32, #tpu.memory_space<vmem>>, vector<16xf32>,
        %mul3A_177 = arith.constant 128 : i32
        %mul3A_178 = arith.muli %scan3A_170, %mul3A_177 : i32
        %add3A_179 = arith.constant 16 : i32
        %add3A_180 = arith.addi %mul3A_178, %add3A_179 : i32
        %swap3A_181 = arith.index_cast %add3A_180 : i32 to index
        %swap3A_182 = tpu.vector_load %arg11[%swap3A_181] {strides = array<i32>} : memref<14336xf32, #tpu.memory_space<vmem>>, vector<16xf32>,
        tpu.vector_store %arg11[%swap3A_181], %broadcast_in_dim3A_171 {strides = array<i32>} : memref<14336xf32, #tpu.memory_space<vmem>>, vector<16xf32>,
        %mul3A_183 = arith.constant 128 : i32
        %mul3A_184 = arith.muli %scan3A_170, %mul3A_183 : i32
        %add3A_185 = arith.constant 32 : i32
        %add3A_186 = arith.addi %mul3A_184, %add3A_185 : i32
        %swap3A_187 = arith.index_cast %add3A_186 : i32 to index
        %swap3A_188 = tpu.vector_load %arg11[%swap3A_187] {strides = array<i32>} : memref<14336xf32, #tpu.memory_space<vmem>>, vector<16xf32>,
        tpu.vector_store %arg11[%swap3A_187], %broadcast_in_dim3A_171 {strides = array<i32>} : memref<14336xf32, #tpu.memory_space<vmem>>, vector<16xf32>,
        %mul3A_189 = arith.constant 128 : i32
        %mul3A_190 = arith.muli %scan3A_170, %mul3A_189 : i32
        %add3A_191 = arith.constant 48 : i32
        %add3A_192 = arith.addi %mul3A_190, %add3A_191 : i32
        %swap3A_193 = arith.index_cast %add3A_192 : i32 to index
        %swap3A_194 = tpu.vector_load %arg11[%swap3A_193] {strides = array<i32>} : memref<14336xf32, #tpu.memory_space<vmem>>, vector<16xf32>,
        tpu.vector_store %arg11[%swap3A_193], %broadcast_in_dim3A_171 {strides = array<i32>} : memref<14336xf32, #tpu.memory_space<vmem>>, vector<16xf32>,
        %mul3A_195 = arith.constant 128 : i32
        %mul3A_196 = arith.muli %scan3A_170, %mul3A_195 : i32
        %add3A_197 = arith.constant 64 : i32
        %add3A_198 = arith.addi %mul3A_196, %add3A_197 : i32
        %swap3A_199 = arith.index_cast %add3A_198 : i32 to index
        %swap3A_200 = tpu.vector_load %arg11[%swap3A_199] {strides = array<i32>} : memref<14336xf32, #tpu.memory_space<vmem>>, vector<16xf32>,
        tpu.vector_store %arg11[%swap3A_199], %broadcast_in_dim3A_171 {strides = array<i32>} : memref<14336xf32, #tpu.memory_space<vmem>>, vector<16xf32>,
        %mul3A_201 = arith.constant 128 : i32
        %mul3A_202 = arith.muli %scan3A_170, %mul3A_201 : i32
        %add3A_203 = arith.constant 80 : i32
        %add3A_204 = arith.addi %mul3A_202, %add3A_203 : i32
        %swap3A_205 = arith.index_cast %add3A_204 : i32 to index
        %swap3A_206 = tpu.vector_load %arg11[%swap3A_205] {strides = array<i32>} : memref<14336xf32, #tpu.memory_space<vmem>>, vector<16xf32>,
        tpu.vector_store %arg11[%swap3A_205], %broadcast_in_dim3A_171 {strides = array<i32>} : memref<14336xf32, #tpu.memory_space<vmem>>, vector<16xf32>,
        %mul3A_207 = arith.constant 128 : i32
        %mul3A_208 = arith.muli %scan3A_170, %mul3A_207 : i32
        %add3A_209 = arith.constant 96 : i32
        %add3A_210 = arith.addi %mul3A_208, %add3A_209 : i32
        %swap3A_211 = arith.index_cast %add3A_210 : i32 to index
        %swap3A_212 = tpu.vector_load %arg11[%swap3A_211] {strides = array<i32>} : memref<14336xf32, #tpu.memory_space<vmem>>, vector<16xf32>,
        tpu.vector_store %arg11[%swap3A_211], %broadcast_in_dim3A_171 {strides = array<i32>} : memref<14336xf32, #tpu.memory_space<vmem>>, vector<16xf32>,
        %mul3A_213 = arith.constant 128 : i32
        %mul3A_214 = arith.muli %scan3A_170, %mul3A_213 : i32
        %add3A_215 = arith.constant 112 : i32
        %add3A_216 = arith.addi %mul3A_214, %add3A_215 : i32
        %swap3A_217 = arith.index_cast %add3A_216 : i32 to index
        %swap3A_218 = tpu.vector_load %arg11[%swap3A_217] {strides = array<i32>} : memref<14336xf32, #tpu.memory_space<vmem>>, vector<16xf32>,
        tpu.vector_store %arg11[%swap3A_217], %broadcast_in_dim3A_171 {strides = array<i32>} : memref<14336xf32, #tpu.memory_space<vmem>>, vector<16xf32>,
      }
      %scan3A_92 = arith.constant 112 : i32
      %scan3A_93 = arith.constant 0 : i32
      %scan3A_94 = arith.constant 9 : i32
      %scan3A_95 = arith.addi %scan3A_93, %scan3A_94 : i32
      %scan3A_96 = arith.constant 1 : i32
      scf.for %scan3A_170 = %scan3A_93 to %scan3A_95 step %scan3A_96  : i32 {
        %mul3A_171 = arith.constant 4 : i32
        %mul3A_172 = arith.muli %mul3A_171, %scan3A_170 : i32
        %add3A_173 = arith.constant 0 : i32
        %add3A_174 = arith.addi %mul3A_172, %add3A_173 : i32
        %mul3A_175 = arith.constant 112 : i32
        %mul3A_176 = arith.muli %add3A_174, %mul3A_175 : i32
        %dma_wait3A_177 = arith.constant 0 : i32
        %dma_wait3A_178 = arith.constant 0 : i32
        %dma_wait3A_179 = arith.constant 0 : i32
        %dma_wait3A_180 = tpu.memref_slice %arg10[%dma_wait3A_178, %dma_wait3A_179] : memref<448x32xi32, #tpu.memory_space<vmem>> -> memref<112x32xi32, #tpu.memory_space<vmem>>
        %dma_wait3A_181 = tpu.memref_slice %arg9[%mul3A_176] : memref<4480xi32, #tpu.memory_space<vmem>> -> memref<112xi32, #tpu.memory_space<vmem>>
        %dma_wait3A_182 = arith.constant 0 : i32
        %dma_wait3A_183 = arith.constant 0 : i32
        %dma_wait3A_184 = tpu.memref_slice %arg4[%dma_wait3A_182, %dma_wait3A_183] : memref<100000x32xi32, #tpu.memory_space<hbm>> -> memref<100000x32xi32, #tpu.memory_space<hbm>>
        %dma_wait3A_185 = tpu.memref_slice %arg13[%dma_wait3A_177] : memref<4x!tpu.dma_semaphore, #tpu.memory_space<semaphore_mem>> -> memref<1x!tpu.dma_semaphore, #tpu.memory_space<semaphore_mem>>
        %dma_wait3A_186 = tpu.memref_squeeze %dma_wait3A_185 : memref<1x!tpu.dma_semaphore, #tpu.memory_space<semaphore_mem>> -> memref<!tpu.dma_semaphore, #tpu.memory_space<semaphore_mem>>
        tpu.wait_indirect_dma semaphore(%dma_wait3A_186 : memref<!tpu.dma_semaphore, #tpu.memory_space<semaphore_mem>>) src(%dma_wait3A_184 : memref<100000x32xi32, #tpu.memory_space<hbm>>) dst(%dma_wait3A_180 : memref<112x32xi32, #tpu.memory_space<vmem>>)
        %scan3A_187 = arith.constant 0 : i32
        %scan3A_188 = arith.constant 28 : i32
        %scan3A_189 = arith.addi %scan3A_187, %scan3A_188 : i32
        %scan3A_190 = arith.constant 1 : i32
        scf.for %scan3A_313 = %scan3A_187 to %scan3A_189 step %scan3A_190  : i32 {
          %mul3A_314 = arith.constant 4 : i32
          %mul3A_315 = arith.muli %scan3A_313, %mul3A_314 : i32
          %add3A_316 = arith.constant 0 : i32
          %add3A_317 = arith.addi %add3A_316, %mul3A_315 : i32
          %mul3A_318 = arith.constant 4 : i32
          %mul3A_319 = arith.muli %scan3A_313, %mul3A_318 : i32
          %add3A_320 = arith.constant 0 : i32
          %add3A_321 = arith.addi %add3A_320, %mul3A_319 : i32
          %add3A_322 = arith.constant 0 : i32
          %add3A_323 = arith.addi %add3A_317, %add3A_322 : i32
          %get3A = arith.index_cast %add3A_323 : i32 to index
          %get3A_324 = arith.constant 0 : index
          %get3A_325 = tpu.vector_load %arg10[%get3A, %get3A_324] {strides = array<i32>} : memref<448x32xi32, #tpu.memory_space<vmem>>, vector<16xi32>,
          %bitcast3A = vector.bitcast %get3A_325 : vector<16xi32> to vector<32xbf16>
          %unpack3A = tpu.unpack_subelements %bitcast3A, 0 {pack_format = #tpu.pack_format<interleaved>} : vector<32xbf16> -> vector<16xf32>
          %unpack3A_326 = tpu.unpack_subelements %bitcast3A, 1 {pack_format = #tpu.pack_format<interleaved>} : vector<32xbf16> -> vector<16xf32>
          %add3A_327 = arith.constant 0 : i32
          %add3A_328 = arith.addi %add3A_321, %add3A_327 : i32
          %mul3A_329 = arith.constant 64 : i32
          %mul3A_330 = arith.muli %add3A_328, %mul3A_329 : i32
          %add3A_331 = arith.constant 0 : i32
          %add3A_332 = arith.addi %mul3A_330, %add3A_331 : i32
          %swap3A = arith.index_cast %add3A_332 : i32 to index
          %swap3A_333 = tpu.vector_load %arg11[%swap3A] {strides = array<i32>} : memref<14336xf32, #tpu.memory_space<vmem>>, vector<16xf32>,
          tpu.vector_store %arg11[%swap3A], %unpack3A {add = true, strides = array<i32>} : memref<14336xf32, #tpu.memory_space<vmem>>, vector<16xf32>,
          %add3A_334 = arith.constant 16 : i32
          %add3A_335 = arith.addi %add3A_332, %add3A_334 : i32
          %swap3A_336 = arith.index_cast %add3A_335 : i32 to index
          %swap3A_337 = tpu.vector_load %arg11[%swap3A_336] {strides = array<i32>} : memref<14336xf32, #tpu.memory_space<vmem>>, vector<16xf32>,
          tpu.vector_store %arg11[%swap3A_336], %unpack3A_326 {add = true, strides = array<i32>} : memref<14336xf32, #tpu.memory_space<vmem>>, vector<16xf32>,
          %add3A_338 = arith.constant 0 : i32
          %add3A_339 = arith.addi %add3A_317, %add3A_338 : i32
          %get3A_340 = arith.index_cast %add3A_339 : i32 to index
          %get3A_341 = arith.constant 16 : index
          %get3A_342 = tpu.vector_load %arg10[%get3A_340, %get3A_341] {strides = array<i32>} : memref<448x32xi32, #tpu.memory_space<vmem>>, vector<16xi32>,
          %bitcast3A_343 = vector.bitcast %get3A_342 : vector<16xi32> to vector<32xbf16>
          %unpack3A_344 = tpu.unpack_subelements %bitcast3A_343, 0 {pack_format = #tpu.pack_format<interleaved>} : vector<32xbf16> -> vector<16xf32>
          %unpack3A_345 = tpu.unpack_subelements %bitcast3A_343, 1 {pack_format = #tpu.pack_format<interleaved>} : vector<32xbf16> -> vector<16xf32>
          %add3A_346 = arith.constant 0 : i32
          %add3A_347 = arith.addi %add3A_321, %add3A_346 : i32
          %mul3A_348 = arith.constant 64 : i32
          %mul3A_349 = arith.muli %add3A_347, %mul3A_348 : i32
          %add3A_350 = arith.constant 32 : i32
          %add3A_351 = arith.addi %mul3A_349, %add3A_350 : i32
          %swap3A_352 = arith.index_cast %add3A_351 : i32 to index
          %swap3A_353 = tpu.vector_load %arg11[%swap3A_352] {strides = array<i32>} : memref<14336xf32, #tpu.memory_space<vmem>>, vector<16xf32>,
          tpu.vector_store %arg11[%swap3A_352], %unpack3A_344 {add = true, strides = array<i32>} : memref<14336xf32, #tpu.memory_space<vmem>>, vector<16xf32>,
          %add3A_354 = arith.constant 16 : i32
          %add3A_355 = arith.addi %add3A_351, %add3A_354 : i32
          %swap3A_356 = arith.index_cast %add3A_355 : i32 to index
          %swap3A_357 = tpu.vector_load %arg11[%swap3A_356] {strides = array<i32>} : memref<14336xf32, #tpu.memory_space<vmem>>, vector<16xf32>,
          tpu.vector_store %arg11[%swap3A_356], %unpack3A_345 {add = true, strides = array<i32>} : memref<14336xf32, #tpu.memory_space<vmem>>, vector<16xf32>,
          %add3A_358 = arith.constant 1 : i32
          %add3A_359 = arith.addi %add3A_317, %add3A_358 : i32
          %get3A_360 = arith.index_cast %add3A_359 : i32 to index
          %get3A_361 = arith.constant 0 : index
          %get3A_362 = tpu.vector_load %arg10[%get3A_360, %get3A_361] {strides = array<i32>} : memref<448x32xi32, #tpu.memory_space<vmem>>, vector<16xi32>,
          %bitcast3A_363 = vector.bitcast %get3A_362 : vector<16xi32> to vector<32xbf16>
          %unpack3A_364 = tpu.unpack_subelements %bitcast3A_363, 0 {pack_format = #tpu.pack_format<interleaved>} : vector<32xbf16> -> vector<16xf32>
          %unpack3A_365 = tpu.unpack_subelements %bitcast3A_363, 1 {pack_format = #tpu.pack_format<interleaved>} : vector<32xbf16> -> vector<16xf32>
          %add3A_366 = arith.constant 1 : i32
          %add3A_367 = arith.addi %add3A_321, %add3A_366 : i32
          %mul3A_368 = arith.constant 64 : i32
          %mul3A_369 = arith.muli %add3A_367, %mul3A_368 : i32
          %add3A_370 = arith.constant 0 : i32
          %add3A_371 = arith.addi %mul3A_369, %add3A_370 : i32
          %swap3A_372 = arith.index_cast %add3A_371 : i32 to index
          %swap3A_373 = tpu.vector_load %arg11[%swap3A_372] {strides = array<i32>} : memref<14336xf32, #tpu.memory_space<vmem>>, vector<16xf32>,
          tpu.vector_store %arg11[%swap3A_372], %unpack3A_364 {add = true, strides = array<i32>} : memref<14336xf32, #tpu.memory_space<vmem>>, vector<16xf32>,
          %add3A_374 = arith.constant 16 : i32
          %add3A_375 = arith.addi %add3A_371, %add3A_374 : i32
          %swap3A_376 = arith.index_cast %add3A_375 : i32 to index
          %swap3A_377 = tpu.vector_load %arg11[%swap3A_376] {strides = array<i32>} : memref<14336xf32, #tpu.memory_space<vmem>>, vector<16xf32>,
          tpu.vector_store %arg11[%swap3A_376], %unpack3A_365 {add = true, strides = array<i32>} : memref<14336xf32, #tpu.memory_space<vmem>>, vector<16xf32>,
          %add3A_378 = arith.constant 1 : i32
          %add3A_379 = arith.addi %add3A_317, %add3A_378 : i32
          %get3A_380 = arith.index_cast %add3A_379 : i32 to index
          %get3A_381 = arith.constant 16 : index
          %get3A_382 = tpu.vector_load %arg10[%get3A_380, %get3A_381] {strides = array<i32>} : memref<448x32xi32, #tpu.memory_space<vmem>>, vector<16xi32>,
          %bitcast3A_383 = vector.bitcast %get3A_382 : vector<16xi32> to vector<32xbf16>
          %unpack3A_384 = tpu.unpack_subelements %bitcast3A_383, 0 {pack_format = #tpu.pack_format<interleaved>} : vector<32xbf16> -> vector<16xf32>
          %unpack3A_385 = tpu.unpack_subelements %bitcast3A_383, 1 {pack_format = #tpu.pack_format<interleaved>} : vector<32xbf16> -> vector<16xf32>
          %add3A_386 = arith.constant 1 : i32
          %add3A_387 = arith.addi %add3A_321, %add3A_386 : i32
          %mul3A_388 = arith.constant 64 : i32
          %mul3A_389 = arith.muli %add3A_387, %mul3A_388 : i32
          %add3A_390 = arith.constant 32 : i32
          %add3A_391 = arith.addi %mul3A_389, %add3A_390 : i32
          %swap3A_392 = arith.index_cast %add3A_391 : i32 to index
          %swap3A_393 = tpu.vector_load %arg11[%swap3A_392] {strides = array<i32>} : memref<14336xf32, #tpu.memory_space<vmem>>, vector<16xf32>,
          tpu.vector_store %arg11[%swap3A_392], %unpack3A_384 {add = true, strides = array<i32>} : memref<14336xf32, #tpu.memory_space<vmem>>, vector<16xf32>,
          %add3A_394 = arith.constant 16 : i32
          %add3A_395 = arith.addi %add3A_391, %add3A_394 : i32
          %swap3A_396 = arith.index_cast %add3A_395 : i32 to index
          %swap3A_397 = tpu.vector_load %arg11[%swap3A_396] {strides = array<i32>} : memref<14336xf32, #tpu.memory_space<vmem>>, vector<16xf32>,
          tpu.vector_store %arg11[%swap3A_396], %unpack3A_385 {add = true, strides = array<i32>} : memref<14336xf32, #tpu.memory_space<vmem>>, vector<16xf32>,
          %add3A_398 = arith.constant 2 : i32
          %add3A_399 = arith.addi %add3A_317, %add3A_398 : i32
          %get3A_400 = arith.index_cast %add3A_399 : i32 to index
          %get3A_401 = arith.constant 0 : index
          %get3A_402 = tpu.vector_load %arg10[%get3A_400, %get3A_401] {strides = array<i32>} : memref<448x32xi32, #tpu.memory_space<vmem>>, vector<16xi32>,
          %bitcast3A_403 = vector.bitcast %get3A_402 : vector<16xi32> to vector<32xbf16>
          %unpack3A_404 = tpu.unpack_subelements %bitcast3A_403, 0 {pack_format = #tpu.pack_format<interleaved>} : vector<32xbf16> -> vector<16xf32>
          %unpack3A_405 = tpu.unpack_subelements %bitcast3A_403, 1 {pack_format = #tpu.pack_format<interleaved>} : vector<32xbf16> -> vector<16xf32>
          %add3A_406 = arith.constant 2 : i32
          %add3A_407 = arith.addi %add3A_321, %add3A_406 : i32
          %mul3A_408 = arith.constant 64 : i32
          %mul3A_409 = arith.muli %add3A_407, %mul3A_408 : i32
          %add3A_410 = arith.constant 0 : i32
          %add3A_411 = arith.addi %mul3A_409, %add3A_410 : i32
          %swap3A_412 = arith.index_cast %add3A_411 : i32 to index
          %swap3A_413 = tpu.vector_load %arg11[%swap3A_412] {strides = array<i32>} : memref<14336xf32, #tpu.memory_space<vmem>>, vector<16xf32>,
          tpu.vector_store %arg11[%swap3A_412], %unpack3A_404 {add = true, strides = array<i32>} : memref<14336xf32, #tpu.memory_space<vmem>>, vector<16xf32>,
          %add3A_414 = arith.constant 16 : i32
          %add3A_415 = arith.addi %add3A_411, %add3A_414 : i32
          %swap3A_416 = arith.index_cast %add3A_415 : i32 to index
          %swap3A_417 = tpu.vector_load %arg11[%swap3A_416] {strides = array<i32>} : memref<14336xf32, #tpu.memory_space<vmem>>, vector<16xf32>,
          tpu.vector_store %arg11[%swap3A_416], %unpack3A_405 {add = true, strides = array<i32>} : memref<14336xf32, #tpu.memory_space<vmem>>, vector<16xf32>,
          %add3A_418 = arith.constant 2 : i32
          %add3A_419 = arith.addi %add3A_317, %add3A_418 : i32
          %get3A_420 = arith.index_cast %add3A_419 : i32 to index
          %get3A_421 = arith.constant 16 : index
          %get3A_422 = tpu.vector_load %arg10[%get3A_420, %get3A_421] {strides = array<i32>} : memref<448x32xi32, #tpu.memory_space<vmem>>, vector<16xi32>,
          %bitcast3A_423 = vector.bitcast %get3A_422 : vector<16xi32> to vector<32xbf16>
          %unpack3A_424 = tpu.unpack_subelements %bitcast3A_423, 0 {pack_format = #tpu.pack_format<interleaved>} : vector<32xbf16> -> vector<16xf32>
          %unpack3A_425 = tpu.unpack_subelements %bitcast3A_423, 1 {pack_format = #tpu.pack_format<interleaved>} : vector<32xbf16> -> vector<16xf32>
          %add3A_426 = arith.constant 2 : i32
          %add3A_427 = arith.addi %add3A_321, %add3A_426 : i32
          %mul3A_428 = arith.constant 64 : i32
          %mul3A_429 = arith.muli %add3A_427, %mul3A_428 : i32
          %add3A_430 = arith.constant 32 : i32
          %add3A_431 = arith.addi %mul3A_429, %add3A_430 : i32
          %swap3A_432 = arith.index_cast %add3A_431 : i32 to index
          %swap3A_433 = tpu.vector_load %arg11[%swap3A_432] {strides = array<i32>} : memref<14336xf32, #tpu.memory_space<vmem>>, vector<16xf32>,
          tpu.vector_store %arg11[%swap3A_432], %unpack3A_424 {add = true, strides = array<i32>} : memref<14336xf32, #tpu.memory_space<vmem>>, vector<16xf32>,
          %add3A_434 = arith.constant 16 : i32
          %add3A_435 = arith.addi %add3A_431, %add3A_434 : i32
          %swap3A_436 = arith.index_cast %add3A_435 : i32 to index
          %swap3A_437 = tpu.vector_load %arg11[%swap3A_436] {strides = array<i32>} : memref<14336xf32, #tpu.memory_space<vmem>>, vector<16xf32>,
          tpu.vector_store %arg11[%swap3A_436], %unpack3A_425 {add = true, strides = array<i32>} : memref<14336xf32, #tpu.memory_space<vmem>>, vector<16xf32>,
          %add3A_438 = arith.constant 3 : i32
          %add3A_439 = arith.addi %add3A_317, %add3A_438 : i32
          %get3A_440 = arith.index_cast %add3A_439 : i32 to index
          %get3A_441 = arith.constant 0 : index
          %get3A_442 = tpu.vector_load %arg10[%get3A_440, %get3A_441] {strides = array<i32>} : memref<448x32xi32, #tpu.memory_space<vmem>>, vector<16xi32>,
          %bitcast3A_443 = vector.bitcast %get3A_442 : vector<16xi32> to vector<32xbf16>
          %unpack3A_444 = tpu.unpack_subelements %bitcast3A_443, 0 {pack_format = #tpu.pack_format<interleaved>} : vector<32xbf16> -> vector<16xf32>
          %unpack3A_445 = tpu.unpack_subelements %bitcast3A_443, 1 {pack_format = #tpu.pack_format<interleaved>} : vector<32xbf16> -> vector<16xf32>
          %add3A_446 = arith.constant 3 : i32
          %add3A_447 = arith.addi %add3A_321, %add3A_446 : i32
          %mul3A_448 = arith.constant 64 : i32
          %mul3A_449 = arith.muli %add3A_447, %mul3A_448 : i32
          %add3A_450 = arith.constant 0 : i32
          %add3A_451 = arith.addi %mul3A_449, %add3A_450 : i32
          %swap3A_452 = arith.index_cast %add3A_451 : i32 to index
          %swap3A_453 = tpu.vector_load %arg11[%swap3A_452] {strides = array<i32>} : memref<14336xf32, #tpu.memory_space<vmem>>, vector<16xf32>,
          tpu.vector_store %arg11[%swap3A_452], %unpack3A_444 {add = true, strides = array<i32>} : memref<14336xf32, #tpu.memory_space<vmem>>, vector<16xf32>,
          %add3A_454 = arith.constant 16 : i32
          %add3A_455 = arith.addi %add3A_451, %add3A_454 : i32
          %swap3A_456 = arith.index_cast %add3A_455 : i32 to index
          %swap3A_457 = tpu.vector_load %arg11[%swap3A_456] {strides = array<i32>} : memref<14336xf32, #tpu.memory_space<vmem>>, vector<16xf32>,
          tpu.vector_store %arg11[%swap3A_456], %unpack3A_445 {add = true, strides = array<i32>} : memref<14336xf32, #tpu.memory_space<vmem>>, vector<16xf32>,
          %add3A_458 = arith.constant 3 : i32
          %add3A_459 = arith.addi %add3A_317, %add3A_458 : i32
          %get3A_460 = arith.index_cast %add3A_459 : i32 to index
          %get3A_461 = arith.constant 16 : index
          %get3A_462 = tpu.vector_load %arg10[%get3A_460, %get3A_461] {strides = array<i32>} : memref<448x32xi32, #tpu.memory_space<vmem>>, vector<16xi32>,
          %bitcast3A_463 = vector.bitcast %get3A_462 : vector<16xi32> to vector<32xbf16>
          %unpack3A_464 = tpu.unpack_subelements %bitcast3A_463, 0 {pack_format = #tpu.pack_format<interleaved>} : vector<32xbf16> -> vector<16xf32>
          %unpack3A_465 = tpu.unpack_subelements %bitcast3A_463, 1 {pack_format = #tpu.pack_format<interleaved>} : vector<32xbf16> -> vector<16xf32>
          %add3A_466 = arith.constant 3 : i32
          %add3A_467 = arith.addi %add3A_321, %add3A_466 : i32
          %mul3A_468 = arith.constant 64 : i32
          %mul3A_469 = arith.muli %add3A_467, %mul3A_468 : i32
          %add3A_470 = arith.constant 32 : i32
          %add3A_471 = arith.addi %mul3A_469, %add3A_470 : i32
          %swap3A_472 = arith.index_cast %add3A_471 : i32 to index
          %swap3A_473 = tpu.vector_load %arg11[%swap3A_472] {strides = array<i32>} : memref<14336xf32, #tpu.memory_space<vmem>>, vector<16xf32>,
          tpu.vector_store %arg11[%swap3A_472], %unpack3A_464 {add = true, strides = array<i32>} : memref<14336xf32, #tpu.memory_space<vmem>>, vector<16xf32>,
          %add3A_474 = arith.constant 16 : i32
          %add3A_475 = arith.addi %add3A_471, %add3A_474 : i32
          %swap3A_476 = arith.index_cast %add3A_475 : i32 to index
          %swap3A_477 = tpu.vector_load %arg11[%swap3A_476] {strides = array<i32>} : memref<14336xf32, #tpu.memory_space<vmem>>, vector<16xf32>,
          tpu.vector_store %arg11[%swap3A_476], %unpack3A_465 {add = true, strides = array<i32>} : memref<14336xf32, #tpu.memory_space<vmem>>, vector<16xf32>,
        }
        %scan3A_191 = arith.constant 28 : i32
        %add3A_192 = arith.constant 0 : i32
        %add3A_193 = arith.addi %mul3A_172, %add3A_192 : i32
        %add3A_194 = arith.constant 4 : i32
        %add3A_195 = arith.addi %add3A_193, %add3A_194 : i32
        %mul3A_196 = arith.constant 112 : i32
        %mul3A_197 = arith.muli %add3A_195, %mul3A_196 : i32
        %dma_start3A_198 = arith.constant 0 : i32
        %dma_start3A_199 = arith.constant 0 : i32
        %dma_start3A_200 = arith.constant 0 : i32
        %dma_start3A_201 = tpu.memref_slice %arg10[%dma_start3A_199, %dma_start3A_200] : memref<448x32xi32, #tpu.memory_space<vmem>> -> memref<112x32xi32, #tpu.memory_space<vmem>>
        %dma_start3A_202 = tpu.memref_slice %arg9[%mul3A_197] : memref<4480xi32, #tpu.memory_space<vmem>> -> memref<112xi32, #tpu.memory_space<vmem>>
        %dma_start3A_203 = arith.constant 0 : i32
        %dma_start3A_204 = arith.constant 0 : i32
        %dma_start3A_205 = tpu.memref_slice %arg4[%dma_start3A_203, %dma_start3A_204] : memref<100000x32xi32, #tpu.memory_space<hbm>> -> memref<100000x32xi32, #tpu.memory_space<hbm>>
        %dma_start3A_206 = tpu.memref_slice %arg13[%dma_start3A_198] : memref<4x!tpu.dma_semaphore, #tpu.memory_space<semaphore_mem>> -> memref<1x!tpu.dma_semaphore, #tpu.memory_space<semaphore_mem>>
        %dma_start3A_207 = tpu.memref_squeeze %dma_start3A_206 : memref<1x!tpu.dma_semaphore, #tpu.memory_space<semaphore_mem>> -> memref<!tpu.dma_semaphore, #tpu.memory_space<semaphore_mem>>
        tpu.enqueue_indirect_dma source(%dma_start3A_205 : memref<100000x32xi32, #tpu.memory_space<hbm>>) target(%dma_start3A_201 : memref<112x32xi32, #tpu.memory_space<vmem>>) offsets(%dma_start3A_202 : memref<112xi32, #tpu.memory_space<vmem>>) semaphore(%dma_start3A_207 : memref<!tpu.dma_semaphore, #tpu.memory_space<semaphore_mem>>)
        %add3A_208 = arith.constant 1 : i32
        %add3A_209 = arith.addi %mul3A_172, %add3A_208 : i32
        %mul3A_210 = arith.constant 112 : i32
        %mul3A_211 = arith.muli %add3A_209, %mul3A_210 : i32
        %dma_wait3A_212 = arith.constant 1 : i32
        %dma_wait3A_213 = arith.constant 112 : i32
        %dma_wait3A_214 = arith.constant 0 : i32
        %dma_wait3A_215 = tpu.memref_slice %arg10[%dma_wait3A_213, %dma_wait3A_214] : memref<448x32xi32, #tpu.memory_space<vmem>> -> memref<112x32xi32, #tpu.memory_space<vmem>>
        %dma_wait3A_216 = tpu.memref_slice %arg9[%mul3A_211] : memref<4480xi32, #tpu.memory_space<vmem>> -> memref<112xi32, #tpu.memory_space<vmem>>
        %dma_wait3A_217 = arith.constant 0 : i32
        %dma_wait3A_218 = arith.constant 0 : i32
        %dma_wait3A_219 = tpu.memref_slice %arg4[%dma_wait3A_217, %dma_wait3A_218] : memref<100000x32xi32, #tpu.memory_space<hbm>> -> memref<100000x32xi32, #tpu.memory_space<hbm>>
        %dma_wait3A_220 = tpu.memref_slice %arg13[%dma_wait3A_212] : memref<4x!tpu.dma_semaphore, #tpu.memory_space<semaphore_mem>> -> memref<1x!tpu.dma_semaphore, #tpu.memory_space<semaphore_mem>>
        %dma_wait3A_221 = tpu.memref_squeeze %dma_wait3A_220 : memref<1x!tpu.dma_semaphore, #tpu.memory_space<semaphore_mem>> -> memref<!tpu.dma_semaphore, #tpu.memory_space<semaphore_mem>>
        tpu.wait_indirect_dma semaphore(%dma_wait3A_221 : memref<!tpu.dma_semaphore, #tpu.memory_space<semaphore_mem>>) src(%dma_wait3A_219 : memref<100000x32xi32, #tpu.memory_space<hbm>>) dst(%dma_wait3A_215 : memref<112x32xi32, #tpu.memory_space<vmem>>)
        %scan3A_222 = arith.constant 0 : i32
        %scan3A_223 = arith.constant 28 : i32
        %scan3A_224 = arith.addi %scan3A_222, %scan3A_223 : i32
        %scan3A_225 = arith.constant 1 : i32
        scf.for %scan3A_313 = %scan3A_222 to %scan3A_224 step %scan3A_225  : i32 {
          %mul3A_314 = arith.constant 4 : i32
          %mul3A_315 = arith.muli %scan3A_313, %mul3A_314 : i32
          %add3A_316 = arith.constant 112 : i32
          %add3A_317 = arith.addi %add3A_316, %mul3A_315 : i32
          %mul3A_318 = arith.constant 4 : i32
          %mul3A_319 = arith.muli %scan3A_313, %mul3A_318 : i32
          %add3A_320 = arith.constant 112 : i32
          %add3A_321 = arith.addi %add3A_320, %mul3A_319 : i32
          %add3A_322 = arith.constant 0 : i32
          %add3A_323 = arith.addi %add3A_317, %add3A_322 : i32
          %get3A = arith.index_cast %add3A_323 : i32 to index
          %get3A_324 = arith.constant 0 : index
          %get3A_325 = tpu.vector_load %arg10[%get3A, %get3A_324] {strides = array<i32>} : memref<448x32xi32, #tpu.memory_space<vmem>>, vector<16xi32>,
          %bitcast3A = vector.bitcast %get3A_325 : vector<16xi32> to vector<32xbf16>
          %unpack3A = tpu.unpack_subelements %bitcast3A, 0 {pack_format = #tpu.pack_format<interleaved>} : vector<32xbf16> -> vector<16xf32>
          %unpack3A_326 = tpu.unpack_subelements %bitcast3A, 1 {pack_format = #tpu.pack_format<interleaved>} : vector<32xbf16> -> vector<16xf32>
          %add3A_327 = arith.constant 0 : i32
          %add3A_328 = arith.addi %add3A_321, %add3A_327 : i32
          %mul3A_329 = arith.constant 64 : i32
          %mul3A_330 = arith.muli %add3A_328, %mul3A_329 : i32
          %add3A_331 = arith.constant 0 : i32
          %add3A_332 = arith.addi %mul3A_330, %add3A_331 : i32
          %swap3A = arith.index_cast %add3A_332 : i32 to index
          %swap3A_333 = tpu.vector_load %arg11[%swap3A] {strides = array<i32>} : memref<14336xf32, #tpu.memory_space<vmem>>, vector<16xf32>,
          tpu.vector_store %arg11[%swap3A], %unpack3A {add = true, strides = array<i32>} : memref<14336xf32, #tpu.memory_space<vmem>>, vector<16xf32>,
          %add3A_334 = arith.constant 16 : i32
          %add3A_335 = arith.addi %add3A_332, %add3A_334 : i32
          %swap3A_336 = arith.index_cast %add3A_335 : i32 to index
          %swap3A_337 = tpu.vector_load %arg11[%swap3A_336] {strides = array<i32>} : memref<14336xf32, #tpu.memory_space<vmem>>, vector<16xf32>,
          tpu.vector_store %arg11[%swap3A_336], %unpack3A_326 {add = true, strides = array<i32>} : memref<14336xf32, #tpu.memory_space<vmem>>, vector<16xf32>,
          %add3A_338 = arith.constant 0 : i32
          %add3A_339 = arith.addi %add3A_317, %add3A_338 : i32
          %get3A_340 = arith.index_cast %add3A_339 : i32 to index
          %get3A_341 = arith.constant 16 : index
          %get3A_342 = tpu.vector_load %arg10[%get3A_340, %get3A_341] {strides = array<i32>} : memref<448x32xi32, #tpu.memory_space<vmem>>, vector<16xi32>,
          %bitcast3A_343 = vector.bitcast %get3A_342 : vector<16xi32> to vector<32xbf16>
          %unpack3A_344 = tpu.unpack_subelements %bitcast3A_343, 0 {pack_format = #tpu.pack_format<interleaved>} : vector<32xbf16> -> vector<16xf32>
          %unpack3A_345 = tpu.unpack_subelements %bitcast3A_343, 1 {pack_format = #tpu.pack_format<interleaved>} : vector<32xbf16> -> vector<16xf32>
          %add3A_346 = arith.constant 0 : i32
          %add3A_347 = arith.addi %add3A_321, %add3A_346 : i32
          %mul3A_348 = arith.constant 64 : i32
          %mul3A_349 = arith.muli %add3A_347, %mul3A_348 : i32
          %add3A_350 = arith.constant 32 : i32
          %add3A_351 = arith.addi %mul3A_349, %add3A_350 : i32
          %swap3A_352 = arith.index_cast %add3A_351 : i32 to index
          %swap3A_353 = tpu.vector_load %arg11[%swap3A_352] {strides = array<i32>} : memref<14336xf32, #tpu.memory_space<vmem>>, vector<16xf32>,
          tpu.vector_store %arg11[%swap3A_352], %unpack3A_344 {add = true, strides = array<i32>} : memref<14336xf32, #tpu.memory_space<vmem>>, vector<16xf32>,
          %add3A_354 = arith.constant 16 : i32
          %add3A_355 = arith.addi %add3A_351, %add3A_354 : i32
          %swap3A_356 = arith.index_cast %add3A_355 : i32 to index
          %swap3A_357 = tpu.vector_load %arg11[%swap3A_356] {strides = array<i32>} : memref<14336xf32, #tpu.memory_space<vmem>>, vector<16xf32>,
          tpu.vector_store %arg11[%swap3A_356], %unpack3A_345 {add = true, strides = array<i32>} : memref<14336xf32, #tpu.memory_space<vmem>>, vector<16xf32>,
          %add3A_358 = arith.constant 1 : i32
          %add3A_359 = arith.addi %add3A_317, %add3A_358 : i32
          %get3A_360 = arith.index_cast %add3A_359 : i32 to index
          %get3A_361 = arith.constant 0 : index
          %get3A_362 = tpu.vector_load %arg10[%get3A_360, %get3A_361] {strides = array<i32>} : memref<448x32xi32, #tpu.memory_space<vmem>>, vector<16xi32>,
          %bitcast3A_363 = vector.bitcast %get3A_362 : vector<16xi32> to vector<32xbf16>
          %unpack3A_364 = tpu.unpack_subelements %bitcast3A_363, 0 {pack_format = #tpu.pack_format<interleaved>} : vector<32xbf16> -> vector<16xf32>
          %unpack3A_365 = tpu.unpack_subelements %bitcast3A_363, 1 {pack_format = #tpu.pack_format<interleaved>} : vector<32xbf16> -> vector<16xf32>
          %add3A_366 = arith.constant 1 : i32
          %add3A_367 = arith.addi %add3A_321, %add3A_366 : i32
          %mul3A_368 = arith.constant 64 : i32
          %mul3A_369 = arith.muli %add3A_367, %mul3A_368 : i32
          %add3A_370 = arith.constant 0 : i32
          %add3A_371 = arith.addi %mul3A_369, %add3A_370 : i32
          %swap3A_372 = arith.index_cast %add3A_371 : i32 to index
          %swap3A_373 = tpu.vector_load %arg11[%swap3A_372] {strides = array<i32>} : memref<14336xf32, #tpu.memory_space<vmem>>, vector<16xf32>,
          tpu.vector_store %arg11[%swap3A_372], %unpack3A_364 {add = true, strides = array<i32>} : memref<14336xf32, #tpu.memory_space<vmem>>, vector<16xf32>,
          %add3A_374 = arith.constant 16 : i32
          %add3A_375 = arith.addi %add3A_371, %add3A_374 : i32
          %swap3A_376 = arith.index_cast %add3A_375 : i32 to index
          %swap3A_377 = tpu.vector_load %arg11[%swap3A_376] {strides = array<i32>} : memref<14336xf32, #tpu.memory_space<vmem>>, vector<16xf32>,
          tpu.vector_store %arg11[%swap3A_376], %unpack3A_365 {add = true, strides = array<i32>} : memref<14336xf32, #tpu.memory_space<vmem>>, vector<16xf32>,
          %add3A_378 = arith.constant 1 : i32
          %add3A_379 = arith.addi %add3A_317, %add3A_378 : i32
          %get3A_380 = arith.index_cast %add3A_379 : i32 to index
          %get3A_381 = arith.constant 16 : index
          %get3A_382 = tpu.vector_load %arg10[%get3A_380, %get3A_381] {strides = array<i32>} : memref<448x32xi32, #tpu.memory_space<vmem>>, vector<16xi32>,
          %bitcast3A_383 = vector.bitcast %get3A_382 : vector<16xi32> to vector<32xbf16>
          %unpack3A_384 = tpu.unpack_subelements %bitcast3A_383, 0 {pack_format = #tpu.pack_format<interleaved>} : vector<32xbf16> -> vector<16xf32>
          %unpack3A_385 = tpu.unpack_subelements %bitcast3A_383, 1 {pack_format = #tpu.pack_format<interleaved>} : vector<32xbf16> -> vector<16xf32>
          %add3A_386 = arith.constant 1 : i32
          %add3A_387 = arith.addi %add3A_321, %add3A_386 : i32
          %mul3A_388 = arith.constant 64 : i32
          %mul3A_389 = arith.muli %add3A_387, %mul3A_388 : i32
          %add3A_390 = arith.constant 32 : i32
          %add3A_391 = arith.addi %mul3A_389, %add3A_390 : i32
          %swap3A_392 = arith.index_cast %add3A_391 : i32 to index
          %swap3A_393 = tpu.vector_load %arg11[%swap3A_392] {strides = array<i32>} : memref<14336xf32, #tpu.memory_space<vmem>>, vector<16xf32>,
          tpu.vector_store %arg11[%swap3A_392], %unpack3A_384 {add = true, strides = array<i32>} : memref<14336xf32, #tpu.memory_space<vmem>>, vector<16xf32>,
          %add3A_394 = arith.constant 16 : i32
          %add3A_395 = arith.addi %add3A_391, %add3A_394 : i32
          %swap3A_396 = arith.index_cast %add3A_395 : i32 to index
          %swap3A_397 = tpu.vector_load %arg11[%swap3A_396] {strides = array<i32>} : memref<14336xf32, #tpu.memory_space<vmem>>, vector<16xf32>,
          tpu.vector_store %arg11[%swap3A_396], %unpack3A_385 {add = true, strides = array<i32>} : memref<14336xf32, #tpu.memory_space<vmem>>, vector<16xf32>,
          %add3A_398 = arith.constant 2 : i32
          %add3A_399 = arith.addi %add3A_317, %add3A_398 : i32
          %get3A_400 = arith.index_cast %add3A_399 : i32 to index
          %get3A_401 = arith.constant 0 : index
          %get3A_402 = tpu.vector_load %arg10[%get3A_400, %get3A_401] {strides = array<i32>} : memref<448x32xi32, #tpu.memory_space<vmem>>, vector<16xi32>,
          %bitcast3A_403 = vector.bitcast %get3A_402 : vector<16xi32> to vector<32xbf16>
          %unpack3A_404 = tpu.unpack_subelements %bitcast3A_403, 0 {pack_format = #tpu.pack_format<interleaved>} : vector<32xbf16> -> vector<16xf32>
          %unpack3A_405 = tpu.unpack_subelements %bitcast3A_403, 1 {pack_format = #tpu.pack_format<interleaved>} : vector<32xbf16> -> vector<16xf32>
          %add3A_406 = arith.constant 2 : i32
          %add3A_407 = arith.addi %add3A_321, %add3A_406 : i32
          %mul3A_408 = arith.constant 64 : i32
          %mul3A_409 = arith.muli %add3A_407, %mul3A_408 : i32
          %add3A_410 = arith.constant 0 : i32
          %add3A_411 = arith.addi %mul3A_409, %add3A_410 : i32
          %swap3A_412 = arith.index_cast %add3A_411 : i32 to index
          %swap3A_413 = tpu.vector_load %arg11[%swap3A_412] {strides = array<i32>} : memref<14336xf32, #tpu.memory_space<vmem>>, vector<16xf32>,
          tpu.vector_store %arg11[%swap3A_412], %unpack3A_404 {add = true, strides = array<i32>} : memref<14336xf32, #tpu.memory_space<vmem>>, vector<16xf32>,
          %add3A_414 = arith.constant 16 : i32
          %add3A_415 = arith.addi %add3A_411, %add3A_414 : i32
          %swap3A_416 = arith.index_cast %add3A_415 : i32 to index
          %swap3A_417 = tpu.vector_load %arg11[%swap3A_416] {strides = array<i32>} : memref<14336xf32, #tpu.memory_space<vmem>>, vector<16xf32>,
          tpu.vector_store %arg11[%swap3A_416], %unpack3A_405 {add = true, strides = array<i32>} : memref<14336xf32, #tpu.memory_space<vmem>>, vector<16xf32>,
          %add3A_418 = arith.constant 2 : i32
          %add3A_419 = arith.addi %add3A_317, %add3A_418 : i32
          %get3A_420 = arith.index_cast %add3A_419 : i32 to index
          %get3A_421 = arith.constant 16 : index
          %get3A_422 = tpu.vector_load %arg10[%get3A_420, %get3A_421] {strides = array<i32>} : memref<448x32xi32, #tpu.memory_space<vmem>>, vector<16xi32>,
          %bitcast3A_423 = vector.bitcast %get3A_422 : vector<16xi32> to vector<32xbf16>
          %unpack3A_424 = tpu.unpack_subelements %bitcast3A_423, 0 {pack_format = #tpu.pack_format<interleaved>} : vector<32xbf16> -> vector<16xf32>
          %unpack3A_425 = tpu.unpack_subelements %bitcast3A_423, 1 {pack_format = #tpu.pack_format<interleaved>} : vector<32xbf16> -> vector<16xf32>
          %add3A_426 = arith.constant 2 : i32
          %add3A_427 = arith.addi %add3A_321, %add3A_426 : i32
          %mul3A_428 = arith.constant 64 : i32
          %mul3A_429 = arith.muli %add3A_427, %mul3A_428 : i32
          %add3A_430 = arith.constant 32 : i32
          %add3A_431 = arith.addi %mul3A_429, %add3A_430 : i32
          %swap3A_432 = arith.index_cast %add3A_431 : i32 to index
          %swap3A_433 = tpu.vector_load %arg11[%swap3A_432] {strides = array<i32>} : memref<14336xf32, #tpu.memory_space<vmem>>, vector<16xf32>,
          tpu.vector_store %arg11[%swap3A_432], %unpack3A_424 {add = true, strides = array<i32>} : memref<14336xf32, #tpu.memory_space<vmem>>, vector<16xf32>,
          %add3A_434 = arith.constant 16 : i32
          %add3A_435 = arith.addi %add3A_431, %add3A_434 : i32
          %swap3A_436 = arith.index_cast %add3A_435 : i32 to index
          %swap3A_437 = tpu.vector_load %arg11[%swap3A_436] {strides = array<i32>} : memref<14336xf32, #tpu.memory_space<vmem>>, vector<16xf32>,
          tpu.vector_store %arg11[%swap3A_436], %unpack3A_425 {add = true, strides = array<i32>} : memref<14336xf32, #tpu.memory_space<vmem>>, vector<16xf32>,
          %add3A_438 = arith.constant 3 : i32
          %add3A_439 = arith.addi %add3A_317, %add3A_438 : i32
          %get3A_440 = arith.index_cast %add3A_439 : i32 to index
          %get3A_441 = arith.constant 0 : index
          %get3A_442 = tpu.vector_load %arg10[%get3A_440, %get3A_441] {strides = array<i32>} : memref<448x32xi32, #tpu.memory_space<vmem>>, vector<16xi32>,
          %bitcast3A_443 = vector.bitcast %get3A_442 : vector<16xi32> to vector<32xbf16>
          %unpack3A_444 = tpu.unpack_subelements %bitcast3A_443, 0 {pack_format = #tpu.pack_format<interleaved>} : vector<32xbf16> -> vector<16xf32>
          %unpack3A_445 = tpu.unpack_subelements %bitcast3A_443, 1 {pack_format = #tpu.pack_format<interleaved>} : vector<32xbf16> -> vector<16xf32>
          %add3A_446 = arith.constant 3 : i32
          %add3A_447 = arith.addi %add3A_321, %add3A_446 : i32
          %mul3A_448 = arith.constant 64 : i32
          %mul3A_449 = arith.muli %add3A_447, %mul3A_448 : i32
          %add3A_450 = arith.constant 0 : i32
          %add3A_451 = arith.addi %mul3A_449, %add3A_450 : i32
          %swap3A_452 = arith.index_cast %add3A_451 : i32 to index
          %swap3A_453 = tpu.vector_load %arg11[%swap3A_452] {strides = array<i32>} : memref<14336xf32, #tpu.memory_space<vmem>>, vector<16xf32>,
          tpu.vector_store %arg11[%swap3A_452], %unpack3A_444 {add = true, strides = array<i32>} : memref<14336xf32, #tpu.memory_space<vmem>>, vector<16xf32>,
          %add3A_454 = arith.constant 16 : i32
          %add3A_455 = arith.addi %add3A_451, %add3A_454 : i32
          %swap3A_456 = arith.index_cast %add3A_455 : i32 to index
          %swap3A_457 = tpu.vector_load %arg11[%swap3A_456] {strides = array<i32>} : memref<14336xf32, #tpu.memory_space<vmem>>, vector<16xf32>,
          tpu.vector_store %arg11[%swap3A_456], %unpack3A_445 {add = true, strides = array<i32>} : memref<14336xf32, #tpu.memory_space<vmem>>, vector<16xf32>,
          %add3A_458 = arith.constant 3 : i32
          %add3A_459 = arith.addi %add3A_317, %add3A_458 : i32
          %get3A_460 = arith.index_cast %add3A_459 : i32 to index
          %get3A_461 = arith.constant 16 : index
          %get3A_462 = tpu.vector_load %arg10[%get3A_460, %get3A_461] {strides = array<i32>} : memref<448x32xi32, #tpu.memory_space<vmem>>, vector<16xi32>,
          %bitcast3A_463 = vector.bitcast %get3A_462 : vector<16xi32> to vector<32xbf16>
          %unpack3A_464 = tpu.unpack_subelements %bitcast3A_463, 0 {pack_format = #tpu.pack_format<interleaved>} : vector<32xbf16> -> vector<16xf32>
          %unpack3A_465 = tpu.unpack_subelements %bitcast3A_463, 1 {pack_format = #tpu.pack_format<interleaved>} : vector<32xbf16> -> vector<16xf32>
          %add3A_466 = arith.constant 3 : i32
          %add3A_467 = arith.addi %add3A_321, %add3A_466 : i32
          %mul3A_468 = arith.constant 64 : i32
          %mul3A_469 = arith.muli %add3A_467, %mul3A_468 : i32
          %add3A_470 = arith.constant 32 : i32
          %add3A_471 = arith.addi %mul3A_469, %add3A_470 : i32
          %swap3A_472 = arith.index_cast %add3A_471 : i32 to index
          %swap3A_473 = tpu.vector_load %arg11[%swap3A_472] {strides = array<i32>} : memref<14336xf32, #tpu.memory_space<vmem>>, vector<16xf32>,
          tpu.vector_store %arg11[%swap3A_472], %unpack3A_464 {add = true, strides = array<i32>} : memref<14336xf32, #tpu.memory_space<vmem>>, vector<16xf32>,
          %add3A_474 = arith.constant 16 : i32
          %add3A_475 = arith.addi %add3A_471, %add3A_474 : i32
          %swap3A_476 = arith.index_cast %add3A_475 : i32 to index
          %swap3A_477 = tpu.vector_load %arg11[%swap3A_476] {strides = array<i32>} : memref<14336xf32, #tpu.memory_space<vmem>>, vector<16xf32>,
          tpu.vector_store %arg11[%swap3A_476], %unpack3A_465 {add = true, strides = array<i32>} : memref<14336xf32, #tpu.memory_space<vmem>>, vector<16xf32>,
        }
        %scan3A_226 = arith.constant 28 : i32
        %add3A_227 = arith.constant 1 : i32
        %add3A_228 = arith.addi %mul3A_172, %add3A_227 : i32
        %add3A_229 = arith.constant 4 : i32
        %add3A_230 = arith.addi %add3A_228, %add3A_229 : i32
        %mul3A_231 = arith.constant 112 : i32
        %mul3A_232 = arith.muli %add3A_230, %mul3A_231 : i32
        %dma_start3A_233 = arith.constant 1 : i32
        %dma_start3A_234 = arith.constant 112 : i32
        %dma_start3A_235 = arith.constant 0 : i32
        %dma_start3A_236 = tpu.memref_slice %arg10[%dma_start3A_234, %dma_start3A_235] : memref<448x32xi32, #tpu.memory_space<vmem>> -> memref<112x32xi32, #tpu.memory_space<vmem>>
        %dma_start3A_237 = tpu.memref_slice %arg9[%mul3A_232] : memref<4480xi32, #tpu.memory_space<vmem>> -> memref<112xi32, #tpu.memory_space<vmem>>
        %dma_start3A_238 = arith.constant 0 : i32
        %dma_start3A_239 = arith.constant 0 : i32
        %dma_start3A_240 = tpu.memref_slice %arg4[%dma_start3A_238, %dma_start3A_239] : memref<100000x32xi32, #tpu.memory_space<hbm>> -> memref<100000x32xi32, #tpu.memory_space<hbm>>
        %dma_start3A_241 = tpu.memref_slice %arg13[%dma_start3A_233] : memref<4x!tpu.dma_semaphore, #tpu.memory_space<semaphore_mem>> -> memref<1x!tpu.dma_semaphore, #tpu.memory_space<semaphore_mem>>
        %dma_start3A_242 = tpu.memref_squeeze %dma_start3A_241 : memref<1x!tpu.dma_semaphore, #tpu.memory_space<semaphore_mem>> -> memref<!tpu.dma_semaphore, #tpu.memory_space<semaphore_mem>>
        tpu.enqueue_indirect_dma source(%dma_start3A_240 : memref<100000x32xi32, #tpu.memory_space<hbm>>) target(%dma_start3A_236 : memref<112x32xi32, #tpu.memory_space<vmem>>) offsets(%dma_start3A_237 : memref<112xi32, #tpu.memory_space<vmem>>) semaphore(%dma_start3A_242 : memref<!tpu.dma_semaphore, #tpu.memory_space<semaphore_mem>>)
        %add3A_243 = arith.constant 2 : i32
        %add3A_244 = arith.addi %mul3A_172, %add3A_243 : i32
        %mul3A_245 = arith.constant 112 : i32
        %mul3A_246 = arith.muli %add3A_244, %mul3A_245 : i32
        %dma_wait3A_247 = arith.constant 2 : i32
        %dma_wait3A_248 = arith.constant 224 : i32
        %dma_wait3A_249 = arith.constant 0 : i32
        %dma_wait3A_250 = tpu.memref_slice %arg10[%dma_wait3A_248, %dma_wait3A_249] : memref<448x32xi32, #tpu.memory_space<vmem>> -> memref<112x32xi32, #tpu.memory_space<vmem>>
        %dma_wait3A_251 = tpu.memref_slice %arg9[%mul3A_246] : memref<4480xi32, #tpu.memory_space<vmem>> -> memref<112xi32, #tpu.memory_space<vmem>>
        %dma_wait3A_252 = arith.constant 0 : i32
        %dma_wait3A_253 = arith.constant 0 : i32
        %dma_wait3A_254 = tpu.memref_slice %arg4[%dma_wait3A_252, %dma_wait3A_253] : memref<100000x32xi32, #tpu.memory_space<hbm>> -> memref<100000x32xi32, #tpu.memory_space<hbm>>
        %dma_wait3A_255 = tpu.memref_slice %arg13[%dma_wait3A_247] : memref<4x!tpu.dma_semaphore, #tpu.memory_space<semaphore_mem>> -> memref<1x!tpu.dma_semaphore, #tpu.memory_space<semaphore_mem>>
        %dma_wait3A_256 = tpu.memref_squeeze %dma_wait3A_255 : memref<1x!tpu.dma_semaphore, #tpu.memory_space<semaphore_mem>> -> memref<!tpu.dma_semaphore, #tpu.memory_space<semaphore_mem>>
        tpu.wait_indirect_dma semaphore(%dma_wait3A_256 : memref<!tpu.dma_semaphore, #tpu.memory_space<semaphore_mem>>) src(%dma_wait3A_254 : memref<100000x32xi32, #tpu.memory_space<hbm>>) dst(%dma_wait3A_250 : memref<112x32xi32, #tpu.memory_space<vmem>>)
        %scan3A_257 = arith.constant 0 : i32
        %scan3A_258 = arith.constant 28 : i32
        %scan3A_259 = arith.addi %scan3A_257, %scan3A_258 : i32
        %scan3A_260 = arith.constant 1 : i32
        scf.for %scan3A_313 = %scan3A_257 to %scan3A_259 step %scan3A_260  : i32 {
          %mul3A_314 = arith.constant 4 : i32
          %mul3A_315 = arith.muli %scan3A_313, %mul3A_314 : i32
          %add3A_316 = arith.constant 224 : i32
          %add3A_317 = arith.addi %add3A_316, %mul3A_315 : i32
          %mul3A_318 = arith.constant 4 : i32
          %mul3A_319 = arith.muli %scan3A_313, %mul3A_318 : i32
          %add3A_320 = arith.constant 0 : i32
          %add3A_321 = arith.addi %add3A_320, %mul3A_319 : i32
          %add3A_322 = arith.constant 0 : i32
          %add3A_323 = arith.addi %add3A_317, %add3A_322 : i32
          %get3A = arith.index_cast %add3A_323 : i32 to index
          %get3A_324 = arith.constant 0 : index
          %get3A_325 = tpu.vector_load %arg10[%get3A, %get3A_324] {strides = array<i32>} : memref<448x32xi32, #tpu.memory_space<vmem>>, vector<16xi32>,
          %bitcast3A = vector.bitcast %get3A_325 : vector<16xi32> to vector<32xbf16>
          %unpack3A = tpu.unpack_subelements %bitcast3A, 0 {pack_format = #tpu.pack_format<interleaved>} : vector<32xbf16> -> vector<16xf32>
          %unpack3A_326 = tpu.unpack_subelements %bitcast3A, 1 {pack_format = #tpu.pack_format<interleaved>} : vector<32xbf16> -> vector<16xf32>
          %add3A_327 = arith.constant 0 : i32
          %add3A_328 = arith.addi %add3A_321, %add3A_327 : i32
          %mul3A_329 = arith.constant 64 : i32
          %mul3A_330 = arith.muli %add3A_328, %mul3A_329 : i32
          %add3A_331 = arith.constant 0 : i32
          %add3A_332 = arith.addi %mul3A_330, %add3A_331 : i32
          %swap3A = arith.index_cast %add3A_332 : i32 to index
          %swap3A_333 = tpu.vector_load %arg11[%swap3A] {strides = array<i32>} : memref<14336xf32, #tpu.memory_space<vmem>>, vector<16xf32>,
          tpu.vector_store %arg11[%swap3A], %unpack3A {add = true, strides = array<i32>} : memref<14336xf32, #tpu.memory_space<vmem>>, vector<16xf32>,
          %add3A_334 = arith.constant 16 : i32
          %add3A_335 = arith.addi %add3A_332, %add3A_334 : i32
          %swap3A_336 = arith.index_cast %add3A_335 : i32 to index
          %swap3A_337 = tpu.vector_load %arg11[%swap3A_336] {strides = array<i32>} : memref<14336xf32, #tpu.memory_space<vmem>>, vector<16xf32>,
          tpu.vector_store %arg11[%swap3A_336], %unpack3A_326 {add = true, strides = array<i32>} : memref<14336xf32, #tpu.memory_space<vmem>>, vector<16xf32>,
          %add3A_338 = arith.constant 0 : i32
          %add3A_339 = arith.addi %add3A_317, %add3A_338 : i32
          %get3A_340 = arith.index_cast %add3A_339 : i32 to index
          %get3A_341 = arith.constant 16 : index
          %get3A_342 = tpu.vector_load %arg10[%get3A_340, %get3A_341] {strides = array<i32>} : memref<448x32xi32, #tpu.memory_space<vmem>>, vector<16xi32>,
          %bitcast3A_343 = vector.bitcast %get3A_342 : vector<16xi32> to vector<32xbf16>
          %unpack3A_344 = tpu.unpack_subelements %bitcast3A_343, 0 {pack_format = #tpu.pack_format<interleaved>} : vector<32xbf16> -> vector<16xf32>
          %unpack3A_345 = tpu.unpack_subelements %bitcast3A_343, 1 {pack_format = #tpu.pack_format<interleaved>} : vector<32xbf16> -> vector<16xf32>
          %add3A_346 = arith.constant 0 : i32
          %add3A_347 = arith.addi %add3A_321, %add3A_346 : i32
          %mul3A_348 = arith.constant 64 : i32
          %mul3A_349 = arith.muli %add3A_347, %mul3A_348 : i32
          %add3A_350 = arith.constant 32 : i32
          %add3A_351 = arith.addi %mul3A_349, %add3A_350 : i32
          %swap3A_352 = arith.index_cast %add3A_351 : i32 to index
          %swap3A_353 = tpu.vector_load %arg11[%swap3A_352] {strides = array<i32>} : memref<14336xf32, #tpu.memory_space<vmem>>, vector<16xf32>,
          tpu.vector_store %arg11[%swap3A_352], %unpack3A_344 {add = true, strides = array<i32>} : memref<14336xf32, #tpu.memory_space<vmem>>, vector<16xf32>,
          %add3A_354 = arith.constant 16 : i32
          %add3A_355 = arith.addi %add3A_351, %add3A_354 : i32
          %swap3A_356 = arith.index_cast %add3A_355 : i32 to index
          %swap3A_357 = tpu.vector_load %arg11[%swap3A_356] {strides = array<i32>} : memref<14336xf32, #tpu.memory_space<vmem>>, vector<16xf32>,
          tpu.vector_store %arg11[%swap3A_356], %unpack3A_345 {add = true, strides = array<i32>} : memref<14336xf32, #tpu.memory_space<vmem>>, vector<16xf32>,
          %add3A_358 = arith.constant 1 : i32
          %add3A_359 = arith.addi %add3A_317, %add3A_358 : i32
          %get3A_360 = arith.index_cast %add3A_359 : i32 to index
          %get3A_361 = arith.constant 0 : index
          %get3A_362 = tpu.vector_load %arg10[%get3A_360, %get3A_361] {strides = array<i32>} : memref<448x32xi32, #tpu.memory_space<vmem>>, vector<16xi32>,
          %bitcast3A_363 = vector.bitcast %get3A_362 : vector<16xi32> to vector<32xbf16>
          %unpack3A_364 = tpu.unpack_subelements %bitcast3A_363, 0 {pack_format = #tpu.pack_format<interleaved>} : vector<32xbf16> -> vector<16xf32>
          %unpack3A_365 = tpu.unpack_subelements %bitcast3A_363, 1 {pack_format = #tpu.pack_format<interleaved>} : vector<32xbf16> -> vector<16xf32>
          %add3A_366 = arith.constant 1 : i32
          %add3A_367 = arith.addi %add3A_321, %add3A_366 : i32
          %mul3A_368 = arith.constant 64 : i32
          %mul3A_369 = arith.muli %add3A_367, %mul3A_368 : i32
          %add3A_370 = arith.constant 0 : i32
          %add3A_371 = arith.addi %mul3A_369, %add3A_370 : i32
          %swap3A_372 = arith.index_cast %add3A_371 : i32 to index
          %swap3A_373 = tpu.vector_load %arg11[%swap3A_372] {strides = array<i32>} : memref<14336xf32, #tpu.memory_space<vmem>>, vector<16xf32>,
          tpu.vector_store %arg11[%swap3A_372], %unpack3A_364 {add = true, strides = array<i32>} : memref<14336xf32, #tpu.memory_space<vmem>>, vector<16xf32>,
          %add3A_374 = arith.constant 16 : i32
          %add3A_375 = arith.addi %add3A_371, %add3A_374 : i32
          %swap3A_376 = arith.index_cast %add3A_375 : i32 to index
          %swap3A_377 = tpu.vector_load %arg11[%swap3A_376] {strides = array<i32>} : memref<14336xf32, #tpu.memory_space<vmem>>, vector<16xf32>,
          tpu.vector_store %arg11[%swap3A_376], %unpack3A_365 {add = true, strides = array<i32>} : memref<14336xf32, #tpu.memory_space<vmem>>, vector<16xf32>,
          %add3A_378 = arith.constant 1 : i32
          %add3A_379 = arith.addi %add3A_317, %add3A_378 : i32
          %get3A_380 = arith.index_cast %add3A_379 : i32 to index
          %get3A_381 = arith.constant 16 : index
          %get3A_382 = tpu.vector_load %arg10[%get3A_380, %get3A_381] {strides = array<i32>} : memref<448x32xi32, #tpu.memory_space<vmem>>, vector<16xi32>,
          %bitcast3A_383 = vector.bitcast %get3A_382 : vector<16xi32> to vector<32xbf16>
          %unpack3A_384 = tpu.unpack_subelements %bitcast3A_383, 0 {pack_format = #tpu.pack_format<interleaved>} : vector<32xbf16> -> vector<16xf32>
          %unpack3A_385 = tpu.unpack_subelements %bitcast3A_383, 1 {pack_format = #tpu.pack_format<interleaved>} : vector<32xbf16> -> vector<16xf32>
          %add3A_386 = arith.constant 1 : i32
          %add3A_387 = arith.addi %add3A_321, %add3A_386 : i32
          %mul3A_388 = arith.constant 64 : i32
          %mul3A_389 = arith.muli %add3A_387, %mul3A_388 : i32
          %add3A_390 = arith.constant 32 : i32
          %add3A_391 = arith.addi %mul3A_389, %add3A_390 : i32
          %swap3A_392 = arith.index_cast %add3A_391 : i32 to index
          %swap3A_393 = tpu.vector_load %arg11[%swap3A_392] {strides = array<i32>} : memref<14336xf32, #tpu.memory_space<vmem>>, vector<16xf32>,
          tpu.vector_store %arg11[%swap3A_392], %unpack3A_384 {add = true, strides = array<i32>} : memref<14336xf32, #tpu.memory_space<vmem>>, vector<16xf32>,
          %add3A_394 = arith.constant 16 : i32
          %add3A_395 = arith.addi %add3A_391, %add3A_394 : i32
          %swap3A_396 = arith.index_cast %add3A_395 : i32 to index
          %swap3A_397 = tpu.vector_load %arg11[%swap3A_396] {strides = array<i32>} : memref<14336xf32, #tpu.memory_space<vmem>>, vector<16xf32>,
          tpu.vector_store %arg11[%swap3A_396], %unpack3A_385 {add = true, strides = array<i32>} : memref<14336xf32, #tpu.memory_space<vmem>>, vector<16xf32>,
          %add3A_398 = arith.constant 2 : i32
          %add3A_399 = arith.addi %add3A_317, %add3A_398 : i32
          %get3A_400 = arith.index_cast %add3A_399 : i32 to index
          %get3A_401 = arith.constant 0 : index
          %get3A_402 = tpu.vector_load %arg10[%get3A_400, %get3A_401] {strides = array<i32>} : memref<448x32xi32, #tpu.memory_space<vmem>>, vector<16xi32>,
          %bitcast3A_403 = vector.bitcast %get3A_402 : vector<16xi32> to vector<32xbf16>
          %unpack3A_404 = tpu.unpack_subelements %bitcast3A_403, 0 {pack_format = #tpu.pack_format<interleaved>} : vector<32xbf16> -> vector<16xf32>
          %unpack3A_405 = tpu.unpack_subelements %bitcast3A_403, 1 {pack_format = #tpu.pack_format<interleaved>} : vector<32xbf16> -> vector<16xf32>
          %add3A_406 = arith.constant 2 : i32
          %add3A_407 = arith.addi %add3A_321, %add3A_406 : i32
          %mul3A_408 = arith.constant 64 : i32
          %mul3A_409 = arith.muli %add3A_407, %mul3A_408 : i32
          %add3A_410 = arith.constant 0 : i32
          %add3A_411 = arith.addi %mul3A_409, %add3A_410 : i32
          %swap3A_412 = arith.index_cast %add3A_411 : i32 to index
          %swap3A_413 = tpu.vector_load %arg11[%swap3A_412] {strides = array<i32>} : memref<14336xf32, #tpu.memory_space<vmem>>, vector<16xf32>,
          tpu.vector_store %arg11[%swap3A_412], %unpack3A_404 {add = true, strides = array<i32>} : memref<14336xf32, #tpu.memory_space<vmem>>, vector<16xf32>,
          %add3A_414 = arith.constant 16 : i32
          %add3A_415 = arith.addi %add3A_411, %add3A_414 : i32
          %swap3A_416 = arith.index_cast %add3A_415 : i32 to index
          %swap3A_417 = tpu.vector_load %arg11[%swap3A_416] {strides = array<i32>} : memref<14336xf32, #tpu.memory_space<vmem>>, vector<16xf32>,
          tpu.vector_store %arg11[%swap3A_416], %unpack3A_405 {add = true, strides = array<i32>} : memref<14336xf32, #tpu.memory_space<vmem>>, vector<16xf32>,
          %add3A_418 = arith.constant 2 : i32
          %add3A_419 = arith.addi %add3A_317, %add3A_418 : i32
          %get3A_420 = arith.index_cast %add3A_419 : i32 to index
          %get3A_421 = arith.constant 16 : index
          %get3A_422 = tpu.vector_load %arg10[%get3A_420, %get3A_421] {strides = array<i32>} : memref<448x32xi32, #tpu.memory_space<vmem>>, vector<16xi32>,
          %bitcast3A_423 = vector.bitcast %get3A_422 : vector<16xi32> to vector<32xbf16>
          %unpack3A_424 = tpu.unpack_subelements %bitcast3A_423, 0 {pack_format = #tpu.pack_format<interleaved>} : vector<32xbf16> -> vector<16xf32>
          %unpack3A_425 = tpu.unpack_subelements %bitcast3A_423, 1 {pack_format = #tpu.pack_format<interleaved>} : vector<32xbf16> -> vector<16xf32>
          %add3A_426 = arith.constant 2 : i32
          %add3A_427 = arith.addi %add3A_321, %add3A_426 : i32
          %mul3A_428 = arith.constant 64 : i32
          %mul3A_429 = arith.muli %add3A_427, %mul3A_428 : i32
          %add3A_430 = arith.constant 32 : i32
          %add3A_431 = arith.addi %mul3A_429, %add3A_430 : i32
          %swap3A_432 = arith.index_cast %add3A_431 : i32 to index
          %swap3A_433 = tpu.vector_load %arg11[%swap3A_432] {strides = array<i32>} : memref<14336xf32, #tpu.memory_space<vmem>>, vector<16xf32>,
          tpu.vector_store %arg11[%swap3A_432], %unpack3A_424 {add = true, strides = array<i32>} : memref<14336xf32, #tpu.memory_space<vmem>>, vector<16xf32>,
          %add3A_434 = arith.constant 16 : i32
          %add3A_435 = arith.addi %add3A_431, %add3A_434 : i32
          %swap3A_436 = arith.index_cast %add3A_435 : i32 to index
          %swap3A_437 = tpu.vector_load %arg11[%swap3A_436] {strides = array<i32>} : memref<14336xf32, #tpu.memory_space<vmem>>, vector<16xf32>,
          tpu.vector_store %arg11[%swap3A_436], %unpack3A_425 {add = true, strides = array<i32>} : memref<14336xf32, #tpu.memory_space<vmem>>, vector<16xf32>,
          %add3A_438 = arith.constant 3 : i32
          %add3A_439 = arith.addi %add3A_317, %add3A_438 : i32
          %get3A_440 = arith.index_cast %add3A_439 : i32 to index
          %get3A_441 = arith.constant 0 : index
          %get3A_442 = tpu.vector_load %arg10[%get3A_440, %get3A_441] {strides = array<i32>} : memref<448x32xi32, #tpu.memory_space<vmem>>, vector<16xi32>,
          %bitcast3A_443 = vector.bitcast %get3A_442 : vector<16xi32> to vector<32xbf16>
          %unpack3A_444 = tpu.unpack_subelements %bitcast3A_443, 0 {pack_format = #tpu.pack_format<interleaved>} : vector<32xbf16> -> vector<16xf32>
          %unpack3A_445 = tpu.unpack_subelements %bitcast3A_443, 1 {pack_format = #tpu.pack_format<interleaved>} : vector<32xbf16> -> vector<16xf32>
          %add3A_446 = arith.constant 3 : i32
          %add3A_447 = arith.addi %add3A_321, %add3A_446 : i32
          %mul3A_448 = arith.constant 64 : i32
          %mul3A_449 = arith.muli %add3A_447, %mul3A_448 : i32
          %add3A_450 = arith.constant 0 : i32
          %add3A_451 = arith.addi %mul3A_449, %add3A_450 : i32
          %swap3A_452 = arith.index_cast %add3A_451 : i32 to index
          %swap3A_453 = tpu.vector_load %arg11[%swap3A_452] {strides = array<i32>} : memref<14336xf32, #tpu.memory_space<vmem>>, vector<16xf32>,
          tpu.vector_store %arg11[%swap3A_452], %unpack3A_444 {add = true, strides = array<i32>} : memref<14336xf32, #tpu.memory_space<vmem>>, vector<16xf32>,
          %add3A_454 = arith.constant 16 : i32
          %add3A_455 = arith.addi %add3A_451, %add3A_454 : i32
          %swap3A_456 = arith.index_cast %add3A_455 : i32 to index
          %swap3A_457 = tpu.vector_load %arg11[%swap3A_456] {strides = array<i32>} : memref<14336xf32, #tpu.memory_space<vmem>>, vector<16xf32>,
          tpu.vector_store %arg11[%swap3A_456], %unpack3A_445 {add = true, strides = array<i32>} : memref<14336xf32, #tpu.memory_space<vmem>>, vector<16xf32>,
          %add3A_458 = arith.constant 3 : i32
          %add3A_459 = arith.addi %add3A_317, %add3A_458 : i32
          %get3A_460 = arith.index_cast %add3A_459 : i32 to index
          %get3A_461 = arith.constant 16 : index
          %get3A_462 = tpu.vector_load %arg10[%get3A_460, %get3A_461] {strides = array<i32>} : memref<448x32xi32, #tpu.memory_space<vmem>>, vector<16xi32>,
          %bitcast3A_463 = vector.bitcast %get3A_462 : vector<16xi32> to vector<32xbf16>
          %unpack3A_464 = tpu.unpack_subelements %bitcast3A_463, 0 {pack_format = #tpu.pack_format<interleaved>} : vector<32xbf16> -> vector<16xf32>
          %unpack3A_465 = tpu.unpack_subelements %bitcast3A_463, 1 {pack_format = #tpu.pack_format<interleaved>} : vector<32xbf16> -> vector<16xf32>
          %add3A_466 = arith.constant 3 : i32
          %add3A_467 = arith.addi %add3A_321, %add3A_466 : i32
          %mul3A_468 = arith.constant 64 : i32
          %mul3A_469 = arith.muli %add3A_467, %mul3A_468 : i32
          %add3A_470 = arith.constant 32 : i32
          %add3A_471 = arith.addi %mul3A_469, %add3A_470 : i32
          %swap3A_472 = arith.index_cast %add3A_471 : i32 to index
          %swap3A_473 = tpu.vector_load %arg11[%swap3A_472] {strides = array<i32>} : memref<14336xf32, #tpu.memory_space<vmem>>, vector<16xf32>,
          tpu.vector_store %arg11[%swap3A_472], %unpack3A_464 {add = true, strides = array<i32>} : memref<14336xf32, #tpu.memory_space<vmem>>, vector<16xf32>,
          %add3A_474 = arith.constant 16 : i32
          %add3A_475 = arith.addi %add3A_471, %add3A_474 : i32
          %swap3A_476 = arith.index_cast %add3A_475 : i32 to index
          %swap3A_477 = tpu.vector_load %arg11[%swap3A_476] {strides = array<i32>} : memref<14336xf32, #tpu.memory_space<vmem>>, vector<16xf32>,
          tpu.vector_store %arg11[%swap3A_476], %unpack3A_465 {add = true, strides = array<i32>} : memref<14336xf32, #tpu.memory_space<vmem>>, vector<16xf32>,
        }
        %scan3A_261 = arith.constant 28 : i32
        %add3A_262 = arith.constant 2 : i32
        %add3A_263 = arith.addi %mul3A_172, %add3A_262 : i32
        %add3A_264 = arith.constant 4 : i32
        %add3A_265 = arith.addi %add3A_263, %add3A_264 : i32
        %mul3A_266 = arith.constant 112 : i32
        %mul3A_267 = arith.muli %add3A_265, %mul3A_266 : i32
        %dma_start3A_268 = arith.constant 2 : i32
        %dma_start3A_269 = arith.constant 224 : i32
        %dma_start3A_270 = arith.constant 0 : i32
        %dma_start3A_271 = tpu.memref_slice %arg10[%dma_start3A_269, %dma_start3A_270] : memref<448x32xi32, #tpu.memory_space<vmem>> -> memref<112x32xi32, #tpu.memory_space<vmem>>
        %dma_start3A_272 = tpu.memref_slice %arg9[%mul3A_267] : memref<4480xi32, #tpu.memory_space<vmem>> -> memref<112xi32, #tpu.memory_space<vmem>>
        %dma_start3A_273 = arith.constant 0 : i32
        %dma_start3A_274 = arith.constant 0 : i32
        %dma_start3A_275 = tpu.memref_slice %arg4[%dma_start3A_273, %dma_start3A_274] : memref<100000x32xi32, #tpu.memory_space<hbm>> -> memref<100000x32xi32, #tpu.memory_space<hbm>>
        %dma_start3A_276 = tpu.memref_slice %arg13[%dma_start3A_268] : memref<4x!tpu.dma_semaphore, #tpu.memory_space<semaphore_mem>> -> memref<1x!tpu.dma_semaphore, #tpu.memory_space<semaphore_mem>>
        %dma_start3A_277 = tpu.memref_squeeze %dma_start3A_276 : memref<1x!tpu.dma_semaphore, #tpu.memory_space<semaphore_mem>> -> memref<!tpu.dma_semaphore, #tpu.memory_space<semaphore_mem>>
        tpu.enqueue_indirect_dma source(%dma_start3A_275 : memref<100000x32xi32, #tpu.memory_space<hbm>>) target(%dma_start3A_271 : memref<112x32xi32, #tpu.memory_space<vmem>>) offsets(%dma_start3A_272 : memref<112xi32, #tpu.memory_space<vmem>>) semaphore(%dma_start3A_277 : memref<!tpu.dma_semaphore, #tpu.memory_space<semaphore_mem>>)
        %add3A_278 = arith.constant 3 : i32
        %add3A_279 = arith.addi %mul3A_172, %add3A_278 : i32
        %mul3A_280 = arith.constant 112 : i32
        %mul3A_281 = arith.muli %add3A_279, %mul3A_280 : i32
        %dma_wait3A_282 = arith.constant 3 : i32
        %dma_wait3A_283 = arith.constant 336 : i32
        %dma_wait3A_284 = arith.constant 0 : i32
        %dma_wait3A_285 = tpu.memref_slice %arg10[%dma_wait3A_283, %dma_wait3A_284] : memref<448x32xi32, #tpu.memory_space<vmem>> -> memref<112x32xi32, #tpu.memory_space<vmem>>
        %dma_wait3A_286 = tpu.memref_slice %arg9[%mul3A_281] : memref<4480xi32, #tpu.memory_space<vmem>> -> memref<112xi32, #tpu.memory_space<vmem>>
        %dma_wait3A_287 = arith.constant 0 : i32
        %dma_wait3A_288 = arith.constant 0 : i32
        %dma_wait3A_289 = tpu.memref_slice %arg4[%dma_wait3A_287, %dma_wait3A_288] : memref<100000x32xi32, #tpu.memory_space<hbm>> -> memref<100000x32xi32, #tpu.memory_space<hbm>>
        %dma_wait3A_290 = tpu.memref_slice %arg13[%dma_wait3A_282] : memref<4x!tpu.dma_semaphore, #tpu.memory_space<semaphore_mem>> -> memref<1x!tpu.dma_semaphore, #tpu.memory_space<semaphore_mem>>
        %dma_wait3A_291 = tpu.memref_squeeze %dma_wait3A_290 : memref<1x!tpu.dma_semaphore, #tpu.memory_space<semaphore_mem>> -> memref<!tpu.dma_semaphore, #tpu.memory_space<semaphore_mem>>
        tpu.wait_indirect_dma semaphore(%dma_wait3A_291 : memref<!tpu.dma_semaphore, #tpu.memory_space<semaphore_mem>>) src(%dma_wait3A_289 : memref<100000x32xi32, #tpu.memory_space<hbm>>) dst(%dma_wait3A_285 : memref<112x32xi32, #tpu.memory_space<vmem>>)
        %scan3A_292 = arith.constant 0 : i32
        %scan3A_293 = arith.constant 28 : i32
        %scan3A_294 = arith.addi %scan3A_292, %scan3A_293 : i32
        %scan3A_295 = arith.constant 1 : i32
        scf.for %scan3A_313 = %scan3A_292 to %scan3A_294 step %scan3A_295  : i32 {
          %mul3A_314 = arith.constant 4 : i32
          %mul3A_315 = arith.muli %scan3A_313, %mul3A_314 : i32
          %add3A_316 = arith.constant 336 : i32
          %add3A_317 = arith.addi %add3A_316, %mul3A_315 : i32
          %mul3A_318 = arith.constant 4 : i32
          %mul3A_319 = arith.muli %scan3A_313, %mul3A_318 : i32
          %add3A_320 = arith.constant 112 : i32
          %add3A_321 = arith.addi %add3A_320, %mul3A_319 : i32
          %add3A_322 = arith.constant 0 : i32
          %add3A_323 = arith.addi %add3A_317, %add3A_322 : i32
          %get3A = arith.index_cast %add3A_323 : i32 to index
          %get3A_324 = arith.constant 0 : index
          %get3A_325 = tpu.vector_load %arg10[%get3A, %get3A_324] {strides = array<i32>} : memref<448x32xi32, #tpu.memory_space<vmem>>, vector<16xi32>,
          %bitcast3A = vector.bitcast %get3A_325 : vector<16xi32> to vector<32xbf16>
          %unpack3A = tpu.unpack_subelements %bitcast3A, 0 {pack_format = #tpu.pack_format<interleaved>} : vector<32xbf16> -> vector<16xf32>
          %unpack3A_326 = tpu.unpack_subelements %bitcast3A, 1 {pack_format = #tpu.pack_format<interleaved>} : vector<32xbf16> -> vector<16xf32>
          %add3A_327 = arith.constant 0 : i32
          %add3A_328 = arith.addi %add3A_321, %add3A_327 : i32
          %mul3A_329 = arith.constant 64 : i32
          %mul3A_330 = arith.muli %add3A_328, %mul3A_329 : i32
          %add3A_331 = arith.constant 0 : i32
          %add3A_332 = arith.addi %mul3A_330, %add3A_331 : i32
          %swap3A = arith.index_cast %add3A_332 : i32 to index
          %swap3A_333 = tpu.vector_load %arg11[%swap3A] {strides = array<i32>} : memref<14336xf32, #tpu.memory_space<vmem>>, vector<16xf32>,
          tpu.vector_store %arg11[%swap3A], %unpack3A {add = true, strides = array<i32>} : memref<14336xf32, #tpu.memory_space<vmem>>, vector<16xf32>,
          %add3A_334 = arith.constant 16 : i32
          %add3A_335 = arith.addi %add3A_332, %add3A_334 : i32
          %swap3A_336 = arith.index_cast %add3A_335 : i32 to index
          %swap3A_337 = tpu.vector_load %arg11[%swap3A_336] {strides = array<i32>} : memref<14336xf32, #tpu.memory_space<vmem>>, vector<16xf32>,
          tpu.vector_store %arg11[%swap3A_336], %unpack3A_326 {add = true, strides = array<i32>} : memref<14336xf32, #tpu.memory_space<vmem>>, vector<16xf32>,
          %add3A_338 = arith.constant 0 : i32
          %add3A_339 = arith.addi %add3A_317, %add3A_338 : i32
          %get3A_340 = arith.index_cast %add3A_339 : i32 to index
          %get3A_341 = arith.constant 16 : index
          %get3A_342 = tpu.vector_load %arg10[%get3A_340, %get3A_341] {strides = array<i32>} : memref<448x32xi32, #tpu.memory_space<vmem>>, vector<16xi32>,
          %bitcast3A_343 = vector.bitcast %get3A_342 : vector<16xi32> to vector<32xbf16>
          %unpack3A_344 = tpu.unpack_subelements %bitcast3A_343, 0 {pack_format = #tpu.pack_format<interleaved>} : vector<32xbf16> -> vector<16xf32>
          %unpack3A_345 = tpu.unpack_subelements %bitcast3A_343, 1 {pack_format = #tpu.pack_format<interleaved>} : vector<32xbf16> -> vector<16xf32>
          %add3A_346 = arith.constant 0 : i32
          %add3A_347 = arith.addi %add3A_321, %add3A_346 : i32
          %mul3A_348 = arith.constant 64 : i32
          %mul3A_349 = arith.muli %add3A_347, %mul3A_348 : i32
          %add3A_350 = arith.constant 32 : i32
          %add3A_351 = arith.addi %mul3A_349, %add3A_350 : i32
          %swap3A_352 = arith.index_cast %add3A_351 : i32 to index
          %swap3A_353 = tpu.vector_load %arg11[%swap3A_352] {strides = array<i32>} : memref<14336xf32, #tpu.memory_space<vmem>>, vector<16xf32>,
          tpu.vector_store %arg11[%swap3A_352], %unpack3A_344 {add = true, strides = array<i32>} : memref<14336xf32, #tpu.memory_space<vmem>>, vector<16xf32>,
          %add3A_354 = arith.constant 16 : i32
          %add3A_355 = arith.addi %add3A_351, %add3A_354 : i32
          %swap3A_356 = arith.index_cast %add3A_355 : i32 to index
          %swap3A_357 = tpu.vector_load %arg11[%swap3A_356] {strides = array<i32>} : memref<14336xf32, #tpu.memory_space<vmem>>, vector<16xf32>,
          tpu.vector_store %arg11[%swap3A_356], %unpack3A_345 {add = true, strides = array<i32>} : memref<14336xf32, #tpu.memory_space<vmem>>, vector<16xf32>,
          %add3A_358 = arith.constant 1 : i32
          %add3A_359 = arith.addi %add3A_317, %add3A_358 : i32
          %get3A_360 = arith.index_cast %add3A_359 : i32 to index
          %get3A_361 = arith.constant 0 : index
          %get3A_362 = tpu.vector_load %arg10[%get3A_360, %get3A_361] {strides = array<i32>} : memref<448x32xi32, #tpu.memory_space<vmem>>, vector<16xi32>,
          %bitcast3A_363 = vector.bitcast %get3A_362 : vector<16xi32> to vector<32xbf16>
          %unpack3A_364 = tpu.unpack_subelements %bitcast3A_363, 0 {pack_format = #tpu.pack_format<interleaved>} : vector<32xbf16> -> vector<16xf32>
          %unpack3A_365 = tpu.unpack_subelements %bitcast3A_363, 1 {pack_format = #tpu.pack_format<interleaved>} : vector<32xbf16> -> vector<16xf32>
          %add3A_366 = arith.constant 1 : i32
          %add3A_367 = arith.addi %add3A_321, %add3A_366 : i32
          %mul3A_368 = arith.constant 64 : i32
          %mul3A_369 = arith.muli %add3A_367, %mul3A_368 : i32
          %add3A_370 = arith.constant 0 : i32
          %add3A_371 = arith.addi %mul3A_369, %add3A_370 : i32
          %swap3A_372 = arith.index_cast %add3A_371 : i32 to index
          %swap3A_373 = tpu.vector_load %arg11[%swap3A_372] {strides = array<i32>} : memref<14336xf32, #tpu.memory_space<vmem>>, vector<16xf32>,
          tpu.vector_store %arg11[%swap3A_372], %unpack3A_364 {add = true, strides = array<i32>} : memref<14336xf32, #tpu.memory_space<vmem>>, vector<16xf32>,
          %add3A_374 = arith.constant 16 : i32
          %add3A_375 = arith.addi %add3A_371, %add3A_374 : i32
          %swap3A_376 = arith.index_cast %add3A_375 : i32 to index
          %swap3A_377 = tpu.vector_load %arg11[%swap3A_376] {strides = array<i32>} : memref<14336xf32, #tpu.memory_space<vmem>>, vector<16xf32>,
          tpu.vector_store %arg11[%swap3A_376], %unpack3A_365 {add = true, strides = array<i32>} : memref<14336xf32, #tpu.memory_space<vmem>>, vector<16xf32>,
          %add3A_378 = arith.constant 1 : i32
          %add3A_379 = arith.addi %add3A_317, %add3A_378 : i32
          %get3A_380 = arith.index_cast %add3A_379 : i32 to index
          %get3A_381 = arith.constant 16 : index
          %get3A_382 = tpu.vector_load %arg10[%get3A_380, %get3A_381] {strides = array<i32>} : memref<448x32xi32, #tpu.memory_space<vmem>>, vector<16xi32>,
          %bitcast3A_383 = vector.bitcast %get3A_382 : vector<16xi32> to vector<32xbf16>
          %unpack3A_384 = tpu.unpack_subelements %bitcast3A_383, 0 {pack_format = #tpu.pack_format<interleaved>} : vector<32xbf16> -> vector<16xf32>
          %unpack3A_385 = tpu.unpack_subelements %bitcast3A_383, 1 {pack_format = #tpu.pack_format<interleaved>} : vector<32xbf16> -> vector<16xf32>
          %add3A_386 = arith.constant 1 : i32
          %add3A_387 = arith.addi %add3A_321, %add3A_386 : i32
          %mul3A_388 = arith.constant 64 : i32
          %mul3A_389 = arith.muli %add3A_387, %mul3A_388 : i32
          %add3A_390 = arith.constant 32 : i32
          %add3A_391 = arith.addi %mul3A_389, %add3A_390 : i32
          %swap3A_392 = arith.index_cast %add3A_391 : i32 to index
          %swap3A_393 = tpu.vector_load %arg11[%swap3A_392] {strides = array<i32>} : memref<14336xf32, #tpu.memory_space<vmem>>, vector<16xf32>,
          tpu.vector_store %arg11[%swap3A_392], %unpack3A_384 {add = true, strides = array<i32>} : memref<14336xf32, #tpu.memory_space<vmem>>, vector<16xf32>,
          %add3A_394 = arith.constant 16 : i32
          %add3A_395 = arith.addi %add3A_391, %add3A_394 : i32
          %swap3A_396 = arith.index_cast %add3A_395 : i32 to index
          %swap3A_397 = tpu.vector_load %arg11[%swap3A_396] {strides = array<i32>} : memref<14336xf32, #tpu.memory_space<vmem>>, vector<16xf32>,
          tpu.vector_store %arg11[%swap3A_396], %unpack3A_385 {add = true, strides = array<i32>} : memref<14336xf32, #tpu.memory_space<vmem>>, vector<16xf32>,
          %add3A_398 = arith.constant 2 : i32
          %add3A_399 = arith.addi %add3A_317, %add3A_398 : i32
          %get3A_400 = arith.index_cast %add3A_399 : i32 to index
          %get3A_401 = arith.constant 0 : index
          %get3A_402 = tpu.vector_load %arg10[%get3A_400, %get3A_401] {strides = array<i32>} : memref<448x32xi32, #tpu.memory_space<vmem>>, vector<16xi32>,
          %bitcast3A_403 = vector.bitcast %get3A_402 : vector<16xi32> to vector<32xbf16>
          %unpack3A_404 = tpu.unpack_subelements %bitcast3A_403, 0 {pack_format = #tpu.pack_format<interleaved>} : vector<32xbf16> -> vector<16xf32>
          %unpack3A_405 = tpu.unpack_subelements %bitcast3A_403, 1 {pack_format = #tpu.pack_format<interleaved>} : vector<32xbf16> -> vector<16xf32>
          %add3A_406 = arith.constant 2 : i32
          %add3A_407 = arith.addi %add3A_321, %add3A_406 : i32
          %mul3A_408 = arith.constant 64 : i32
          %mul3A_409 = arith.muli %add3A_407, %mul3A_408 : i32
          %add3A_410 = arith.constant 0 : i32
          %add3A_411 = arith.addi %mul3A_409, %add3A_410 : i32
          %swap3A_412 = arith.index_cast %add3A_411 : i32 to index
          %swap3A_413 = tpu.vector_load %arg11[%swap3A_412] {strides = array<i32>} : memref<14336xf32, #tpu.memory_space<vmem>>, vector<16xf32>,
          tpu.vector_store %arg11[%swap3A_412], %unpack3A_404 {add = true, strides = array<i32>} : memref<14336xf32, #tpu.memory_space<vmem>>, vector<16xf32>,
          %add3A_414 = arith.constant 16 : i32
          %add3A_415 = arith.addi %add3A_411, %add3A_414 : i32
          %swap3A_416 = arith.index_cast %add3A_415 : i32 to index
          %swap3A_417 = tpu.vector_load %arg11[%swap3A_416] {strides = array<i32>} : memref<14336xf32, #tpu.memory_space<vmem>>, vector<16xf32>,
          tpu.vector_store %arg11[%swap3A_416], %unpack3A_405 {add = true, strides = array<i32>} : memref<14336xf32, #tpu.memory_space<vmem>>, vector<16xf32>,
          %add3A_418 = arith.constant 2 : i32
          %add3A_419 = arith.addi %add3A_317, %add3A_418 : i32
          %get3A_420 = arith.index_cast %add3A_419 : i32 to index
          %get3A_421 = arith.constant 16 : index
          %get3A_422 = tpu.vector_load %arg10[%get3A_420, %get3A_421] {strides = array<i32>} : memref<448x32xi32, #tpu.memory_space<vmem>>, vector<16xi32>,
          %bitcast3A_423 = vector.bitcast %get3A_422 : vector<16xi32> to vector<32xbf16>
          %unpack3A_424 = tpu.unpack_subelements %bitcast3A_423, 0 {pack_format = #tpu.pack_format<interleaved>} : vector<32xbf16> -> vector<16xf32>
          %unpack3A_425 = tpu.unpack_subelements %bitcast3A_423, 1 {pack_format = #tpu.pack_format<interleaved>} : vector<32xbf16> -> vector<16xf32>
          %add3A_426 = arith.constant 2 : i32
          %add3A_427 = arith.addi %add3A_321, %add3A_426 : i32
          %mul3A_428 = arith.constant 64 : i32
          %mul3A_429 = arith.muli %add3A_427, %mul3A_428 : i32
          %add3A_430 = arith.constant 32 : i32
          %add3A_431 = arith.addi %mul3A_429, %add3A_430 : i32
          %swap3A_432 = arith.index_cast %add3A_431 : i32 to index
          %swap3A_433 = tpu.vector_load %arg11[%swap3A_432] {strides = array<i32>} : memref<14336xf32, #tpu.memory_space<vmem>>, vector<16xf32>,
          tpu.vector_store %arg11[%swap3A_432], %unpack3A_424 {add = true, strides = array<i32>} : memref<14336xf32, #tpu.memory_space<vmem>>, vector<16xf32>,
          %add3A_434 = arith.constant 16 : i32
          %add3A_435 = arith.addi %add3A_431, %add3A_434 : i32
          %swap3A_436 = arith.index_cast %add3A_435 : i32 to index
          %swap3A_437 = tpu.vector_load %arg11[%swap3A_436] {strides = array<i32>} : memref<14336xf32, #tpu.memory_space<vmem>>, vector<16xf32>,
          tpu.vector_store %arg11[%swap3A_436], %unpack3A_425 {add = true, strides = array<i32>} : memref<14336xf32, #tpu.memory_space<vmem>>, vector<16xf32>,
          %add3A_438 = arith.constant 3 : i32
          %add3A_439 = arith.addi %add3A_317, %add3A_438 : i32
          %get3A_440 = arith.index_cast %add3A_439 : i32 to index
          %get3A_441 = arith.constant 0 : index
          %get3A_442 = tpu.vector_load %arg10[%get3A_440, %get3A_441] {strides = array<i32>} : memref<448x32xi32, #tpu.memory_space<vmem>>, vector<16xi32>,
          %bitcast3A_443 = vector.bitcast %get3A_442 : vector<16xi32> to vector<32xbf16>
          %unpack3A_444 = tpu.unpack_subelements %bitcast3A_443, 0 {pack_format = #tpu.pack_format<interleaved>} : vector<32xbf16> -> vector<16xf32>
          %unpack3A_445 = tpu.unpack_subelements %bitcast3A_443, 1 {pack_format = #tpu.pack_format<interleaved>} : vector<32xbf16> -> vector<16xf32>
          %add3A_446 = arith.constant 3 : i32
          %add3A_447 = arith.addi %add3A_321, %add3A_446 : i32
          %mul3A_448 = arith.constant 64 : i32
          %mul3A_449 = arith.muli %add3A_447, %mul3A_448 : i32
          %add3A_450 = arith.constant 0 : i32
          %add3A_451 = arith.addi %mul3A_449, %add3A_450 : i32
          %swap3A_452 = arith.index_cast %add3A_451 : i32 to index
          %swap3A_453 = tpu.vector_load %arg11[%swap3A_452] {strides = array<i32>} : memref<14336xf32, #tpu.memory_space<vmem>>, vector<16xf32>,
          tpu.vector_store %arg11[%swap3A_452], %unpack3A_444 {add = true, strides = array<i32>} : memref<14336xf32, #tpu.memory_space<vmem>>, vector<16xf32>,
          %add3A_454 = arith.constant 16 : i32
          %add3A_455 = arith.addi %add3A_451, %add3A_454 : i32
          %swap3A_456 = arith.index_cast %add3A_455 : i32 to index
          %swap3A_457 = tpu.vector_load %arg11[%swap3A_456] {strides = array<i32>} : memref<14336xf32, #tpu.memory_space<vmem>>, vector<16xf32>,
          tpu.vector_store %arg11[%swap3A_456], %unpack3A_445 {add = true, strides = array<i32>} : memref<14336xf32, #tpu.memory_space<vmem>>, vector<16xf32>,
          %add3A_458 = arith.constant 3 : i32
          %add3A_459 = arith.addi %add3A_317, %add3A_458 : i32
          %get3A_460 = arith.index_cast %add3A_459 : i32 to index
          %get3A_461 = arith.constant 16 : index
          %get3A_462 = tpu.vector_load %arg10[%get3A_460, %get3A_461] {strides = array<i32>} : memref<448x32xi32, #tpu.memory_space<vmem>>, vector<16xi32>,
          %bitcast3A_463 = vector.bitcast %get3A_462 : vector<16xi32> to vector<32xbf16>
          %unpack3A_464 = tpu.unpack_subelements %bitcast3A_463, 0 {pack_format = #tpu.pack_format<interleaved>} : vector<32xbf16> -> vector<16xf32>
          %unpack3A_465 = tpu.unpack_subelements %bitcast3A_463, 1 {pack_format = #tpu.pack_format<interleaved>} : vector<32xbf16> -> vector<16xf32>
          %add3A_466 = arith.constant 3 : i32
          %add3A_467 = arith.addi %add3A_321, %add3A_466 : i32
          %mul3A_468 = arith.constant 64 : i32
          %mul3A_469 = arith.muli %add3A_467, %mul3A_468 : i32
          %add3A_470 = arith.constant 32 : i32
          %add3A_471 = arith.addi %mul3A_469, %add3A_470 : i32
          %swap3A_472 = arith.index_cast %add3A_471 : i32 to index
          %swap3A_473 = tpu.vector_load %arg11[%swap3A_472] {strides = array<i32>} : memref<14336xf32, #tpu.memory_space<vmem>>, vector<16xf32>,
          tpu.vector_store %arg11[%swap3A_472], %unpack3A_464 {add = true, strides = array<i32>} : memref<14336xf32, #tpu.memory_space<vmem>>, vector<16xf32>,
          %add3A_474 = arith.constant 16 : i32
          %add3A_475 = arith.addi %add3A_471, %add3A_474 : i32
          %swap3A_476 = arith.index_cast %add3A_475 : i32 to index
          %swap3A_477 = tpu.vector_load %arg11[%swap3A_476] {strides = array<i32>} : memref<14336xf32, #tpu.memory_space<vmem>>, vector<16xf32>,
          tpu.vector_store %arg11[%swap3A_476], %unpack3A_465 {add = true, strides = array<i32>} : memref<14336xf32, #tpu.memory_space<vmem>>, vector<16xf32>,
        }
        %scan3A_296 = arith.constant 28 : i32
        %add3A_297 = arith.constant 3 : i32
        %add3A_298 = arith.addi %mul3A_172, %add3A_297 : i32
        %add3A_299 = arith.constant 4 : i32
        %add3A_300 = arith.addi %add3A_298, %add3A_299 : i32
        %mul3A_301 = arith.constant 112 : i32
        %mul3A_302 = arith.muli %add3A_300, %mul3A_301 : i32
        %dma_start3A_303 = arith.constant 3 : i32
        %dma_start3A_304 = arith.constant 336 : i32
        %dma_start3A_305 = arith.constant 0 : i32
        %dma_start3A_306 = tpu.memref_slice %arg10[%dma_start3A_304, %dma_start3A_305] : memref<448x32xi32, #tpu.memory_space<vmem>> -> memref<112x32xi32, #tpu.memory_space<vmem>>
        %dma_start3A_307 = tpu.memref_slice %arg9[%mul3A_302] : memref<4480xi32, #tpu.memory_space<vmem>> -> memref<112xi32, #tpu.memory_space<vmem>>
        %dma_start3A_308 = arith.constant 0 : i32
        %dma_start3A_309 = arith.constant 0 : i32
        %dma_start3A_310 = tpu.memref_slice %arg4[%dma_start3A_308, %dma_start3A_309] : memref<100000x32xi32, #tpu.memory_space<hbm>> -> memref<100000x32xi32, #tpu.memory_space<hbm>>
        %dma_start3A_311 = tpu.memref_slice %arg13[%dma_start3A_303] : memref<4x!tpu.dma_semaphore, #tpu.memory_space<semaphore_mem>> -> memref<1x!tpu.dma_semaphore, #tpu.memory_space<semaphore_mem>>
        %dma_start3A_312 = tpu.memref_squeeze %dma_start3A_311 : memref<1x!tpu.dma_semaphore, #tpu.memory_space<semaphore_mem>> -> memref<!tpu.dma_semaphore, #tpu.memory_space<semaphore_mem>>
        tpu.enqueue_indirect_dma source(%dma_start3A_310 : memref<100000x32xi32, #tpu.memory_space<hbm>>) target(%dma_start3A_306 : memref<112x32xi32, #tpu.memory_space<vmem>>) offsets(%dma_start3A_307 : memref<112xi32, #tpu.memory_space<vmem>>) semaphore(%dma_start3A_312 : memref<!tpu.dma_semaphore, #tpu.memory_space<semaphore_mem>>)
      }
      %scan3A_97 = arith.constant 9 : i32
      %dma_wait3A_98 = arith.constant 0 : i32
      %dma_wait3A_99 = arith.constant 0 : i32
      %dma_wait3A_100 = arith.constant 0 : i32
      %dma_wait3A_101 = tpu.memref_slice %arg10[%dma_wait3A_99, %dma_wait3A_100] : memref<448x32xi32, #tpu.memory_space<vmem>> -> memref<112x32xi32, #tpu.memory_space<vmem>>
      %dma_wait3A_102 = arith.constant 4032 : i32
      %dma_wait3A_103 = tpu.memref_slice %arg9[%dma_wait3A_102] : memref<4480xi32, #tpu.memory_space<vmem>> -> memref<112xi32, #tpu.memory_space<vmem>>
      %dma_wait3A_104 = arith.constant 0 : i32
      %dma_wait3A_105 = arith.constant 0 : i32
      %dma_wait3A_106 = tpu.memref_slice %arg4[%dma_wait3A_104, %dma_wait3A_105] : memref<100000x32xi32, #tpu.memory_space<hbm>> -> memref<100000x32xi32, #tpu.memory_space<hbm>>
      %dma_wait3A_107 = tpu.memref_slice %arg13[%dma_wait3A_98] : memref<4x!tpu.dma_semaphore, #tpu.memory_space<semaphore_mem>> -> memref<1x!tpu.dma_semaphore, #tpu.memory_space<semaphore_mem>>
      %dma_wait3A_108 = tpu.memref_squeeze %dma_wait3A_107 : memref<1x!tpu.dma_semaphore, #tpu.memory_space<semaphore_mem>> -> memref<!tpu.dma_semaphore, #tpu.memory_space<semaphore_mem>>
      tpu.wait_indirect_dma semaphore(%dma_wait3A_108 : memref<!tpu.dma_semaphore, #tpu.memory_space<semaphore_mem>>) src(%dma_wait3A_106 : memref<100000x32xi32, #tpu.memory_space<hbm>>) dst(%dma_wait3A_101 : memref<112x32xi32, #tpu.memory_space<vmem>>)
      %scan3A_109 = arith.constant 0 : i32
      %scan3A_110 = arith.constant 28 : i32
      %scan3A_111 = arith.addi %scan3A_109, %scan3A_110 : i32
      %scan3A_112 = arith.constant 1 : i32
      scf.for %scan3A_170 = %scan3A_109 to %scan3A_111 step %scan3A_112  : i32 {
        %mul3A_171 = arith.constant 4 : i32
        %mul3A_172 = arith.muli %scan3A_170, %mul3A_171 : i32
        %add3A_173 = arith.constant 0 : i32
        %add3A_174 = arith.addi %add3A_173, %mul3A_172 : i32
        %mul3A_175 = arith.constant 4 : i32
        %mul3A_176 = arith.muli %scan3A_170, %mul3A_175 : i32
        %add3A_177 = arith.constant 0 : i32
        %add3A_178 = arith.addi %add3A_177, %mul3A_176 : i32
        %add3A_179 = arith.constant 0 : i32
        %add3A_180 = arith.addi %add3A_174, %add3A_179 : i32
        %get3A = arith.index_cast %add3A_180 : i32 to index
        %get3A_181 = arith.constant 0 : index
        %get3A_182 = tpu.vector_load %arg10[%get3A, %get3A_181] {strides = array<i32>} : memref<448x32xi32, #tpu.memory_space<vmem>>, vector<16xi32>,
        %bitcast3A = vector.bitcast %get3A_182 : vector<16xi32> to vector<32xbf16>
        %unpack3A = tpu.unpack_subelements %bitcast3A, 0 {pack_format = #tpu.pack_format<interleaved>} : vector<32xbf16> -> vector<16xf32>
        %unpack3A_183 = tpu.unpack_subelements %bitcast3A, 1 {pack_format = #tpu.pack_format<interleaved>} : vector<32xbf16> -> vector<16xf32>
        %add3A_184 = arith.constant 0 : i32
        %add3A_185 = arith.addi %add3A_178, %add3A_184 : i32
        %mul3A_186 = arith.constant 64 : i32
        %mul3A_187 = arith.muli %add3A_185, %mul3A_186 : i32
        %add3A_188 = arith.constant 0 : i32
        %add3A_189 = arith.addi %mul3A_187, %add3A_188 : i32
        %swap3A = arith.index_cast %add3A_189 : i32 to index
        %swap3A_190 = tpu.vector_load %arg11[%swap3A] {strides = array<i32>} : memref<14336xf32, #tpu.memory_space<vmem>>, vector<16xf32>,
        tpu.vector_store %arg11[%swap3A], %unpack3A {add = true, strides = array<i32>} : memref<14336xf32, #tpu.memory_space<vmem>>, vector<16xf32>,
        %add3A_191 = arith.constant 16 : i32
        %add3A_192 = arith.addi %add3A_189, %add3A_191 : i32
        %swap3A_193 = arith.index_cast %add3A_192 : i32 to index
        %swap3A_194 = tpu.vector_load %arg11[%swap3A_193] {strides = array<i32>} : memref<14336xf32, #tpu.memory_space<vmem>>, vector<16xf32>,
        tpu.vector_store %arg11[%swap3A_193], %unpack3A_183 {add = true, strides = array<i32>} : memref<14336xf32, #tpu.memory_space<vmem>>, vector<16xf32>,
        %add3A_195 = arith.constant 0 : i32
        %add3A_196 = arith.addi %add3A_174, %add3A_195 : i32
        %get3A_197 = arith.index_cast %add3A_196 : i32 to index
        %get3A_198 = arith.constant 16 : index
        %get3A_199 = tpu.vector_load %arg10[%get3A_197, %get3A_198] {strides = array<i32>} : memref<448x32xi32, #tpu.memory_space<vmem>>, vector<16xi32>,
        %bitcast3A_200 = vector.bitcast %get3A_199 : vector<16xi32> to vector<32xbf16>
        %unpack3A_201 = tpu.unpack_subelements %bitcast3A_200, 0 {pack_format = #tpu.pack_format<interleaved>} : vector<32xbf16> -> vector<16xf32>
        %unpack3A_202 = tpu.unpack_subelements %bitcast3A_200, 1 {pack_format = #tpu.pack_format<interleaved>} : vector<32xbf16> -> vector<16xf32>
        %add3A_203 = arith.constant 0 : i32
        %add3A_204 = arith.addi %add3A_178, %add3A_203 : i32
        %mul3A_205 = arith.constant 64 : i32
        %mul3A_206 = arith.muli %add3A_204, %mul3A_205 : i32
        %add3A_207 = arith.constant 32 : i32
        %add3A_208 = arith.addi %mul3A_206, %add3A_207 : i32
        %swap3A_209 = arith.index_cast %add3A_208 : i32 to index
        %swap3A_210 = tpu.vector_load %arg11[%swap3A_209] {strides = array<i32>} : memref<14336xf32, #tpu.memory_space<vmem>>, vector<16xf32>,
        tpu.vector_store %arg11[%swap3A_209], %unpack3A_201 {add = true, strides = array<i32>} : memref<14336xf32, #tpu.memory_space<vmem>>, vector<16xf32>,
        %add3A_211 = arith.constant 16 : i32
        %add3A_212 = arith.addi %add3A_208, %add3A_211 : i32
        %swap3A_213 = arith.index_cast %add3A_212 : i32 to index
        %swap3A_214 = tpu.vector_load %arg11[%swap3A_213] {strides = array<i32>} : memref<14336xf32, #tpu.memory_space<vmem>>, vector<16xf32>,
        tpu.vector_store %arg11[%swap3A_213], %unpack3A_202 {add = true, strides = array<i32>} : memref<14336xf32, #tpu.memory_space<vmem>>, vector<16xf32>,
        %add3A_215 = arith.constant 1 : i32
        %add3A_216 = arith.addi %add3A_174, %add3A_215 : i32
        %get3A_217 = arith.index_cast %add3A_216 : i32 to index
        %get3A_218 = arith.constant 0 : index
        %get3A_219 = tpu.vector_load %arg10[%get3A_217, %get3A_218] {strides = array<i32>} : memref<448x32xi32, #tpu.memory_space<vmem>>, vector<16xi32>,
        %bitcast3A_220 = vector.bitcast %get3A_219 : vector<16xi32> to vector<32xbf16>
        %unpack3A_221 = tpu.unpack_subelements %bitcast3A_220, 0 {pack_format = #tpu.pack_format<interleaved>} : vector<32xbf16> -> vector<16xf32>
        %unpack3A_222 = tpu.unpack_subelements %bitcast3A_220, 1 {pack_format = #tpu.pack_format<interleaved>} : vector<32xbf16> -> vector<16xf32>
        %add3A_223 = arith.constant 1 : i32
        %add3A_224 = arith.addi %add3A_178, %add3A_223 : i32
        %mul3A_225 = arith.constant 64 : i32
        %mul3A_226 = arith.muli %add3A_224, %mul3A_225 : i32
        %add3A_227 = arith.constant 0 : i32
        %add3A_228 = arith.addi %mul3A_226, %add3A_227 : i32
        %swap3A_229 = arith.index_cast %add3A_228 : i32 to index
        %swap3A_230 = tpu.vector_load %arg11[%swap3A_229] {strides = array<i32>} : memref<14336xf32, #tpu.memory_space<vmem>>, vector<16xf32>,
        tpu.vector_store %arg11[%swap3A_229], %unpack3A_221 {add = true, strides = array<i32>} : memref<14336xf32, #tpu.memory_space<vmem>>, vector<16xf32>,
        %add3A_231 = arith.constant 16 : i32
        %add3A_232 = arith.addi %add3A_228, %add3A_231 : i32
        %swap3A_233 = arith.index_cast %add3A_232 : i32 to index
        %swap3A_234 = tpu.vector_load %arg11[%swap3A_233] {strides = array<i32>} : memref<14336xf32, #tpu.memory_space<vmem>>, vector<16xf32>,
        tpu.vector_store %arg11[%swap3A_233], %unpack3A_222 {add = true, strides = array<i32>} : memref<14336xf32, #tpu.memory_space<vmem>>, vector<16xf32>,
        %add3A_235 = arith.constant 1 : i32
        %add3A_236 = arith.addi %add3A_174, %add3A_235 : i32
        %get3A_237 = arith.index_cast %add3A_236 : i32 to index
        %get3A_238 = arith.constant 16 : index
        %get3A_239 = tpu.vector_load %arg10[%get3A_237, %get3A_238] {strides = array<i32>} : memref<448x32xi32, #tpu.memory_space<vmem>>, vector<16xi32>,
        %bitcast3A_240 = vector.bitcast %get3A_239 : vector<16xi32> to vector<32xbf16>
        %unpack3A_241 = tpu.unpack_subelements %bitcast3A_240, 0 {pack_format = #tpu.pack_format<interleaved>} : vector<32xbf16> -> vector<16xf32>
        %unpack3A_242 = tpu.unpack_subelements %bitcast3A_240, 1 {pack_format = #tpu.pack_format<interleaved>} : vector<32xbf16> -> vector<16xf32>
        %add3A_243 = arith.constant 1 : i32
        %add3A_244 = arith.addi %add3A_178, %add3A_243 : i32
        %mul3A_245 = arith.constant 64 : i32
        %mul3A_246 = arith.muli %add3A_244, %mul3A_245 : i32
        %add3A_247 = arith.constant 32 : i32
        %add3A_248 = arith.addi %mul3A_246, %add3A_247 : i32
        %swap3A_249 = arith.index_cast %add3A_248 : i32 to index
        %swap3A_250 = tpu.vector_load %arg11[%swap3A_249] {strides = array<i32>} : memref<14336xf32, #tpu.memory_space<vmem>>, vector<16xf32>,
        tpu.vector_store %arg11[%swap3A_249], %unpack3A_241 {add = true, strides = array<i32>} : memref<14336xf32, #tpu.memory_space<vmem>>, vector<16xf32>,
        %add3A_251 = arith.constant 16 : i32
        %add3A_252 = arith.addi %add3A_248, %add3A_251 : i32
        %swap3A_253 = arith.index_cast %add3A_252 : i32 to index
        %swap3A_254 = tpu.vector_load %arg11[%swap3A_253] {strides = array<i32>} : memref<14336xf32, #tpu.memory_space<vmem>>, vector<16xf32>,
        tpu.vector_store %arg11[%swap3A_253], %unpack3A_242 {add = true, strides = array<i32>} : memref<14336xf32, #tpu.memory_space<vmem>>, vector<16xf32>,
        %add3A_255 = arith.constant 2 : i32
        %add3A_256 = arith.addi %add3A_174, %add3A_255 : i32
        %get3A_257 = arith.index_cast %add3A_256 : i32 to index
        %get3A_258 = arith.constant 0 : index
        %get3A_259 = tpu.vector_load %arg10[%get3A_257, %get3A_258] {strides = array<i32>} : memref<448x32xi32, #tpu.memory_space<vmem>>, vector<16xi32>,
        %bitcast3A_260 = vector.bitcast %get3A_259 : vector<16xi32> to vector<32xbf16>
        %unpack3A_261 = tpu.unpack_subelements %bitcast3A_260, 0 {pack_format = #tpu.pack_format<interleaved>} : vector<32xbf16> -> vector<16xf32>
        %unpack3A_262 = tpu.unpack_subelements %bitcast3A_260, 1 {pack_format = #tpu.pack_format<interleaved>} : vector<32xbf16> -> vector<16xf32>
        %add3A_263 = arith.constant 2 : i32
        %add3A_264 = arith.addi %add3A_178, %add3A_263 : i32
        %mul3A_265 = arith.constant 64 : i32
        %mul3A_266 = arith.muli %add3A_264, %mul3A_265 : i32
        %add3A_267 = arith.constant 0 : i32
        %add3A_268 = arith.addi %mul3A_266, %add3A_267 : i32
        %swap3A_269 = arith.index_cast %add3A_268 : i32 to index
        %swap3A_270 = tpu.vector_load %arg11[%swap3A_269] {strides = array<i32>} : memref<14336xf32, #tpu.memory_space<vmem>>, vector<16xf32>,
        tpu.vector_store %arg11[%swap3A_269], %unpack3A_261 {add = true, strides = array<i32>} : memref<14336xf32, #tpu.memory_space<vmem>>, vector<16xf32>,
        %add3A_271 = arith.constant 16 : i32
        %add3A_272 = arith.addi %add3A_268, %add3A_271 : i32
        %swap3A_273 = arith.index_cast %add3A_272 : i32 to index
        %swap3A_274 = tpu.vector_load %arg11[%swap3A_273] {strides = array<i32>} : memref<14336xf32, #tpu.memory_space<vmem>>, vector<16xf32>,
        tpu.vector_store %arg11[%swap3A_273], %unpack3A_262 {add = true, strides = array<i32>} : memref<14336xf32, #tpu.memory_space<vmem>>, vector<16xf32>,
        %add3A_275 = arith.constant 2 : i32
        %add3A_276 = arith.addi %add3A_174, %add3A_275 : i32
        %get3A_277 = arith.index_cast %add3A_276 : i32 to index
        %get3A_278 = arith.constant 16 : index
        %get3A_279 = tpu.vector_load %arg10[%get3A_277, %get3A_278] {strides = array<i32>} : memref<448x32xi32, #tpu.memory_space<vmem>>, vector<16xi32>,
        %bitcast3A_280 = vector.bitcast %get3A_279 : vector<16xi32> to vector<32xbf16>
        %unpack3A_281 = tpu.unpack_subelements %bitcast3A_280, 0 {pack_format = #tpu.pack_format<interleaved>} : vector<32xbf16> -> vector<16xf32>
        %unpack3A_282 = tpu.unpack_subelements %bitcast3A_280, 1 {pack_format = #tpu.pack_format<interleaved>} : vector<32xbf16> -> vector<16xf32>
        %add3A_283 = arith.constant 2 : i32
        %add3A_284 = arith.addi %add3A_178, %add3A_283 : i32
        %mul3A_285 = arith.constant 64 : i32
        %mul3A_286 = arith.muli %add3A_284, %mul3A_285 : i32
        %add3A_287 = arith.constant 32 : i32
        %add3A_288 = arith.addi %mul3A_286, %add3A_287 : i32
        %swap3A_289 = arith.index_cast %add3A_288 : i32 to index
        %swap3A_290 = tpu.vector_load %arg11[%swap3A_289] {strides = array<i32>} : memref<14336xf32, #tpu.memory_space<vmem>>, vector<16xf32>,
        tpu.vector_store %arg11[%swap3A_289], %unpack3A_281 {add = true, strides = array<i32>} : memref<14336xf32, #tpu.memory_space<vmem>>, vector<16xf32>,
        %add3A_291 = arith.constant 16 : i32
        %add3A_292 = arith.addi %add3A_288, %add3A_291 : i32
        %swap3A_293 = arith.index_cast %add3A_292 : i32 to index
        %swap3A_294 = tpu.vector_load %arg11[%swap3A_293] {strides = array<i32>} : memref<14336xf32, #tpu.memory_space<vmem>>, vector<16xf32>,
        tpu.vector_store %arg11[%swap3A_293], %unpack3A_282 {add = true, strides = array<i32>} : memref<14336xf32, #tpu.memory_space<vmem>>, vector<16xf32>,
        %add3A_295 = arith.constant 3 : i32
        %add3A_296 = arith.addi %add3A_174, %add3A_295 : i32
        %get3A_297 = arith.index_cast %add3A_296 : i32 to index
        %get3A_298 = arith.constant 0 : index
        %get3A_299 = tpu.vector_load %arg10[%get3A_297, %get3A_298] {strides = array<i32>} : memref<448x32xi32, #tpu.memory_space<vmem>>, vector<16xi32>,
        %bitcast3A_300 = vector.bitcast %get3A_299 : vector<16xi32> to vector<32xbf16>
        %unpack3A_301 = tpu.unpack_subelements %bitcast3A_300, 0 {pack_format = #tpu.pack_format<interleaved>} : vector<32xbf16> -> vector<16xf32>
        %unpack3A_302 = tpu.unpack_subelements %bitcast3A_300, 1 {pack_format = #tpu.pack_format<interleaved>} : vector<32xbf16> -> vector<16xf32>
        %add3A_303 = arith.constant 3 : i32
        %add3A_304 = arith.addi %add3A_178, %add3A_303 : i32
        %mul3A_305 = arith.constant 64 : i32
        %mul3A_306 = arith.muli %add3A_304, %mul3A_305 : i32
        %add3A_307 = arith.constant 0 : i32
        %add3A_308 = arith.addi %mul3A_306, %add3A_307 : i32
        %swap3A_309 = arith.index_cast %add3A_308 : i32 to index
        %swap3A_310 = tpu.vector_load %arg11[%swap3A_309] {strides = array<i32>} : memref<14336xf32, #tpu.memory_space<vmem>>, vector<16xf32>,
        tpu.vector_store %arg11[%swap3A_309], %unpack3A_301 {add = true, strides = array<i32>} : memref<14336xf32, #tpu.memory_space<vmem>>, vector<16xf32>,
        %add3A_311 = arith.constant 16 : i32
        %add3A_312 = arith.addi %add3A_308, %add3A_311 : i32
        %swap3A_313 = arith.index_cast %add3A_312 : i32 to index
        %swap3A_314 = tpu.vector_load %arg11[%swap3A_313] {strides = array<i32>} : memref<14336xf32, #tpu.memory_space<vmem>>, vector<16xf32>,
        tpu.vector_store %arg11[%swap3A_313], %unpack3A_302 {add = true, strides = array<i32>} : memref<14336xf32, #tpu.memory_space<vmem>>, vector<16xf32>,
        %add3A_315 = arith.constant 3 : i32
        %add3A_316 = arith.addi %add3A_174, %add3A_315 : i32
        %get3A_317 = arith.index_cast %add3A_316 : i32 to index
        %get3A_318 = arith.constant 16 : index
        %get3A_319 = tpu.vector_load %arg10[%get3A_317, %get3A_318] {strides = array<i32>} : memref<448x32xi32, #tpu.memory_space<vmem>>, vector<16xi32>,
        %bitcast3A_320 = vector.bitcast %get3A_319 : vector<16xi32> to vector<32xbf16>
        %unpack3A_321 = tpu.unpack_subelements %bitcast3A_320, 0 {pack_format = #tpu.pack_format<interleaved>} : vector<32xbf16> -> vector<16xf32>
        %unpack3A_322 = tpu.unpack_subelements %bitcast3A_320, 1 {pack_format = #tpu.pack_format<interleaved>} : vector<32xbf16> -> vector<16xf32>
        %add3A_323 = arith.constant 3 : i32
        %add3A_324 = arith.addi %add3A_178, %add3A_323 : i32
        %mul3A_325 = arith.constant 64 : i32
        %mul3A_326 = arith.muli %add3A_324, %mul3A_325 : i32
        %add3A_327 = arith.constant 32 : i32
        %add3A_328 = arith.addi %mul3A_326, %add3A_327 : i32
        %swap3A_329 = arith.index_cast %add3A_328 : i32 to index
        %swap3A_330 = tpu.vector_load %arg11[%swap3A_329] {strides = array<i32>} : memref<14336xf32, #tpu.memory_space<vmem>>, vector<16xf32>,
        tpu.vector_store %arg11[%swap3A_329], %unpack3A_321 {add = true, strides = array<i32>} : memref<14336xf32, #tpu.memory_space<vmem>>, vector<16xf32>,
        %add3A_331 = arith.constant 16 : i32
        %add3A_332 = arith.addi %add3A_328, %add3A_331 : i32
        %swap3A_333 = arith.index_cast %add3A_332 : i32 to index
        %swap3A_334 = tpu.vector_load %arg11[%swap3A_333] {strides = array<i32>} : memref<14336xf32, #tpu.memory_space<vmem>>, vector<16xf32>,
        tpu.vector_store %arg11[%swap3A_333], %unpack3A_322 {add = true, strides = array<i32>} : memref<14336xf32, #tpu.memory_space<vmem>>, vector<16xf32>,
      }
      %scan3A_113 = arith.constant 28 : i32
      %dma_wait3A_114 = arith.constant 1 : i32
      %dma_wait3A_115 = arith.constant 112 : i32
      %dma_wait3A_116 = arith.constant 0 : i32
      %dma_wait3A_117 = tpu.memref_slice %arg10[%dma_wait3A_115, %dma_wait3A_116] : memref<448x32xi32, #tpu.memory_space<vmem>> -> memref<112x32xi32, #tpu.memory_space<vmem>>
      %dma_wait3A_118 = arith.constant 4144 : i32
      %dma_wait3A_119 = tpu.memref_slice %arg9[%dma_wait3A_118] : memref<4480xi32, #tpu.memory_space<vmem>> -> memref<112xi32, #tpu.memory_space<vmem>>
      %dma_wait3A_120 = arith.constant 0 : i32
      %dma_wait3A_121 = arith.constant 0 : i32
      %dma_wait3A_122 = tpu.memref_slice %arg4[%dma_wait3A_120, %dma_wait3A_121] : memref<100000x32xi32, #tpu.memory_space<hbm>> -> memref<100000x32xi32, #tpu.memory_space<hbm>>
      %dma_wait3A_123 = tpu.memref_slice %arg13[%dma_wait3A_114] : memref<4x!tpu.dma_semaphore, #tpu.memory_space<semaphore_mem>> -> memref<1x!tpu.dma_semaphore, #tpu.memory_space<semaphore_mem>>
      %dma_wait3A_124 = tpu.memref_squeeze %dma_wait3A_123 : memref<1x!tpu.dma_semaphore, #tpu.memory_space<semaphore_mem>> -> memref<!tpu.dma_semaphore, #tpu.memory_space<semaphore_mem>>
      tpu.wait_indirect_dma semaphore(%dma_wait3A_124 : memref<!tpu.dma_semaphore, #tpu.memory_space<semaphore_mem>>) src(%dma_wait3A_122 : memref<100000x32xi32, #tpu.memory_space<hbm>>) dst(%dma_wait3A_117 : memref<112x32xi32, #tpu.memory_space<vmem>>)
      %scan3A_125 = arith.constant 0 : i32
      %scan3A_126 = arith.constant 28 : i32
      %scan3A_127 = arith.addi %scan3A_125, %scan3A_126 : i32
      %scan3A_128 = arith.constant 1 : i32
      scf.for %scan3A_170 = %scan3A_125 to %scan3A_127 step %scan3A_128  : i32 {
        %mul3A_171 = arith.constant 4 : i32
        %mul3A_172 = arith.muli %scan3A_170, %mul3A_171 : i32
        %add3A_173 = arith.constant 112 : i32
        %add3A_174 = arith.addi %add3A_173, %mul3A_172 : i32
        %mul3A_175 = arith.constant 4 : i32
        %mul3A_176 = arith.muli %scan3A_170, %mul3A_175 : i32
        %add3A_177 = arith.constant 112 : i32
        %add3A_178 = arith.addi %add3A_177, %mul3A_176 : i32
        %add3A_179 = arith.constant 0 : i32
        %add3A_180 = arith.addi %add3A_174, %add3A_179 : i32
        %get3A = arith.index_cast %add3A_180 : i32 to index
        %get3A_181 = arith.constant 0 : index
        %get3A_182 = tpu.vector_load %arg10[%get3A, %get3A_181] {strides = array<i32>} : memref<448x32xi32, #tpu.memory_space<vmem>>, vector<16xi32>,
        %bitcast3A = vector.bitcast %get3A_182 : vector<16xi32> to vector<32xbf16>
        %unpack3A = tpu.unpack_subelements %bitcast3A, 0 {pack_format = #tpu.pack_format<interleaved>} : vector<32xbf16> -> vector<16xf32>
        %unpack3A_183 = tpu.unpack_subelements %bitcast3A, 1 {pack_format = #tpu.pack_format<interleaved>} : vector<32xbf16> -> vector<16xf32>
        %add3A_184 = arith.constant 0 : i32
        %add3A_185 = arith.addi %add3A_178, %add3A_184 : i32
        %mul3A_186 = arith.constant 64 : i32
        %mul3A_187 = arith.muli %add3A_185, %mul3A_186 : i32
        %add3A_188 = arith.constant 0 : i32
        %add3A_189 = arith.addi %mul3A_187, %add3A_188 : i32
        %swap3A = arith.index_cast %add3A_189 : i32 to index
        %swap3A_190 = tpu.vector_load %arg11[%swap3A] {strides = array<i32>} : memref<14336xf32, #tpu.memory_space<vmem>>, vector<16xf32>,
        tpu.vector_store %arg11[%swap3A], %unpack3A {add = true, strides = array<i32>} : memref<14336xf32, #tpu.memory_space<vmem>>, vector<16xf32>,
        %add3A_191 = arith.constant 16 : i32
        %add3A_192 = arith.addi %add3A_189, %add3A_191 : i32
        %swap3A_193 = arith.index_cast %add3A_192 : i32 to index
        %swap3A_194 = tpu.vector_load %arg11[%swap3A_193] {strides = array<i32>} : memref<14336xf32, #tpu.memory_space<vmem>>, vector<16xf32>,
        tpu.vector_store %arg11[%swap3A_193], %unpack3A_183 {add = true, strides = array<i32>} : memref<14336xf32, #tpu.memory_space<vmem>>, vector<16xf32>,
        %add3A_195 = arith.constant 0 : i32
        %add3A_196 = arith.addi %add3A_174, %add3A_195 : i32
        %get3A_197 = arith.index_cast %add3A_196 : i32 to index
        %get3A_198 = arith.constant 16 : index
        %get3A_199 = tpu.vector_load %arg10[%get3A_197, %get3A_198] {strides = array<i32>} : memref<448x32xi32, #tpu.memory_space<vmem>>, vector<16xi32>,
        %bitcast3A_200 = vector.bitcast %get3A_199 : vector<16xi32> to vector<32xbf16>
        %unpack3A_201 = tpu.unpack_subelements %bitcast3A_200, 0 {pack_format = #tpu.pack_format<interleaved>} : vector<32xbf16> -> vector<16xf32>
        %unpack3A_202 = tpu.unpack_subelements %bitcast3A_200, 1 {pack_format = #tpu.pack_format<interleaved>} : vector<32xbf16> -> vector<16xf32>
        %add3A_203 = arith.constant 0 : i32
        %add3A_204 = arith.addi %add3A_178, %add3A_203 : i32
        %mul3A_205 = arith.constant 64 : i32
        %mul3A_206 = arith.muli %add3A_204, %mul3A_205 : i32
        %add3A_207 = arith.constant 32 : i32
        %add3A_208 = arith.addi %mul3A_206, %add3A_207 : i32
        %swap3A_209 = arith.index_cast %add3A_208 : i32 to index
        %swap3A_210 = tpu.vector_load %arg11[%swap3A_209] {strides = array<i32>} : memref<14336xf32, #tpu.memory_space<vmem>>, vector<16xf32>,
        tpu.vector_store %arg11[%swap3A_209], %unpack3A_201 {add = true, strides = array<i32>} : memref<14336xf32, #tpu.memory_space<vmem>>, vector<16xf32>,
        %add3A_211 = arith.constant 16 : i32
        %add3A_212 = arith.addi %add3A_208, %add3A_211 : i32
        %swap3A_213 = arith.index_cast %add3A_212 : i32 to index
        %swap3A_214 = tpu.vector_load %arg11[%swap3A_213] {strides = array<i32>} : memref<14336xf32, #tpu.memory_space<vmem>>, vector<16xf32>,
        tpu.vector_store %arg11[%swap3A_213], %unpack3A_202 {add = true, strides = array<i32>} : memref<14336xf32, #tpu.memory_space<vmem>>, vector<16xf32>,
        %add3A_215 = arith.constant 1 : i32
        %add3A_216 = arith.addi %add3A_174, %add3A_215 : i32
        %get3A_217 = arith.index_cast %add3A_216 : i32 to index
        %get3A_218 = arith.constant 0 : index
        %get3A_219 = tpu.vector_load %arg10[%get3A_217, %get3A_218] {strides = array<i32>} : memref<448x32xi32, #tpu.memory_space<vmem>>, vector<16xi32>,
        %bitcast3A_220 = vector.bitcast %get3A_219 : vector<16xi32> to vector<32xbf16>
        %unpack3A_221 = tpu.unpack_subelements %bitcast3A_220, 0 {pack_format = #tpu.pack_format<interleaved>} : vector<32xbf16> -> vector<16xf32>
        %unpack3A_222 = tpu.unpack_subelements %bitcast3A_220, 1 {pack_format = #tpu.pack_format<interleaved>} : vector<32xbf16> -> vector<16xf32>
        %add3A_223 = arith.constant 1 : i32
        %add3A_224 = arith.addi %add3A_178, %add3A_223 : i32
        %mul3A_225 = arith.constant 64 : i32
        %mul3A_226 = arith.muli %add3A_224, %mul3A_225 : i32
        %add3A_227 = arith.constant 0 : i32
        %add3A_228 = arith.addi %mul3A_226, %add3A_227 : i32
        %swap3A_229 = arith.index_cast %add3A_228 : i32 to index
        %swap3A_230 = tpu.vector_load %arg11[%swap3A_229] {strides = array<i32>} : memref<14336xf32, #tpu.memory_space<vmem>>, vector<16xf32>,
        tpu.vector_store %arg11[%swap3A_229], %unpack3A_221 {add = true, strides = array<i32>} : memref<14336xf32, #tpu.memory_space<vmem>>, vector<16xf32>,
        %add3A_231 = arith.constant 16 : i32
        %add3A_232 = arith.addi %add3A_228, %add3A_231 : i32
        %swap3A_233 = arith.index_cast %add3A_232 : i32 to index
        %swap3A_234 = tpu.vector_load %arg11[%swap3A_233] {strides = array<i32>} : memref<14336xf32, #tpu.memory_space<vmem>>, vector<16xf32>,
        tpu.vector_store %arg11[%swap3A_233], %unpack3A_222 {add = true, strides = array<i32>} : memref<14336xf32, #tpu.memory_space<vmem>>, vector<16xf32>,
        %add3A_235 = arith.constant 1 : i32
        %add3A_236 = arith.addi %add3A_174, %add3A_235 : i32
        %get3A_237 = arith.index_cast %add3A_236 : i32 to index
        %get3A_238 = arith.constant 16 : index
        %get3A_239 = tpu.vector_load %arg10[%get3A_237, %get3A_238] {strides = array<i32>} : memref<448x32xi32, #tpu.memory_space<vmem>>, vector<16xi32>,
        %bitcast3A_240 = vector.bitcast %get3A_239 : vector<16xi32> to vector<32xbf16>
        %unpack3A_241 = tpu.unpack_subelements %bitcast3A_240, 0 {pack_format = #tpu.pack_format<interleaved>} : vector<32xbf16> -> vector<16xf32>
        %unpack3A_242 = tpu.unpack_subelements %bitcast3A_240, 1 {pack_format = #tpu.pack_format<interleaved>} : vector<32xbf16> -> vector<16xf32>
        %add3A_243 = arith.constant 1 : i32
        %add3A_244 = arith.addi %add3A_178, %add3A_243 : i32
        %mul3A_245 = arith.constant 64 : i32
        %mul3A_246 = arith.muli %add3A_244, %mul3A_245 : i32
        %add3A_247 = arith.constant 32 : i32
        %add3A_248 = arith.addi %mul3A_246, %add3A_247 : i32
        %swap3A_249 = arith.index_cast %add3A_248 : i32 to index
        %swap3A_250 = tpu.vector_load %arg11[%swap3A_249] {strides = array<i32>} : memref<14336xf32, #tpu.memory_space<vmem>>, vector<16xf32>,
        tpu.vector_store %arg11[%swap3A_249], %unpack3A_241 {add = true, strides = array<i32>} : memref<14336xf32, #tpu.memory_space<vmem>>, vector<16xf32>,
        %add3A_251 = arith.constant 16 : i32
        %add3A_252 = arith.addi %add3A_248, %add3A_251 : i32
        %swap3A_253 = arith.index_cast %add3A_252 : i32 to index
        %swap3A_254 = tpu.vector_load %arg11[%swap3A_253] {strides = array<i32>} : memref<14336xf32, #tpu.memory_space<vmem>>, vector<16xf32>,
        tpu.vector_store %arg11[%swap3A_253], %unpack3A_242 {add = true, strides = array<i32>} : memref<14336xf32, #tpu.memory_space<vmem>>, vector<16xf32>,
        %add3A_255 = arith.constant 2 : i32
        %add3A_256 = arith.addi %add3A_174, %add3A_255 : i32
        %get3A_257 = arith.index_cast %add3A_256 : i32 to index
        %get3A_258 = arith.constant 0 : index
        %get3A_259 = tpu.vector_load %arg10[%get3A_257, %get3A_258] {strides = array<i32>} : memref<448x32xi32, #tpu.memory_space<vmem>>, vector<16xi32>,
        %bitcast3A_260 = vector.bitcast %get3A_259 : vector<16xi32> to vector<32xbf16>
        %unpack3A_261 = tpu.unpack_subelements %bitcast3A_260, 0 {pack_format = #tpu.pack_format<interleaved>} : vector<32xbf16> -> vector<16xf32>
        %unpack3A_262 = tpu.unpack_subelements %bitcast3A_260, 1 {pack_format = #tpu.pack_format<interleaved>} : vector<32xbf16> -> vector<16xf32>
        %add3A_263 = arith.constant 2 : i32
        %add3A_264 = arith.addi %add3A_178, %add3A_263 : i32
        %mul3A_265 = arith.constant 64 : i32
        %mul3A_266 = arith.muli %add3A_264, %mul3A_265 : i32
        %add3A_267 = arith.constant 0 : i32
        %add3A_268 = arith.addi %mul3A_266, %add3A_267 : i32
        %swap3A_269 = arith.index_cast %add3A_268 : i32 to index
        %swap3A_270 = tpu.vector_load %arg11[%swap3A_269] {strides = array<i32>} : memref<14336xf32, #tpu.memory_space<vmem>>, vector<16xf32>,
        tpu.vector_store %arg11[%swap3A_269], %unpack3A_261 {add = true, strides = array<i32>} : memref<14336xf32, #tpu.memory_space<vmem>>, vector<16xf32>,
        %add3A_271 = arith.constant 16 : i32
        %add3A_272 = arith.addi %add3A_268, %add3A_271 : i32
        %swap3A_273 = arith.index_cast %add3A_272 : i32 to index
        %swap3A_274 = tpu.vector_load %arg11[%swap3A_273] {strides = array<i32>} : memref<14336xf32, #tpu.memory_space<vmem>>, vector<16xf32>,
        tpu.vector_store %arg11[%swap3A_273], %unpack3A_262 {add = true, strides = array<i32>} : memref<14336xf32, #tpu.memory_space<vmem>>, vector<16xf32>,
        %add3A_275 = arith.constant 2 : i32
        %add3A_276 = arith.addi %add3A_174, %add3A_275 : i32
        %get3A_277 = arith.index_cast %add3A_276 : i32 to index
        %get3A_278 = arith.constant 16 : index
        %get3A_279 = tpu.vector_load %arg10[%get3A_277, %get3A_278] {strides = array<i32>} : memref<448x32xi32, #tpu.memory_space<vmem>>, vector<16xi32>,
        %bitcast3A_280 = vector.bitcast %get3A_279 : vector<16xi32> to vector<32xbf16>
        %unpack3A_281 = tpu.unpack_subelements %bitcast3A_280, 0 {pack_format = #tpu.pack_format<interleaved>} : vector<32xbf16> -> vector<16xf32>
        %unpack3A_282 = tpu.unpack_subelements %bitcast3A_280, 1 {pack_format = #tpu.pack_format<interleaved>} : vector<32xbf16> -> vector<16xf32>
        %add3A_283 = arith.constant 2 : i32
        %add3A_284 = arith.addi %add3A_178, %add3A_283 : i32
        %mul3A_285 = arith.constant 64 : i32
        %mul3A_286 = arith.muli %add3A_284, %mul3A_285 : i32
        %add3A_287 = arith.constant 32 : i32
        %add3A_288 = arith.addi %mul3A_286, %add3A_287 : i32
        %swap3A_289 = arith.index_cast %add3A_288 : i32 to index
        %swap3A_290 = tpu.vector_load %arg11[%swap3A_289] {strides = array<i32>} : memref<14336xf32, #tpu.memory_space<vmem>>, vector<16xf32>,
        tpu.vector_store %arg11[%swap3A_289], %unpack3A_281 {add = true, strides = array<i32>} : memref<14336xf32, #tpu.memory_space<vmem>>, vector<16xf32>,
        %add3A_291 = arith.constant 16 : i32
        %add3A_292 = arith.addi %add3A_288, %add3A_291 : i32
        %swap3A_293 = arith.index_cast %add3A_292 : i32 to index
        %swap3A_294 = tpu.vector_load %arg11[%swap3A_293] {strides = array<i32>} : memref<14336xf32, #tpu.memory_space<vmem>>, vector<16xf32>,
        tpu.vector_store %arg11[%swap3A_293], %unpack3A_282 {add = true, strides = array<i32>} : memref<14336xf32, #tpu.memory_space<vmem>>, vector<16xf32>,
        %add3A_295 = arith.constant 3 : i32
        %add3A_296 = arith.addi %add3A_174, %add3A_295 : i32
        %get3A_297 = arith.index_cast %add3A_296 : i32 to index
        %get3A_298 = arith.constant 0 : index
        %get3A_299 = tpu.vector_load %arg10[%get3A_297, %get3A_298] {strides = array<i32>} : memref<448x32xi32, #tpu.memory_space<vmem>>, vector<16xi32>,
        %bitcast3A_300 = vector.bitcast %get3A_299 : vector<16xi32> to vector<32xbf16>
        %unpack3A_301 = tpu.unpack_subelements %bitcast3A_300, 0 {pack_format = #tpu.pack_format<interleaved>} : vector<32xbf16> -> vector<16xf32>
        %unpack3A_302 = tpu.unpack_subelements %bitcast3A_300, 1 {pack_format = #tpu.pack_format<interleaved>} : vector<32xbf16> -> vector<16xf32>
        %add3A_303 = arith.constant 3 : i32
        %add3A_304 = arith.addi %add3A_178, %add3A_303 : i32
        %mul3A_305 = arith.constant 64 : i32
        %mul3A_306 = arith.muli %add3A_304, %mul3A_305 : i32
        %add3A_307 = arith.constant 0 : i32
        %add3A_308 = arith.addi %mul3A_306, %add3A_307 : i32
        %swap3A_309 = arith.index_cast %add3A_308 : i32 to index
        %swap3A_310 = tpu.vector_load %arg11[%swap3A_309] {strides = array<i32>} : memref<14336xf32, #tpu.memory_space<vmem>>, vector<16xf32>,
        tpu.vector_store %arg11[%swap3A_309], %unpack3A_301 {add = true, strides = array<i32>} : memref<14336xf32, #tpu.memory_space<vmem>>, vector<16xf32>,
        %add3A_311 = arith.constant 16 : i32
        %add3A_312 = arith.addi %add3A_308, %add3A_311 : i32
        %swap3A_313 = arith.index_cast %add3A_312 : i32 to index
        %swap3A_314 = tpu.vector_load %arg11[%swap3A_313] {strides = array<i32>} : memref<14336xf32, #tpu.memory_space<vmem>>, vector<16xf32>,
        tpu.vector_store %arg11[%swap3A_313], %unpack3A_302 {add = true, strides = array<i32>} : memref<14336xf32, #tpu.memory_space<vmem>>, vector<16xf32>,
        %add3A_315 = arith.constant 3 : i32
        %add3A_316 = arith.addi %add3A_174, %add3A_315 : i32
        %get3A_317 = arith.index_cast %add3A_316 : i32 to index
        %get3A_318 = arith.constant 16 : index
        %get3A_319 = tpu.vector_load %arg10[%get3A_317, %get3A_318] {strides = array<i32>} : memref<448x32xi32, #tpu.memory_space<vmem>>, vector<16xi32>,
        %bitcast3A_320 = vector.bitcast %get3A_319 : vector<16xi32> to vector<32xbf16>
        %unpack3A_321 = tpu.unpack_subelements %bitcast3A_320, 0 {pack_format = #tpu.pack_format<interleaved>} : vector<32xbf16> -> vector<16xf32>
        %unpack3A_322 = tpu.unpack_subelements %bitcast3A_320, 1 {pack_format = #tpu.pack_format<interleaved>} : vector<32xbf16> -> vector<16xf32>
        %add3A_323 = arith.constant 3 : i32
        %add3A_324 = arith.addi %add3A_178, %add3A_323 : i32
        %mul3A_325 = arith.constant 64 : i32
        %mul3A_326 = arith.muli %add3A_324, %mul3A_325 : i32
        %add3A_327 = arith.constant 32 : i32
        %add3A_328 = arith.addi %mul3A_326, %add3A_327 : i32
        %swap3A_329 = arith.index_cast %add3A_328 : i32 to index
        %swap3A_330 = tpu.vector_load %arg11[%swap3A_329] {strides = array<i32>} : memref<14336xf32, #tpu.memory_space<vmem>>, vector<16xf32>,
        tpu.vector_store %arg11[%swap3A_329], %unpack3A_321 {add = true, strides = array<i32>} : memref<14336xf32, #tpu.memory_space<vmem>>, vector<16xf32>,
        %add3A_331 = arith.constant 16 : i32
        %add3A_332 = arith.addi %add3A_328, %add3A_331 : i32
        %swap3A_333 = arith.index_cast %add3A_332 : i32 to index
        %swap3A_334 = tpu.vector_load %arg11[%swap3A_333] {strides = array<i32>} : memref<14336xf32, #tpu.memory_space<vmem>>, vector<16xf32>,
        tpu.vector_store %arg11[%swap3A_333], %unpack3A_322 {add = true, strides = array<i32>} : memref<14336xf32, #tpu.memory_space<vmem>>, vector<16xf32>,
      }
      %scan3A_129 = arith.constant 28 : i32
      %dma_wait3A_130 = arith.constant 2 : i32
      %dma_wait3A_131 = arith.constant 224 : i32
      %dma_wait3A_132 = arith.constant 0 : i32
      %dma_wait3A_133 = tpu.memref_slice %arg10[%dma_wait3A_131, %dma_wait3A_132] : memref<448x32xi32, #tpu.memory_space<vmem>> -> memref<112x32xi32, #tpu.memory_space<vmem>>
      %dma_wait3A_134 = arith.constant 4256 : i32
      %dma_wait3A_135 = tpu.memref_slice %arg9[%dma_wait3A_134] : memref<4480xi32, #tpu.memory_space<vmem>> -> memref<112xi32, #tpu.memory_space<vmem>>
      %dma_wait3A_136 = arith.constant 0 : i32
      %dma_wait3A_137 = arith.constant 0 : i32
      %dma_wait3A_138 = tpu.memref_slice %arg4[%dma_wait3A_136, %dma_wait3A_137] : memref<100000x32xi32, #tpu.memory_space<hbm>> -> memref<100000x32xi32, #tpu.memory_space<hbm>>
      %dma_wait3A_139 = tpu.memref_slice %arg13[%dma_wait3A_130] : memref<4x!tpu.dma_semaphore, #tpu.memory_space<semaphore_mem>> -> memref<1x!tpu.dma_semaphore, #tpu.memory_space<semaphore_mem>>
      %dma_wait3A_140 = tpu.memref_squeeze %dma_wait3A_139 : memref<1x!tpu.dma_semaphore, #tpu.memory_space<semaphore_mem>> -> memref<!tpu.dma_semaphore, #tpu.memory_space<semaphore_mem>>
      tpu.wait_indirect_dma semaphore(%dma_wait3A_140 : memref<!tpu.dma_semaphore, #tpu.memory_space<semaphore_mem>>) src(%dma_wait3A_138 : memref<100000x32xi32, #tpu.memory_space<hbm>>) dst(%dma_wait3A_133 : memref<112x32xi32, #tpu.memory_space<vmem>>)
      %scan3A_141 = arith.constant 0 : i32
      %scan3A_142 = arith.constant 28 : i32
      %scan3A_143 = arith.addi %scan3A_141, %scan3A_142 : i32
      %scan3A_144 = arith.constant 1 : i32
      scf.for %scan3A_170 = %scan3A_141 to %scan3A_143 step %scan3A_144  : i32 {
        %mul3A_171 = arith.constant 4 : i32
        %mul3A_172 = arith.muli %scan3A_170, %mul3A_171 : i32
        %add3A_173 = arith.constant 224 : i32
        %add3A_174 = arith.addi %add3A_173, %mul3A_172 : i32
        %mul3A_175 = arith.constant 4 : i32
        %mul3A_176 = arith.muli %scan3A_170, %mul3A_175 : i32
        %add3A_177 = arith.constant 0 : i32
        %add3A_178 = arith.addi %add3A_177, %mul3A_176 : i32
        %add3A_179 = arith.constant 0 : i32
        %add3A_180 = arith.addi %add3A_174, %add3A_179 : i32
        %get3A = arith.index_cast %add3A_180 : i32 to index
        %get3A_181 = arith.constant 0 : index
        %get3A_182 = tpu.vector_load %arg10[%get3A, %get3A_181] {strides = array<i32>} : memref<448x32xi32, #tpu.memory_space<vmem>>, vector<16xi32>,
        %bitcast3A = vector.bitcast %get3A_182 : vector<16xi32> to vector<32xbf16>
        %unpack3A = tpu.unpack_subelements %bitcast3A, 0 {pack_format = #tpu.pack_format<interleaved>} : vector<32xbf16> -> vector<16xf32>
        %unpack3A_183 = tpu.unpack_subelements %bitcast3A, 1 {pack_format = #tpu.pack_format<interleaved>} : vector<32xbf16> -> vector<16xf32>
        %add3A_184 = arith.constant 0 : i32
        %add3A_185 = arith.addi %add3A_178, %add3A_184 : i32
        %mul3A_186 = arith.constant 64 : i32
        %mul3A_187 = arith.muli %add3A_185, %mul3A_186 : i32
        %add3A_188 = arith.constant 0 : i32
        %add3A_189 = arith.addi %mul3A_187, %add3A_188 : i32
        %swap3A = arith.index_cast %add3A_189 : i32 to index
        %swap3A_190 = tpu.vector_load %arg11[%swap3A] {strides = array<i32>} : memref<14336xf32, #tpu.memory_space<vmem>>, vector<16xf32>,
        tpu.vector_store %arg11[%swap3A], %unpack3A {add = true, strides = array<i32>} : memref<14336xf32, #tpu.memory_space<vmem>>, vector<16xf32>,
        %add3A_191 = arith.constant 16 : i32
        %add3A_192 = arith.addi %add3A_189, %add3A_191 : i32
        %swap3A_193 = arith.index_cast %add3A_192 : i32 to index
        %swap3A_194 = tpu.vector_load %arg11[%swap3A_193] {strides = array<i32>} : memref<14336xf32, #tpu.memory_space<vmem>>, vector<16xf32>,
        tpu.vector_store %arg11[%swap3A_193], %unpack3A_183 {add = true, strides = array<i32>} : memref<14336xf32, #tpu.memory_space<vmem>>, vector<16xf32>,
        %add3A_195 = arith.constant 0 : i32
        %add3A_196 = arith.addi %add3A_174, %add3A_195 : i32
        %get3A_197 = arith.index_cast %add3A_196 : i32 to index
        %get3A_198 = arith.constant 16 : index
        %get3A_199 = tpu.vector_load %arg10[%get3A_197, %get3A_198] {strides = array<i32>} : memref<448x32xi32, #tpu.memory_space<vmem>>, vector<16xi32>,
        %bitcast3A_200 = vector.bitcast %get3A_199 : vector<16xi32> to vector<32xbf16>
        %unpack3A_201 = tpu.unpack_subelements %bitcast3A_200, 0 {pack_format = #tpu.pack_format<interleaved>} : vector<32xbf16> -> vector<16xf32>
        %unpack3A_202 = tpu.unpack_subelements %bitcast3A_200, 1 {pack_format = #tpu.pack_format<interleaved>} : vector<32xbf16> -> vector<16xf32>
        %add3A_203 = arith.constant 0 : i32
        %add3A_204 = arith.addi %add3A_178, %add3A_203 : i32
        %mul3A_205 = arith.constant 64 : i32
        %mul3A_206 = arith.muli %add3A_204, %mul3A_205 : i32
        %add3A_207 = arith.constant 32 : i32
        %add3A_208 = arith.addi %mul3A_206, %add3A_207 : i32
        %swap3A_209 = arith.index_cast %add3A_208 : i32 to index
        %swap3A_210 = tpu.vector_load %arg11[%swap3A_209] {strides = array<i32>} : memref<14336xf32, #tpu.memory_space<vmem>>, vector<16xf32>,
        tpu.vector_store %arg11[%swap3A_209], %unpack3A_201 {add = true, strides = array<i32>} : memref<14336xf32, #tpu.memory_space<vmem>>, vector<16xf32>,
        %add3A_211 = arith.constant 16 : i32
        %add3A_212 = arith.addi %add3A_208, %add3A_211 : i32
        %swap3A_213 = arith.index_cast %add3A_212 : i32 to index
        %swap3A_214 = tpu.vector_load %arg11[%swap3A_213] {strides = array<i32>} : memref<14336xf32, #tpu.memory_space<vmem>>, vector<16xf32>,
        tpu.vector_store %arg11[%swap3A_213], %unpack3A_202 {add = true, strides = array<i32>} : memref<14336xf32, #tpu.memory_space<vmem>>, vector<16xf32>,
        %add3A_215 = arith.constant 1 : i32
        %add3A_216 = arith.addi %add3A_174, %add3A_215 : i32
        %get3A_217 = arith.index_cast %add3A_216 : i32 to index
        %get3A_218 = arith.constant 0 : index
        %get3A_219 = tpu.vector_load %arg10[%get3A_217, %get3A_218] {strides = array<i32>} : memref<448x32xi32, #tpu.memory_space<vmem>>, vector<16xi32>,
        %bitcast3A_220 = vector.bitcast %get3A_219 : vector<16xi32> to vector<32xbf16>
        %unpack3A_221 = tpu.unpack_subelements %bitcast3A_220, 0 {pack_format = #tpu.pack_format<interleaved>} : vector<32xbf16> -> vector<16xf32>
        %unpack3A_222 = tpu.unpack_subelements %bitcast3A_220, 1 {pack_format = #tpu.pack_format<interleaved>} : vector<32xbf16> -> vector<16xf32>
        %add3A_223 = arith.constant 1 : i32
        %add3A_224 = arith.addi %add3A_178, %add3A_223 : i32
        %mul3A_225 = arith.constant 64 : i32
        %mul3A_226 = arith.muli %add3A_224, %mul3A_225 : i32
        %add3A_227 = arith.constant 0 : i32
        %add3A_228 = arith.addi %mul3A_226, %add3A_227 : i32
        %swap3A_229 = arith.index_cast %add3A_228 : i32 to index
        %swap3A_230 = tpu.vector_load %arg11[%swap3A_229] {strides = array<i32>} : memref<14336xf32, #tpu.memory_space<vmem>>, vector<16xf32>,
        tpu.vector_store %arg11[%swap3A_229], %unpack3A_221 {add = true, strides = array<i32>} : memref<14336xf32, #tpu.memory_space<vmem>>, vector<16xf32>,
        %add3A_231 = arith.constant 16 : i32
        %add3A_232 = arith.addi %add3A_228, %add3A_231 : i32
        %swap3A_233 = arith.index_cast %add3A_232 : i32 to index
        %swap3A_234 = tpu.vector_load %arg11[%swap3A_233] {strides = array<i32>} : memref<14336xf32, #tpu.memory_space<vmem>>, vector<16xf32>,
        tpu.vector_store %arg11[%swap3A_233], %unpack3A_222 {add = true, strides = array<i32>} : memref<14336xf32, #tpu.memory_space<vmem>>, vector<16xf32>,
        %add3A_235 = arith.constant 1 : i32
        %add3A_236 = arith.addi %add3A_174, %add3A_235 : i32
        %get3A_237 = arith.index_cast %add3A_236 : i32 to index
        %get3A_238 = arith.constant 16 : index
        %get3A_239 = tpu.vector_load %arg10[%get3A_237, %get3A_238] {strides = array<i32>} : memref<448x32xi32, #tpu.memory_space<vmem>>, vector<16xi32>,
        %bitcast3A_240 = vector.bitcast %get3A_239 : vector<16xi32> to vector<32xbf16>
        %unpack3A_241 = tpu.unpack_subelements %bitcast3A_240, 0 {pack_format = #tpu.pack_format<interleaved>} : vector<32xbf16> -> vector<16xf32>
        %unpack3A_242 = tpu.unpack_subelements %bitcast3A_240, 1 {pack_format = #tpu.pack_format<interleaved>} : vector<32xbf16> -> vector<16xf32>
        %add3A_243 = arith.constant 1 : i32
        %add3A_244 = arith.addi %add3A_178, %add3A_243 : i32
        %mul3A_245 = arith.constant 64 : i32
        %mul3A_246 = arith.muli %add3A_244, %mul3A_245 : i32
        %add3A_247 = arith.constant 32 : i32
        %add3A_248 = arith.addi %mul3A_246, %add3A_247 : i32
        %swap3A_249 = arith.index_cast %add3A_248 : i32 to index
        %swap3A_250 = tpu.vector_load %arg11[%swap3A_249] {strides = array<i32>} : memref<14336xf32, #tpu.memory_space<vmem>>, vector<16xf32>,
        tpu.vector_store %arg11[%swap3A_249], %unpack3A_241 {add = true, strides = array<i32>} : memref<14336xf32, #tpu.memory_space<vmem>>, vector<16xf32>,
        %add3A_251 = arith.constant 16 : i32
        %add3A_252 = arith.addi %add3A_248, %add3A_251 : i32
        %swap3A_253 = arith.index_cast %add3A_252 : i32 to index
        %swap3A_254 = tpu.vector_load %arg11[%swap3A_253] {strides = array<i32>} : memref<14336xf32, #tpu.memory_space<vmem>>, vector<16xf32>,
        tpu.vector_store %arg11[%swap3A_253], %unpack3A_242 {add = true, strides = array<i32>} : memref<14336xf32, #tpu.memory_space<vmem>>, vector<16xf32>,
        %add3A_255 = arith.constant 2 : i32
        %add3A_256 = arith.addi %add3A_174, %add3A_255 : i32
        %get3A_257 = arith.index_cast %add3A_256 : i32 to index
        %get3A_258 = arith.constant 0 : index
        %get3A_259 = tpu.vector_load %arg10[%get3A_257, %get3A_258] {strides = array<i32>} : memref<448x32xi32, #tpu.memory_space<vmem>>, vector<16xi32>,
        %bitcast3A_260 = vector.bitcast %get3A_259 : vector<16xi32> to vector<32xbf16>
        %unpack3A_261 = tpu.unpack_subelements %bitcast3A_260, 0 {pack_format = #tpu.pack_format<interleaved>} : vector<32xbf16> -> vector<16xf32>
        %unpack3A_262 = tpu.unpack_subelements %bitcast3A_260, 1 {pack_format = #tpu.pack_format<interleaved>} : vector<32xbf16> -> vector<16xf32>
        %add3A_263 = arith.constant 2 : i32
        %add3A_264 = arith.addi %add3A_178, %add3A_263 : i32
        %mul3A_265 = arith.constant 64 : i32
        %mul3A_266 = arith.muli %add3A_264, %mul3A_265 : i32
        %add3A_267 = arith.constant 0 : i32
        %add3A_268 = arith.addi %mul3A_266, %add3A_267 : i32
        %swap3A_269 = arith.index_cast %add3A_268 : i32 to index
        %swap3A_270 = tpu.vector_load %arg11[%swap3A_269] {strides = array<i32>} : memref<14336xf32, #tpu.memory_space<vmem>>, vector<16xf32>,
        tpu.vector_store %arg11[%swap3A_269], %unpack3A_261 {add = true, strides = array<i32>} : memref<14336xf32, #tpu.memory_space<vmem>>, vector<16xf32>,
        %add3A_271 = arith.constant 16 : i32
        %add3A_272 = arith.addi %add3A_268, %add3A_271 : i32
        %swap3A_273 = arith.index_cast %add3A_272 : i32 to index
        %swap3A_274 = tpu.vector_load %arg11[%swap3A_273] {strides = array<i32>} : memref<14336xf32, #tpu.memory_space<vmem>>, vector<16xf32>,
        tpu.vector_store %arg11[%swap3A_273], %unpack3A_262 {add = true, strides = array<i32>} : memref<14336xf32, #tpu.memory_space<vmem>>, vector<16xf32>,
        %add3A_275 = arith.constant 2 : i32
        %add3A_276 = arith.addi %add3A_174, %add3A_275 : i32
        %get3A_277 = arith.index_cast %add3A_276 : i32 to index
        %get3A_278 = arith.constant 16 : index
        %get3A_279 = tpu.vector_load %arg10[%get3A_277, %get3A_278] {strides = array<i32>} : memref<448x32xi32, #tpu.memory_space<vmem>>, vector<16xi32>,
        %bitcast3A_280 = vector.bitcast %get3A_279 : vector<16xi32> to vector<32xbf16>
        %unpack3A_281 = tpu.unpack_subelements %bitcast3A_280, 0 {pack_format = #tpu.pack_format<interleaved>} : vector<32xbf16> -> vector<16xf32>
        %unpack3A_282 = tpu.unpack_subelements %bitcast3A_280, 1 {pack_format = #tpu.pack_format<interleaved>} : vector<32xbf16> -> vector<16xf32>
        %add3A_283 = arith.constant 2 : i32
        %add3A_284 = arith.addi %add3A_178, %add3A_283 : i32
        %mul3A_285 = arith.constant 64 : i32
        %mul3A_286 = arith.muli %add3A_284, %mul3A_285 : i32
        %add3A_287 = arith.constant 32 : i32
        %add3A_288 = arith.addi %mul3A_286, %add3A_287 : i32
        %swap3A_289 = arith.index_cast %add3A_288 : i32 to index
        %swap3A_290 = tpu.vector_load %arg11[%swap3A_289] {strides = array<i32>} : memref<14336xf32, #tpu.memory_space<vmem>>, vector<16xf32>,
        tpu.vector_store %arg11[%swap3A_289], %unpack3A_281 {add = true, strides = array<i32>} : memref<14336xf32, #tpu.memory_space<vmem>>, vector<16xf32>,
        %add3A_291 = arith.constant 16 : i32
        %add3A_292 = arith.addi %add3A_288, %add3A_291 : i32
        %swap3A_293 = arith.index_cast %add3A_292 : i32 to index
        %swap3A_294 = tpu.vector_load %arg11[%swap3A_293] {strides = array<i32>} : memref<14336xf32, #tpu.memory_space<vmem>>, vector<16xf32>,
        tpu.vector_store %arg11[%swap3A_293], %unpack3A_282 {add = true, strides = array<i32>} : memref<14336xf32, #tpu.memory_space<vmem>>, vector<16xf32>,
        %add3A_295 = arith.constant 3 : i32
        %add3A_296 = arith.addi %add3A_174, %add3A_295 : i32
        %get3A_297 = arith.index_cast %add3A_296 : i32 to index
        %get3A_298 = arith.constant 0 : index
        %get3A_299 = tpu.vector_load %arg10[%get3A_297, %get3A_298] {strides = array<i32>} : memref<448x32xi32, #tpu.memory_space<vmem>>, vector<16xi32>,
        %bitcast3A_300 = vector.bitcast %get3A_299 : vector<16xi32> to vector<32xbf16>
        %unpack3A_301 = tpu.unpack_subelements %bitcast3A_300, 0 {pack_format = #tpu.pack_format<interleaved>} : vector<32xbf16> -> vector<16xf32>
        %unpack3A_302 = tpu.unpack_subelements %bitcast3A_300, 1 {pack_format = #tpu.pack_format<interleaved>} : vector<32xbf16> -> vector<16xf32>
        %add3A_303 = arith.constant 3 : i32
        %add3A_304 = arith.addi %add3A_178, %add3A_303 : i32
        %mul3A_305 = arith.constant 64 : i32
        %mul3A_306 = arith.muli %add3A_304, %mul3A_305 : i32
        %add3A_307 = arith.constant 0 : i32
        %add3A_308 = arith.addi %mul3A_306, %add3A_307 : i32
        %swap3A_309 = arith.index_cast %add3A_308 : i32 to index
        %swap3A_310 = tpu.vector_load %arg11[%swap3A_309] {strides = array<i32>} : memref<14336xf32, #tpu.memory_space<vmem>>, vector<16xf32>,
        tpu.vector_store %arg11[%swap3A_309], %unpack3A_301 {add = true, strides = array<i32>} : memref<14336xf32, #tpu.memory_space<vmem>>, vector<16xf32>,
        %add3A_311 = arith.constant 16 : i32
        %add3A_312 = arith.addi %add3A_308, %add3A_311 : i32
        %swap3A_313 = arith.index_cast %add3A_312 : i32 to index
        %swap3A_314 = tpu.vector_load %arg11[%swap3A_313] {strides = array<i32>} : memref<14336xf32, #tpu.memory_space<vmem>>, vector<16xf32>,
        tpu.vector_store %arg11[%swap3A_313], %unpack3A_302 {add = true, strides = array<i32>} : memref<14336xf32, #tpu.memory_space<vmem>>, vector<16xf32>,
        %add3A_315 = arith.constant 3 : i32
        %add3A_316 = arith.addi %add3A_174, %add3A_315 : i32
        %get3A_317 = arith.index_cast %add3A_316 : i32 to index
        %get3A_318 = arith.constant 16 : index
        %get3A_319 = tpu.vector_load %arg10[%get3A_317, %get3A_318] {strides = array<i32>} : memref<448x32xi32, #tpu.memory_space<vmem>>, vector<16xi32>,
        %bitcast3A_320 = vector.bitcast %get3A_319 : vector<16xi32> to vector<32xbf16>
        %unpack3A_321 = tpu.unpack_subelements %bitcast3A_320, 0 {pack_format = #tpu.pack_format<interleaved>} : vector<32xbf16> -> vector<16xf32>
        %unpack3A_322 = tpu.unpack_subelements %bitcast3A_320, 1 {pack_format = #tpu.pack_format<interleaved>} : vector<32xbf16> -> vector<16xf32>
        %add3A_323 = arith.constant 3 : i32
        %add3A_324 = arith.addi %add3A_178, %add3A_323 : i32
        %mul3A_325 = arith.constant 64 : i32
        %mul3A_326 = arith.muli %add3A_324, %mul3A_325 : i32
        %add3A_327 = arith.constant 32 : i32
        %add3A_328 = arith.addi %mul3A_326, %add3A_327 : i32
        %swap3A_329 = arith.index_cast %add3A_328 : i32 to index
        %swap3A_330 = tpu.vector_load %arg11[%swap3A_329] {strides = array<i32>} : memref<14336xf32, #tpu.memory_space<vmem>>, vector<16xf32>,
        tpu.vector_store %arg11[%swap3A_329], %unpack3A_321 {add = true, strides = array<i32>} : memref<14336xf32, #tpu.memory_space<vmem>>, vector<16xf32>,
        %add3A_331 = arith.constant 16 : i32
        %add3A_332 = arith.addi %add3A_328, %add3A_331 : i32
        %swap3A_333 = arith.index_cast %add3A_332 : i32 to index
        %swap3A_334 = tpu.vector_load %arg11[%swap3A_333] {strides = array<i32>} : memref<14336xf32, #tpu.memory_space<vmem>>, vector<16xf32>,
        tpu.vector_store %arg11[%swap3A_333], %unpack3A_322 {add = true, strides = array<i32>} : memref<14336xf32, #tpu.memory_space<vmem>>, vector<16xf32>,
      }
      %scan3A_145 = arith.constant 28 : i32
      %dma_wait3A_146 = arith.constant 3 : i32
      %dma_wait3A_147 = arith.constant 336 : i32
      %dma_wait3A_148 = arith.constant 0 : i32
      %dma_wait3A_149 = tpu.memref_slice %arg10[%dma_wait3A_147, %dma_wait3A_148] : memref<448x32xi32, #tpu.memory_space<vmem>> -> memref<112x32xi32, #tpu.memory_space<vmem>>
      %dma_wait3A_150 = arith.constant 4368 : i32
      %dma_wait3A_151 = tpu.memref_slice %arg9[%dma_wait3A_150] : memref<4480xi32, #tpu.memory_space<vmem>> -> memref<112xi32, #tpu.memory_space<vmem>>
      %dma_wait3A_152 = arith.constant 0 : i32
      %dma_wait3A_153 = arith.constant 0 : i32
      %dma_wait3A_154 = tpu.memref_slice %arg4[%dma_wait3A_152, %dma_wait3A_153] : memref<100000x32xi32, #tpu.memory_space<hbm>> -> memref<100000x32xi32, #tpu.memory_space<hbm>>
      %dma_wait3A_155 = tpu.memref_slice %arg13[%dma_wait3A_146] : memref<4x!tpu.dma_semaphore, #tpu.memory_space<semaphore_mem>> -> memref<1x!tpu.dma_semaphore, #tpu.memory_space<semaphore_mem>>
      %dma_wait3A_156 = tpu.memref_squeeze %dma_wait3A_155 : memref<1x!tpu.dma_semaphore, #tpu.memory_space<semaphore_mem>> -> memref<!tpu.dma_semaphore, #tpu.memory_space<semaphore_mem>>
      tpu.wait_indirect_dma semaphore(%dma_wait3A_156 : memref<!tpu.dma_semaphore, #tpu.memory_space<semaphore_mem>>) src(%dma_wait3A_154 : memref<100000x32xi32, #tpu.memory_space<hbm>>) dst(%dma_wait3A_149 : memref<112x32xi32, #tpu.memory_space<vmem>>)
      %scan3A_157 = arith.constant 0 : i32
      %scan3A_158 = arith.constant 28 : i32
      %scan3A_159 = arith.addi %scan3A_157, %scan3A_158 : i32
      %scan3A_160 = arith.constant 1 : i32
      scf.for %scan3A_170 = %scan3A_157 to %scan3A_159 step %scan3A_160  : i32 {
        %mul3A_171 = arith.constant 4 : i32
        %mul3A_172 = arith.muli %scan3A_170, %mul3A_171 : i32
        %add3A_173 = arith.constant 336 : i32
        %add3A_174 = arith.addi %add3A_173, %mul3A_172 : i32
        %mul3A_175 = arith.constant 4 : i32
        %mul3A_176 = arith.muli %scan3A_170, %mul3A_175 : i32
        %add3A_177 = arith.constant 112 : i32
        %add3A_178 = arith.addi %add3A_177, %mul3A_176 : i32
        %add3A_179 = arith.constant 0 : i32
        %add3A_180 = arith.addi %add3A_174, %add3A_179 : i32
        %get3A = arith.index_cast %add3A_180 : i32 to index
        %get3A_181 = arith.constant 0 : index
        %get3A_182 = tpu.vector_load %arg10[%get3A, %get3A_181] {strides = array<i32>} : memref<448x32xi32, #tpu.memory_space<vmem>>, vector<16xi32>,
        %bitcast3A = vector.bitcast %get3A_182 : vector<16xi32> to vector<32xbf16>
        %unpack3A = tpu.unpack_subelements %bitcast3A, 0 {pack_format = #tpu.pack_format<interleaved>} : vector<32xbf16> -> vector<16xf32>
        %unpack3A_183 = tpu.unpack_subelements %bitcast3A, 1 {pack_format = #tpu.pack_format<interleaved>} : vector<32xbf16> -> vector<16xf32>
        %add3A_184 = arith.constant 0 : i32
        %add3A_185 = arith.addi %add3A_178, %add3A_184 : i32
        %mul3A_186 = arith.constant 64 : i32
        %mul3A_187 = arith.muli %add3A_185, %mul3A_186 : i32
        %add3A_188 = arith.constant 0 : i32
        %add3A_189 = arith.addi %mul3A_187, %add3A_188 : i32
        %swap3A = arith.index_cast %add3A_189 : i32 to index
        %swap3A_190 = tpu.vector_load %arg11[%swap3A] {strides = array<i32>} : memref<14336xf32, #tpu.memory_space<vmem>>, vector<16xf32>,
        tpu.vector_store %arg11[%swap3A], %unpack3A {add = true, strides = array<i32>} : memref<14336xf32, #tpu.memory_space<vmem>>, vector<16xf32>,
        %add3A_191 = arith.constant 16 : i32
        %add3A_192 = arith.addi %add3A_189, %add3A_191 : i32
        %swap3A_193 = arith.index_cast %add3A_192 : i32 to index
        %swap3A_194 = tpu.vector_load %arg11[%swap3A_193] {strides = array<i32>} : memref<14336xf32, #tpu.memory_space<vmem>>, vector<16xf32>,
        tpu.vector_store %arg11[%swap3A_193], %unpack3A_183 {add = true, strides = array<i32>} : memref<14336xf32, #tpu.memory_space<vmem>>, vector<16xf32>,
        %add3A_195 = arith.constant 0 : i32
        %add3A_196 = arith.addi %add3A_174, %add3A_195 : i32
        %get3A_197 = arith.index_cast %add3A_196 : i32 to index
        %get3A_198 = arith.constant 16 : index
        %get3A_199 = tpu.vector_load %arg10[%get3A_197, %get3A_198] {strides = array<i32>} : memref<448x32xi32, #tpu.memory_space<vmem>>, vector<16xi32>,
        %bitcast3A_200 = vector.bitcast %get3A_199 : vector<16xi32> to vector<32xbf16>
        %unpack3A_201 = tpu.unpack_subelements %bitcast3A_200, 0 {pack_format = #tpu.pack_format<interleaved>} : vector<32xbf16> -> vector<16xf32>
        %unpack3A_202 = tpu.unpack_subelements %bitcast3A_200, 1 {pack_format = #tpu.pack_format<interleaved>} : vector<32xbf16> -> vector<16xf32>
        %add3A_203 = arith.constant 0 : i32
        %add3A_204 = arith.addi %add3A_178, %add3A_203 : i32
        %mul3A_205 = arith.constant 64 : i32
        %mul3A_206 = arith.muli %add3A_204, %mul3A_205 : i32
        %add3A_207 = arith.constant 32 : i32
        %add3A_208 = arith.addi %mul3A_206, %add3A_207 : i32
        %swap3A_209 = arith.index_cast %add3A_208 : i32 to index
        %swap3A_210 = tpu.vector_load %arg11[%swap3A_209] {strides = array<i32>} : memref<14336xf32, #tpu.memory_space<vmem>>, vector<16xf32>,
        tpu.vector_store %arg11[%swap3A_209], %unpack3A_201 {add = true, strides = array<i32>} : memref<14336xf32, #tpu.memory_space<vmem>>, vector<16xf32>,
        %add3A_211 = arith.constant 16 : i32
        %add3A_212 = arith.addi %add3A_208, %add3A_211 : i32
        %swap3A_213 = arith.index_cast %add3A_212 : i32 to index
        %swap3A_214 = tpu.vector_load %arg11[%swap3A_213] {strides = array<i32>} : memref<14336xf32, #tpu.memory_space<vmem>>, vector<16xf32>,
        tpu.vector_store %arg11[%swap3A_213], %unpack3A_202 {add = true, strides = array<i32>} : memref<14336xf32, #tpu.memory_space<vmem>>, vector<16xf32>,
        %add3A_215 = arith.constant 1 : i32
        %add3A_216 = arith.addi %add3A_174, %add3A_215 : i32
        %get3A_217 = arith.index_cast %add3A_216 : i32 to index
        %get3A_218 = arith.constant 0 : index
        %get3A_219 = tpu.vector_load %arg10[%get3A_217, %get3A_218] {strides = array<i32>} : memref<448x32xi32, #tpu.memory_space<vmem>>, vector<16xi32>,
        %bitcast3A_220 = vector.bitcast %get3A_219 : vector<16xi32> to vector<32xbf16>
        %unpack3A_221 = tpu.unpack_subelements %bitcast3A_220, 0 {pack_format = #tpu.pack_format<interleaved>} : vector<32xbf16> -> vector<16xf32>
        %unpack3A_222 = tpu.unpack_subelements %bitcast3A_220, 1 {pack_format = #tpu.pack_format<interleaved>} : vector<32xbf16> -> vector<16xf32>
        %add3A_223 = arith.constant 1 : i32
        %add3A_224 = arith.addi %add3A_178, %add3A_223 : i32
        %mul3A_225 = arith.constant 64 : i32
        %mul3A_226 = arith.muli %add3A_224, %mul3A_225 : i32
        %add3A_227 = arith.constant 0 : i32
        %add3A_228 = arith.addi %mul3A_226, %add3A_227 : i32
        %swap3A_229 = arith.index_cast %add3A_228 : i32 to index
        %swap3A_230 = tpu.vector_load %arg11[%swap3A_229] {strides = array<i32>} : memref<14336xf32, #tpu.memory_space<vmem>>, vector<16xf32>,
        tpu.vector_store %arg11[%swap3A_229], %unpack3A_221 {add = true, strides = array<i32>} : memref<14336xf32, #tpu.memory_space<vmem>>, vector<16xf32>,
        %add3A_231 = arith.constant 16 : i32
        %add3A_232 = arith.addi %add3A_228, %add3A_231 : i32
        %swap3A_233 = arith.index_cast %add3A_232 : i32 to index
        %swap3A_234 = tpu.vector_load %arg11[%swap3A_233] {strides = array<i32>} : memref<14336xf32, #tpu.memory_space<vmem>>, vector<16xf32>,
        tpu.vector_store %arg11[%swap3A_233], %unpack3A_222 {add = true, strides = array<i32>} : memref<14336xf32, #tpu.memory_space<vmem>>, vector<16xf32>,
        %add3A_235 = arith.constant 1 : i32
        %add3A_236 = arith.addi %add3A_174, %add3A_235 : i32
        %get3A_237 = arith.index_cast %add3A_236 : i32 to index
        %get3A_238 = arith.constant 16 : index
        %get3A_239 = tpu.vector_load %arg10[%get3A_237, %get3A_238] {strides = array<i32>} : memref<448x32xi32, #tpu.memory_space<vmem>>, vector<16xi32>,
        %bitcast3A_240 = vector.bitcast %get3A_239 : vector<16xi32> to vector<32xbf16>
        %unpack3A_241 = tpu.unpack_subelements %bitcast3A_240, 0 {pack_format = #tpu.pack_format<interleaved>} : vector<32xbf16> -> vector<16xf32>
        %unpack3A_242 = tpu.unpack_subelements %bitcast3A_240, 1 {pack_format = #tpu.pack_format<interleaved>} : vector<32xbf16> -> vector<16xf32>
        %add3A_243 = arith.constant 1 : i32
        %add3A_244 = arith.addi %add3A_178, %add3A_243 : i32
        %mul3A_245 = arith.constant 64 : i32
        %mul3A_246 = arith.muli %add3A_244, %mul3A_245 : i32
        %add3A_247 = arith.constant 32 : i32
        %add3A_248 = arith.addi %mul3A_246, %add3A_247 : i32
        %swap3A_249 = arith.index_cast %add3A_248 : i32 to index
        %swap3A_250 = tpu.vector_load %arg11[%swap3A_249] {strides = array<i32>} : memref<14336xf32, #tpu.memory_space<vmem>>, vector<16xf32>,
        tpu.vector_store %arg11[%swap3A_249], %unpack3A_241 {add = true, strides = array<i32>} : memref<14336xf32, #tpu.memory_space<vmem>>, vector<16xf32>,
        %add3A_251 = arith.constant 16 : i32
        %add3A_252 = arith.addi %add3A_248, %add3A_251 : i32
        %swap3A_253 = arith.index_cast %add3A_252 : i32 to index
        %swap3A_254 = tpu.vector_load %arg11[%swap3A_253] {strides = array<i32>} : memref<14336xf32, #tpu.memory_space<vmem>>, vector<16xf32>,
        tpu.vector_store %arg11[%swap3A_253], %unpack3A_242 {add = true, strides = array<i32>} : memref<14336xf32, #tpu.memory_space<vmem>>, vector<16xf32>,
        %add3A_255 = arith.constant 2 : i32
        %add3A_256 = arith.addi %add3A_174, %add3A_255 : i32
        %get3A_257 = arith.index_cast %add3A_256 : i32 to index
        %get3A_258 = arith.constant 0 : index
        %get3A_259 = tpu.vector_load %arg10[%get3A_257, %get3A_258] {strides = array<i32>} : memref<448x32xi32, #tpu.memory_space<vmem>>, vector<16xi32>,
        %bitcast3A_260 = vector.bitcast %get3A_259 : vector<16xi32> to vector<32xbf16>
        %unpack3A_261 = tpu.unpack_subelements %bitcast3A_260, 0 {pack_format = #tpu.pack_format<interleaved>} : vector<32xbf16> -> vector<16xf32>
        %unpack3A_262 = tpu.unpack_subelements %bitcast3A_260, 1 {pack_format = #tpu.pack_format<interleaved>} : vector<32xbf16> -> vector<16xf32>
        %add3A_263 = arith.constant 2 : i32
        %add3A_264 = arith.addi %add3A_178, %add3A_263 : i32
        %mul3A_265 = arith.constant 64 : i32
        %mul3A_266 = arith.muli %add3A_264, %mul3A_265 : i32
        %add3A_267 = arith.constant 0 : i32
        %add3A_268 = arith.addi %mul3A_266, %add3A_267 : i32
        %swap3A_269 = arith.index_cast %add3A_268 : i32 to index
        %swap3A_270 = tpu.vector_load %arg11[%swap3A_269] {strides = array<i32>} : memref<14336xf32, #tpu.memory_space<vmem>>, vector<16xf32>,
        tpu.vector_store %arg11[%swap3A_269], %unpack3A_261 {add = true, strides = array<i32>} : memref<14336xf32, #tpu.memory_space<vmem>>, vector<16xf32>,
        %add3A_271 = arith.constant 16 : i32
        %add3A_272 = arith.addi %add3A_268, %add3A_271 : i32
        %swap3A_273 = arith.index_cast %add3A_272 : i32 to index
        %swap3A_274 = tpu.vector_load %arg11[%swap3A_273] {strides = array<i32>} : memref<14336xf32, #tpu.memory_space<vmem>>, vector<16xf32>,
        tpu.vector_store %arg11[%swap3A_273], %unpack3A_262 {add = true, strides = array<i32>} : memref<14336xf32, #tpu.memory_space<vmem>>, vector<16xf32>,
        %add3A_275 = arith.constant 2 : i32
        %add3A_276 = arith.addi %add3A_174, %add3A_275 : i32
        %get3A_277 = arith.index_cast %add3A_276 : i32 to index
        %get3A_278 = arith.constant 16 : index
        %get3A_279 = tpu.vector_load %arg10[%get3A_277, %get3A_278] {strides = array<i32>} : memref<448x32xi32, #tpu.memory_space<vmem>>, vector<16xi32>,
        %bitcast3A_280 = vector.bitcast %get3A_279 : vector<16xi32> to vector<32xbf16>
        %unpack3A_281 = tpu.unpack_subelements %bitcast3A_280, 0 {pack_format = #tpu.pack_format<interleaved>} : vector<32xbf16> -> vector<16xf32>
        %unpack3A_282 = tpu.unpack_subelements %bitcast3A_280, 1 {pack_format = #tpu.pack_format<interleaved>} : vector<32xbf16> -> vector<16xf32>
        %add3A_283 = arith.constant 2 : i32
        %add3A_284 = arith.addi %add3A_178, %add3A_283 : i32
        %mul3A_285 = arith.constant 64 : i32
        %mul3A_286 = arith.muli %add3A_284, %mul3A_285 : i32
        %add3A_287 = arith.constant 32 : i32
        %add3A_288 = arith.addi %mul3A_286, %add3A_287 : i32
        %swap3A_289 = arith.index_cast %add3A_288 : i32 to index
        %swap3A_290 = tpu.vector_load %arg11[%swap3A_289] {strides = array<i32>} : memref<14336xf32, #tpu.memory_space<vmem>>, vector<16xf32>,
        tpu.vector_store %arg11[%swap3A_289], %unpack3A_281 {add = true, strides = array<i32>} : memref<14336xf32, #tpu.memory_space<vmem>>, vector<16xf32>,
        %add3A_291 = arith.constant 16 : i32
        %add3A_292 = arith.addi %add3A_288, %add3A_291 : i32
        %swap3A_293 = arith.index_cast %add3A_292 : i32 to index
        %swap3A_294 = tpu.vector_load %arg11[%swap3A_293] {strides = array<i32>} : memref<14336xf32, #tpu.memory_space<vmem>>, vector<16xf32>,
        tpu.vector_store %arg11[%swap3A_293], %unpack3A_282 {add = true, strides = array<i32>} : memref<14336xf32, #tpu.memory_space<vmem>>, vector<16xf32>,
        %add3A_295 = arith.constant 3 : i32
        %add3A_296 = arith.addi %add3A_174, %add3A_295 : i32
        %get3A_297 = arith.index_cast %add3A_296 : i32 to index
        %get3A_298 = arith.constant 0 : index
        %get3A_299 = tpu.vector_load %arg10[%get3A_297, %get3A_298] {strides = array<i32>} : memref<448x32xi32, #tpu.memory_space<vmem>>, vector<16xi32>,
        %bitcast3A_300 = vector.bitcast %get3A_299 : vector<16xi32> to vector<32xbf16>
        %unpack3A_301 = tpu.unpack_subelements %bitcast3A_300, 0 {pack_format = #tpu.pack_format<interleaved>} : vector<32xbf16> -> vector<16xf32>
        %unpack3A_302 = tpu.unpack_subelements %bitcast3A_300, 1 {pack_format = #tpu.pack_format<interleaved>} : vector<32xbf16> -> vector<16xf32>
        %add3A_303 = arith.constant 3 : i32
        %add3A_304 = arith.addi %add3A_178, %add3A_303 : i32
        %mul3A_305 = arith.constant 64 : i32
        %mul3A_306 = arith.muli %add3A_304, %mul3A_305 : i32
        %add3A_307 = arith.constant 0 : i32
        %add3A_308 = arith.addi %mul3A_306, %add3A_307 : i32
        %swap3A_309 = arith.index_cast %add3A_308 : i32 to index
        %swap3A_310 = tpu.vector_load %arg11[%swap3A_309] {strides = array<i32>} : memref<14336xf32, #tpu.memory_space<vmem>>, vector<16xf32>,
        tpu.vector_store %arg11[%swap3A_309], %unpack3A_301 {add = true, strides = array<i32>} : memref<14336xf32, #tpu.memory_space<vmem>>, vector<16xf32>,
        %add3A_311 = arith.constant 16 : i32
        %add3A_312 = arith.addi %add3A_308, %add3A_311 : i32
        %swap3A_313 = arith.index_cast %add3A_312 : i32 to index
        %swap3A_314 = tpu.vector_load %arg11[%swap3A_313] {strides = array<i32>} : memref<14336xf32, #tpu.memory_space<vmem>>, vector<16xf32>,
        tpu.vector_store %arg11[%swap3A_313], %unpack3A_302 {add = true, strides = array<i32>} : memref<14336xf32, #tpu.memory_space<vmem>>, vector<16xf32>,
        %add3A_315 = arith.constant 3 : i32
        %add3A_316 = arith.addi %add3A_174, %add3A_315 : i32
        %get3A_317 = arith.index_cast %add3A_316 : i32 to index
        %get3A_318 = arith.constant 16 : index
        %get3A_319 = tpu.vector_load %arg10[%get3A_317, %get3A_318] {strides = array<i32>} : memref<448x32xi32, #tpu.memory_space<vmem>>, vector<16xi32>,
        %bitcast3A_320 = vector.bitcast %get3A_319 : vector<16xi32> to vector<32xbf16>
        %unpack3A_321 = tpu.unpack_subelements %bitcast3A_320, 0 {pack_format = #tpu.pack_format<interleaved>} : vector<32xbf16> -> vector<16xf32>
        %unpack3A_322 = tpu.unpack_subelements %bitcast3A_320, 1 {pack_format = #tpu.pack_format<interleaved>} : vector<32xbf16> -> vector<16xf32>
        %add3A_323 = arith.constant 3 : i32
        %add3A_324 = arith.addi %add3A_178, %add3A_323 : i32
        %mul3A_325 = arith.constant 64 : i32
        %mul3A_326 = arith.muli %add3A_324, %mul3A_325 : i32
        %add3A_327 = arith.constant 32 : i32
        %add3A_328 = arith.addi %mul3A_326, %add3A_327 : i32
        %swap3A_329 = arith.index_cast %add3A_328 : i32 to index
        %swap3A_330 = tpu.vector_load %arg11[%swap3A_329] {strides = array<i32>} : memref<14336xf32, #tpu.memory_space<vmem>>, vector<16xf32>,
        tpu.vector_store %arg11[%swap3A_329], %unpack3A_321 {add = true, strides = array<i32>} : memref<14336xf32, #tpu.memory_space<vmem>>, vector<16xf32>,
        %add3A_331 = arith.constant 16 : i32
        %add3A_332 = arith.addi %add3A_328, %add3A_331 : i32
        %swap3A_333 = arith.index_cast %add3A_332 : i32 to index
        %swap3A_334 = tpu.vector_load %arg11[%swap3A_333] {strides = array<i32>} : memref<14336xf32, #tpu.memory_space<vmem>>, vector<16xf32>,
        tpu.vector_store %arg11[%swap3A_333], %unpack3A_322 {add = true, strides = array<i32>} : memref<14336xf32, #tpu.memory_space<vmem>>, vector<16xf32>,
      }
      %scan3A_161 = arith.constant 28 : i32
      %mul3A_162 = arith.constant 64 : i32
      %mul3A_163 = arith.muli %add3A_17, %mul3A_162 : i32
      %dma_start3A_164 = tpu.memref_slice %arg5[%mul3A_163] : memref<4587520xf32, #tpu.memory_space<hbm>> -> memref<14336xf32, #tpu.memory_space<hbm>>
      %dma_start3A_165 = tpu.memref_slice %arg5[%mul3A_163] : memref<4587520xf32, #tpu.memory_space<hbm>> -> memref<14336xf32, #tpu.memory_space<hbm>>
      tpu.enqueue_dma source(%arg11 : memref<14336xf32, #tpu.memory_space<vmem>>) target(%dma_start3A_165 : memref<14336xf32, #tpu.memory_space<hbm>>) target_semaphore(%arg14 : memref<!tpu.dma_semaphore, #tpu.memory_space<semaphore_mem>>)
      %mul3A_166 = arith.constant 256 : i32
      %mul3A_167 = arith.muli %select_n3A, %mul3A_166 : i32
      %dma_start3A_168 = tpu.memref_slice %arg6[%mul3A_167] : memref<81920xf32, #tpu.memory_space<hbm>> -> memref<256xf32, #tpu.memory_space<hbm>>
      %dma_start3A_169 = tpu.memref_slice %arg6[%mul3A_167] : memref<81920xf32, #tpu.memory_space<hbm>> -> memref<256xf32, #tpu.memory_space<hbm>>
      tpu.enqueue_dma source(%arg12 : memref<256xf32, #tpu.memory_space<vmem>>) target(%dma_start3A_169 : memref<256xf32, #tpu.memory_space<hbm>>) target_semaphore(%arg14 : memref<!tpu.dma_semaphore, #tpu.memory_space<semaphore_mem>>)
    }
    %scan3A_6 = arith.constant 10 : i32
    %dma_wait3A = arith.constant 0 : i32
    %dma_wait3A_7 = tpu.memref_slice %arg5[%dma_wait3A] : memref<4587520xf32, #tpu.memory_space<hbm>> -> memref<14336xf32, #tpu.memory_space<hbm>>
    %dma_wait3A_8 = arith.constant 0 : i32
    %dma_wait3A_9 = tpu.memref_slice %arg5[%dma_wait3A_8] : memref<4587520xf32, #tpu.memory_space<hbm>> -> memref<14336xf32, #tpu.memory_space<hbm>>
    tpu.wait_dma2 semaphore(%arg14 : memref<!tpu.dma_semaphore, #tpu.memory_space<semaphore_mem>>) src(%arg11 : memref<14336xf32, #tpu.memory_space<vmem>>) dst(%dma_wait3A_9 : memref<14336xf32, #tpu.memory_space<hbm>>)
    %dma_wait3A_10 = arith.constant 0 : i32
    %dma_wait3A_11 = tpu.memref_slice %arg6[%dma_wait3A_10] : memref<81920xf32, #tpu.memory_space<hbm>> -> memref<256xf32, #tpu.memory_space<hbm>>
    %dma_wait3A_12 = arith.constant 0 : i32
    %dma_wait3A_13 = tpu.memref_slice %arg6[%dma_wait3A_12] : memref<81920xf32, #tpu.memory_space<hbm>> -> memref<256xf32, #tpu.memory_space<hbm>>
    tpu.wait_dma2 semaphore(%arg14 : memref<!tpu.dma_semaphore, #tpu.memory_space<semaphore_mem>>) src(%arg12 : memref<256xf32, #tpu.memory_space<vmem>>) dst(%dma_wait3A_13 : memref<256xf32, #tpu.memory_space<hbm>>)
    return
  }
}

module attributes {stable_mosaic.version = 14 : i64} {
  func.func @body(%arg0: i32, %arg1: memref<256x64xf32, #tpu.memory_space<vmem>>, %arg2: memref<256x1xf32, #tpu.memory_space<vmem>>, %arg3: memref<256x1xf32, #tpu.memory_space<vmem>>, %arg4: memref<256x64xf32, #tpu.memory_space<vmem>>, %arg5: memref<256x1xf32, #tpu.memory_space<vmem>>, %arg6: memref<256x1xf32, #tpu.memory_space<vmem>>, %arg7: memref<1280x64xf32, #tpu.memory_space<vmem>>, %arg8: memref<1280x1xf32, #tpu.memory_space<vmem>>, %arg9: memref<1280x1xf32, #tpu.memory_space<vmem>>, %arg10: memref<1x64xf32, #tpu.memory_space<vmem>>, %arg11: memref<256x1xf32, #tpu.memory_space<vmem>>, %arg12: memref<256x64xf32, #tpu.memory_space<vmem>>, %arg13: memref<256x64xf32, #tpu.memory_space<vmem>>, %arg14: memref<256x64xf32, #tpu.memory_space<vmem>>) attributes {dimension_semantics = [#tpu.dimension_semantics<arbitrary>], iteration_bounds = array<i64: 40>, scalar_prefetch = 0 : i64, scratch_operands = 0 : i64, tpu.core_type = #tpu.core_type<tc>, window_params = [{transform_indices = @transform_0, window_bounds = array<i64: 256, 64>}, {transform_indices = @transform_1, window_bounds = array<i64: 256, 1>}, {transform_indices = @transform_2, window_bounds = array<i64: 256, 1>}, {transform_indices = @transform_3, window_bounds = array<i64: 256, 64>}, {transform_indices = @transform_4, window_bounds = array<i64: 256, 1>}, {transform_indices = @transform_5, window_bounds = array<i64: 256, 1>}, {transform_indices = @transform_6, window_bounds = array<i64: 1280, 64>}, {transform_indices = @transform_7, window_bounds = array<i64: 1280, 1>}, {transform_indices = @transform_8, window_bounds = array<i64: 1280, 1>}, {pipeline_mode = #tpu.pipeline_mode<synchronous>, transform_indices = @transform_9, window_bounds = array<i64: 1, 64>}, {transform_indices = @transform_10, window_bounds = array<i64: 256, 1>}, {transform_indices = @transform_11, window_bounds = array<i64: 256, 64>}, {transform_indices = @transform_12, window_bounds = array<i64: 256, 64>}, {transform_indices = @transform_13, window_bounds = array<i64: 256, 64>}]} {
    %get3A = arith.constant 0 : index
    %get3A_0 = arith.constant 0 : index
    %get3A_1 = vector.load %arg10[%get3A, %get3A_0] : memref<1x64xf32, #tpu.memory_space<vmem>>, vector<1x64xf32>
    %get3A_2 = arith.constant 0 : index
    %get3A_3 = arith.constant 0 : index
    %get3A_4 = vector.load %arg1[%get3A_2, %get3A_3] : memref<256x64xf32, #tpu.memory_space<vmem>>, vector<256x64xf32>
    %get3A_5 = arith.constant 0 : index
    %get3A_6 = arith.constant 0 : index
    %get3A_7 = vector.load %arg2[%get3A_5, %get3A_6] : memref<256x1xf32, #tpu.memory_space<vmem>>, vector<256x1xf32>
    %get3A_8 = arith.constant 0 : index
    %get3A_9 = arith.constant 0 : index
    %get3A_10 = vector.load %arg3[%get3A_8, %get3A_9] : memref<256x1xf32, #tpu.memory_space<vmem>>, vector<256x1xf32>
    %sub3A = arith.constant 2.000000e+01 : f32
    %sub3A_11 = vector.broadcast %sub3A : f32 to vector<256x1xf32>
    %sub3A_12 = arith.subf %sub3A_11, %get3A_7 : vector<256x1xf32>
    %mul3A = vector.broadcast %sub3A_12 : vector<256x1xf32> to vector<256x64xf32>
    %mul3A_13 = vector.broadcast %get3A_1 : vector<1x64xf32> to vector<256x64xf32>
    %mul3A_14 = arith.mulf %mul3A, %mul3A_13 : vector<256x64xf32>
    %gt3A = arith.constant 0.000000e+00 : f32
    %gt3A_15 = vector.broadcast %gt3A : f32 to vector<256x1xf32>
    %gt3A_16 = arith.cmpf ogt, %get3A_10, %gt3A_15 : vector<256x1xf32>
    %sub3A_17 = arith.subf %get3A_4, %mul3A_14 : vector<256x64xf32>
    %div3A = vector.broadcast %get3A_10 : vector<256x1xf32> to vector<256x64xf32>
    %div3A_18 = arith.divf %sub3A_17, %div3A : vector<256x64xf32>
    %jit3A = arith.constant 0.000000e+00 : f32
    %broadcast_in_dim3A = vector.shape_cast %gt3A_16 : vector<256x1xi1> to vector<256x1xi1>
    %broadcast_in_dim3A_19 = vector.broadcast %broadcast_in_dim3A : vector<256x1xi1> to vector<256x64xi1>
    %broadcast_in_dim3A_20 = vector.broadcast %jit3A : f32 to vector<256x64xf32>
    %select_n3A = arith.select %broadcast_in_dim3A_19, %div3A_18, %broadcast_in_dim3A_20 : vector<256x64xi1>, vector<256x64xf32>
    %swap3A = arith.constant 0 : index
    %swap3A_21 = arith.constant 0 : index
    %swap3A_22 = vector.load %arg12[%swap3A, %swap3A_21] : memref<256x64xf32, #tpu.memory_space<vmem>>, vector<256x64xf32>
    tpu.vector_store %arg12[%swap3A, %swap3A_21], %select_n3A {strides = array<i32>} : memref<256x64xf32, #tpu.memory_space<vmem>>, vector<256x64xf32>,
    %get3A_23 = arith.constant 0 : index
    %get3A_24 = arith.constant 0 : index
    %get3A_25 = vector.load %arg4[%get3A_23, %get3A_24] : memref<256x64xf32, #tpu.memory_space<vmem>>, vector<256x64xf32>
    %get3A_26 = arith.constant 0 : index
    %get3A_27 = arith.constant 0 : index
    %get3A_28 = vector.load %arg5[%get3A_26, %get3A_27] : memref<256x1xf32, #tpu.memory_space<vmem>>, vector<256x1xf32>
    %get3A_29 = arith.constant 0 : index
    %get3A_30 = arith.constant 0 : index
    %get3A_31 = vector.load %arg6[%get3A_29, %get3A_30] : memref<256x1xf32, #tpu.memory_space<vmem>>, vector<256x1xf32>
    %sub3A_32 = arith.constant 2.000000e+01 : f32
    %sub3A_33 = vector.broadcast %sub3A_32 : f32 to vector<256x1xf32>
    %sub3A_34 = arith.subf %sub3A_33, %get3A_28 : vector<256x1xf32>
    %mul3A_35 = vector.broadcast %sub3A_34 : vector<256x1xf32> to vector<256x64xf32>
    %mul3A_36 = vector.broadcast %get3A_1 : vector<1x64xf32> to vector<256x64xf32>
    %mul3A_37 = arith.mulf %mul3A_35, %mul3A_36 : vector<256x64xf32>
    %gt3A_38 = arith.constant 0.000000e+00 : f32
    %gt3A_39 = vector.broadcast %gt3A_38 : f32 to vector<256x1xf32>
    %gt3A_40 = arith.cmpf ogt, %get3A_31, %gt3A_39 : vector<256x1xf32>
    %sub3A_41 = arith.subf %get3A_25, %mul3A_37 : vector<256x64xf32>
    %div3A_42 = vector.broadcast %get3A_31 : vector<256x1xf32> to vector<256x64xf32>
    %div3A_43 = arith.divf %sub3A_41, %div3A_42 : vector<256x64xf32>
    %jit3A_44 = arith.constant 0.000000e+00 : f32
    %broadcast_in_dim3A_45 = vector.shape_cast %gt3A_40 : vector<256x1xi1> to vector<256x1xi1>
    %broadcast_in_dim3A_46 = vector.broadcast %broadcast_in_dim3A_45 : vector<256x1xi1> to vector<256x64xi1>
    %broadcast_in_dim3A_47 = vector.broadcast %jit3A_44 : f32 to vector<256x64xf32>
    %select_n3A_48 = arith.select %broadcast_in_dim3A_46, %div3A_43, %broadcast_in_dim3A_47 : vector<256x64xi1>, vector<256x64xf32>
    %swap3A_49 = arith.constant 0 : index
    %swap3A_50 = arith.constant 0 : index
    %swap3A_51 = vector.load %arg13[%swap3A_49, %swap3A_50] : memref<256x64xf32, #tpu.memory_space<vmem>>, vector<256x64xf32>
    tpu.vector_store %arg13[%swap3A_49, %swap3A_50], %select_n3A_48 {strides = array<i32>} : memref<256x64xf32, #tpu.memory_space<vmem>>, vector<256x64xf32>,
    %get3A_52 = arith.constant 0 : index
    %get3A_53 = arith.constant 0 : index
    %get3A_54 = vector.load %arg7[%get3A_52, %get3A_53] : memref<1280x64xf32, #tpu.memory_space<vmem>>, vector<1280x64xf32>
    %get3A_55 = arith.constant 0 : index
    %get3A_56 = arith.constant 0 : index
    %get3A_57 = vector.load %arg8[%get3A_55, %get3A_56] : memref<1280x1xf32, #tpu.memory_space<vmem>>, vector<1280x1xf32>
    %get3A_58 = arith.constant 0 : index
    %get3A_59 = arith.constant 0 : index
    %get3A_60 = vector.load %arg9[%get3A_58, %get3A_59] : memref<1280x1xf32, #tpu.memory_space<vmem>>, vector<1280x1xf32>
    %sub3A_61 = arith.constant 2.000000e+01 : f32
    %sub3A_62 = vector.broadcast %sub3A_61 : f32 to vector<1280x1xf32>
    %sub3A_63 = arith.subf %sub3A_62, %get3A_57 : vector<1280x1xf32>
    %mul3A_64 = vector.broadcast %sub3A_63 : vector<1280x1xf32> to vector<1280x64xf32>
    %mul3A_65 = vector.broadcast %get3A_1 : vector<1x64xf32> to vector<1280x64xf32>
    %mul3A_66 = arith.mulf %mul3A_64, %mul3A_65 : vector<1280x64xf32>
    %gt3A_67 = arith.constant 0.000000e+00 : f32
    %gt3A_68 = vector.broadcast %gt3A_67 : f32 to vector<1280x1xf32>
    %gt3A_69 = arith.cmpf ogt, %get3A_60, %gt3A_68 : vector<1280x1xf32>
    %sub3A_70 = arith.subf %get3A_54, %mul3A_66 : vector<1280x64xf32>
    %div3A_71 = vector.broadcast %get3A_60 : vector<1280x1xf32> to vector<1280x64xf32>
    %div3A_72 = arith.divf %sub3A_70, %div3A_71 : vector<1280x64xf32>
    %jit3A_73 = arith.constant 0.000000e+00 : f32
    %broadcast_in_dim3A_74 = vector.shape_cast %gt3A_69 : vector<1280x1xi1> to vector<1280x1xi1>
    %broadcast_in_dim3A_75 = vector.broadcast %broadcast_in_dim3A_74 : vector<1280x1xi1> to vector<1280x64xi1>
    %broadcast_in_dim3A_76 = vector.broadcast %jit3A_73 : f32 to vector<1280x64xf32>
    %select_n3A_77 = arith.select %broadcast_in_dim3A_75, %div3A_72, %broadcast_in_dim3A_76 : vector<1280x64xi1>, vector<1280x64xf32>
    %reshape3A = vector.shape_cast %select_n3A_77 : vector<1280x64xf32> to vector<256x5x64xf32>
    %get3A_78 = arith.constant 0 : index
    %get3A_79 = arith.constant 0 : index
    %get3A_80 = vector.load %arg11[%get3A_78, %get3A_79] : memref<256x1xf32, #tpu.memory_space<vmem>>, vector<256x1xf32>
    %iota3A = tpu.iota {dimensions = array<i32: 1>} : vector<256x5x1xi32>
    %convert_element_type3A = arith.sitofp %iota3A : vector<256x5x1xi32> to vector<256x5x1xf32>
    %broadcast_in_dim3A_81 = vector.shape_cast %get3A_80 : vector<256x1xf32> to vector<256x1x1xf32>
    %lt3A = vector.broadcast %broadcast_in_dim3A_81 : vector<256x1x1xf32> to vector<256x5x1xf32>
    %lt3A_82 = arith.cmpf olt, %convert_element_type3A, %lt3A : vector<256x5x1xf32>
    %jit3A_83 = arith.constant 0.000000e+00 : f32
    %broadcast_in_dim3A_84 = vector.shape_cast %lt3A_82 : vector<256x5x1xi1> to vector<256x5x1xi1>
    %broadcast_in_dim3A_85 = vector.broadcast %broadcast_in_dim3A_84 : vector<256x5x1xi1> to vector<256x5x64xi1>
    %broadcast_in_dim3A_86 = vector.broadcast %jit3A_83 : f32 to vector<256x5x64xf32>
    %select_n3A_87 = arith.select %broadcast_in_dim3A_85, %reshape3A, %broadcast_in_dim3A_86 : vector<256x5x64xi1>, vector<256x5x64xf32>
    %reduce_sum3A = arith.constant dense<0.000000e+00> : vector<256x64xf32>
    %reduce_sum3A_88 = vector.multi_reduction <add>, %select_n3A_87, %reduce_sum3A [1] : vector<256x5x64xf32> to vector<256x64xf32>
    %gt3A_89 = arith.constant 0.000000e+00 : f32
    %gt3A_90 = vector.broadcast %gt3A_89 : f32 to vector<256x1xf32>
    %gt3A_91 = arith.cmpf ogt, %get3A_80, %gt3A_90 : vector<256x1xf32>
    %div3A_92 = vector.broadcast %get3A_80 : vector<256x1xf32> to vector<256x64xf32>
    %div3A_93 = arith.divf %reduce_sum3A_88, %div3A_92 : vector<256x64xf32>
    %jit3A_94 = arith.constant 0.000000e+00 : f32
    %broadcast_in_dim3A_95 = vector.shape_cast %gt3A_91 : vector<256x1xi1> to vector<256x1xi1>
    %broadcast_in_dim3A_96 = vector.broadcast %broadcast_in_dim3A_95 : vector<256x1xi1> to vector<256x64xi1>
    %broadcast_in_dim3A_97 = vector.broadcast %jit3A_94 : f32 to vector<256x64xf32>
    %select_n3A_98 = arith.select %broadcast_in_dim3A_96, %div3A_93, %broadcast_in_dim3A_97 : vector<256x64xi1>, vector<256x64xf32>
    %swap3A_99 = arith.constant 0 : index
    %swap3A_100 = arith.constant 0 : index
    %swap3A_101 = vector.load %arg14[%swap3A_99, %swap3A_100] : memref<256x64xf32, #tpu.memory_space<vmem>>, vector<256x64xf32>
    tpu.vector_store %arg14[%swap3A_99, %swap3A_100], %select_n3A_98 {strides = array<i32>} : memref<256x64xf32, #tpu.memory_space<vmem>>, vector<256x64xf32>,
    return
  }
  func.func @transform_0(%arg0: i32) -> (i32, i32) {
    %c0_i32 = arith.constant 0 : i32
    %c0_i32_0 = arith.constant 0 : i32
    return %arg0, %c0_i32 : i32, i32
  }
  func.func @transform_1(%arg0: i32) -> (i32, i32) {
    %c0_i32 = arith.constant 0 : i32
    %c0_i32_0 = arith.constant 0 : i32
    return %arg0, %c0_i32 : i32, i32
  }
  func.func @transform_2(%arg0: i32) -> (i32, i32) {
    %c0_i32 = arith.constant 0 : i32
    %c0_i32_0 = arith.constant 0 : i32
    return %arg0, %c0_i32 : i32, i32
  }
  func.func @transform_3(%arg0: i32) -> (i32, i32) {
    %add3A = arith.constant 40 : i32
    %add3A_0 = arith.addi %arg0, %add3A : i32
    %c0_i32 = arith.constant 0 : i32
    %c0_i32_1 = arith.constant 0 : i32
    return %add3A_0, %c0_i32 : i32, i32
  }
  func.func @transform_4(%arg0: i32) -> (i32, i32) {
    %add3A = arith.constant 40 : i32
    %add3A_0 = arith.addi %arg0, %add3A : i32
    %c0_i32 = arith.constant 0 : i32
    %c0_i32_1 = arith.constant 0 : i32
    return %add3A_0, %c0_i32 : i32, i32
  }
  func.func @transform_5(%arg0: i32) -> (i32, i32) {
    %add3A = arith.constant 40 : i32
    %add3A_0 = arith.addi %arg0, %add3A : i32
    %c0_i32 = arith.constant 0 : i32
    %c0_i32_1 = arith.constant 0 : i32
    return %add3A_0, %c0_i32 : i32, i32
  }
  func.func @transform_6(%arg0: i32) -> (i32, i32) {
    %add3A = arith.constant 16 : i32
    %add3A_0 = arith.addi %arg0, %add3A : i32
    %c0_i32 = arith.constant 0 : i32
    %c0_i32_1 = arith.constant 0 : i32
    return %add3A_0, %c0_i32 : i32, i32
  }
  func.func @transform_7(%arg0: i32) -> (i32, i32) {
    %add3A = arith.constant 16 : i32
    %add3A_0 = arith.addi %arg0, %add3A : i32
    %c0_i32 = arith.constant 0 : i32
    %c0_i32_1 = arith.constant 0 : i32
    return %add3A_0, %c0_i32 : i32, i32
  }
  func.func @transform_8(%arg0: i32) -> (i32, i32) {
    %add3A = arith.constant 16 : i32
    %add3A_0 = arith.addi %arg0, %add3A : i32
    %c0_i32 = arith.constant 0 : i32
    %c0_i32_1 = arith.constant 0 : i32
    return %add3A_0, %c0_i32 : i32, i32
  }
  func.func @transform_9(%arg0: i32) -> (i32, i32) {
    %c0_i32 = arith.constant 0 : i32
    %c0_i32_0 = arith.constant 0 : i32
    %c0_i32_1 = arith.constant 0 : i32
    return %c0_i32, %c0_i32_0 : i32, i32
  }
  func.func @transform_10(%arg0: i32) -> (i32, i32) {
    %c0_i32 = arith.constant 0 : i32
    %c0_i32_0 = arith.constant 0 : i32
    return %arg0, %c0_i32 : i32, i32
  }
  func.func @transform_11(%arg0: i32) -> (i32, i32) {
    %c0_i32 = arith.constant 0 : i32
    %c0_i32_0 = arith.constant 0 : i32
    return %arg0, %c0_i32 : i32, i32
  }
  func.func @transform_12(%arg0: i32) -> (i32, i32) {
    %c0_i32 = arith.constant 0 : i32
    %c0_i32_0 = arith.constant 0 : i32
    return %arg0, %c0_i32 : i32, i32
  }
  func.func @transform_13(%arg0: i32) -> (i32, i32) {
    %c0_i32 = arith.constant 0 : i32
    %c0_i32_0 = arith.constant 0 : i32
    return %arg0, %c0_i32 : i32, i32
  }
}

</mosaic_0001>

<sc_bundles>
// kernel: kernel.4.cloned.1.call-start
scs
__scs_entry_jumppad:
0x0: {  	(pc) =	sbr.rel $0x88, $3  }
0x1: {  	(tag) =	ssettag $0x0;
	lr =	simm.s32 $0x1  }
0x2: {  	[smem:$0x3F99] =	sst lr;
	_ =	strace $0xD0000000  }
0x3: {  	_ = 	snop  }
0x4: {  	_ = 	snop  }
0x5: {  	_ = 	snop  }
0x6: {  	_ = 	snop  }
0x7: {  	_ = 	snop  }
__scs_overlays_trampoline_lowered:
0x8: {  	[smem:$0x3FA8] =	sst s0  }
0x9: {  	[smem:$0x3FA9] =	sst s1  }
0xa: {  	[smem:$0x3FAA] =	sst s2  }
0xb: {  	[smem:$0x3FAB] =	sst s3  }
0xc: {  	[smem:$0x3FAC] =	sst s4  }
0xd: {  	[smem:$0x3FAD] =	sst s5  }
0xe: {  	[smem:$0x3FAE] =	sst s6  }
0xf: {  	[smem:$0x3FAF] =	sst s7  }
0x10: {  	[smem:$0x3FB0] =	sst s8  }
0x11: {  	[smem:$0x3FB1] =	sst s9;
	s0 =	simm.s32 @!p0 $0x0  }
0x12: {  	s1 =	sld [smem:$0x3F97];
	s0 =	simm.s32 @p0 $0x1  }
0x13: {  	[smem:$0x3FB2] =	sst s0;
	s0 =	simm.s32 @!p1 $0x0  }
0x14: {  	s2 =	sld [smem:$0x3F96];
	s0 =	simm.s32 @p1 $0x1  }
0x15: {  	[smem:$0x3FB3] =	sst s0;
	s0 =	simm.s32 @!p2 $0x0  }
0x16: {  	s3 =	sld [smem:$0x3FDB];
	s0 =	simm.s32 @p2 $0x1  }
0x17: {  	s4 =	simm.s32 $0x1BF5;
	[smem:$0x3FB5] =	sst s0  }
0x18: {  	s0 =	sld [smem:$0x3F98];
	_ =	swait.ge [sflag:s4], $0x0  }
0x19: {  	s7 =	sld [smem:$0x3F99]  }
0x1a: {  	s8 =	sadd.s32 $0xFFFFE003, lr  }
0x1b: {  	s9 =	sadd.s32 $0xFFFFFEF7, lr;
	s5 =	simm.s32 $0xFFFFFFFF;
	p2 =	slt.u32 s8, $0xFFFFF086  }
0x1c: {  	p1 =	slt.u32 s9, $0xF7A;
	s5 =	simm.s32 @!p2 $0x0  }
0x1d: {  	s5 =	simm.s32 @p1 $0x1;
	p0 =	seq.s32 s7, s2  }
0x1e: {  	s7 =	smul.u32 @!p0 $0xF7A, s2;
	p2 =	seq.s32 @!p0 s5, $0x0  }
0x1f: {  	s9 =	smul.u32 $0xF7A, s1;
	s8 =	simm.s32 @!p0 $0x1BF5;
	p2 =	por !p2, p0  }
0x20: {  	[sflag:s8] =	ssyncset.s32 @!p0 $0xFFFFF086;
	s6 =	sadd.s32 @!p0 s3, s7;
	s7 =	simm.s32 @!p0 $0x108  }
0x21: {  	s3 =	sadd.s32 s3, s9;
	s6 =	sadd.s32 @!p0 $0x88, s6;
	s7 =	simm.s32 @p2 $0x1082  }
0x22: {  	[simem:s7], [sflag:s8] =	dma.local @!p0 [hbm:s6], $0xF7A  }
0x23: {  	s9 =	sor.u32 $0xD0000000, s2;
	s6 =	simm.s32 $0x108;
	_ =	swait.ge @!p0 [sflag:s8], $0x0  }
0x24: {  	s3 =	sadd.s32 $0x88, s3;
	s6 =	simm.s32 @!p1 $0x1082;
	[sflag:s4] =	ssyncset.s32 $0xFFFFF086  }
0x25: {  	[simem:s6], [sflag:s4] =	dma.local [hbm:s3], $0xF7A  }
0x26: {  	[smem:$0x3F99] =	sst s1;
	(tag) =	ssettag s2;
	_ =	strace s9  }
0x27: {  	s1 =	sld [smem:$0x3FA9]  }
0x28: {  	s2 =	sld [smem:$0x3FAA]  }
0x29: {  	s4 =	sld [smem:$0x3FAC]  }
0x2a: {  	p0 =	seq.s32 s5, $0x0;
	s5 =	sld [smem:$0x3FAD]  }
0x2b: {  	s6 =	sld [smem:$0x3FAE]  }
0x2c: {  	s7 =	sld [smem:$0x3FAF]  }
0x2d: {  	s3 =	simm.s32 $0x108;
	s8 =	sld [smem:$0x3FB0]  }
0x2e: {  	s3 =	simm.s32 @!p0 $0x1082;
	s9 =	sld [smem:$0x3FB1]  }
0x2f: {  	lr =	sadd.s32 s0, s3;
	s0 =	sld [smem:$0x3FA8]  }
0x30: {  	s3 =	sld [smem:$0x3FAB]  }
0x31: {  	[smem:$0x3FB4] =	sst s10  }
0x32: {  	s10 =	sld [smem:$0x3FB2];
	_ =	sdelay $0x3  }
0x33: {  	p0 =	seq.s32 s10, $0x1;
	s10 =	sld [smem:$0x3FB4];
	_ =	sdelay $0x3  }
0x34: {  	[smem:$0x3FB4] =	sst s10  }
0x35: {  	s10 =	sld [smem:$0x3FB3];
	_ =	sdelay $0x3  }
0x36: {  	p1 =	seq.s32 s10, $0x1;
	s10 =	sld [smem:$0x3FB4];
	_ =	sdelay $0x3  }
0x37: {  	[smem:$0x3FB4] =	sst s10  }
0x38: {  	s10 =	sld [smem:$0x3FB5]  }
0x39: {  	_ = 	snop;
	(pc) =	sbr.ind lr, $3  }
0x3a: {  	_ = 	snop  }
0x3b: {  	_ = 	snop  }
0x3c: {  	p2 =	seq.s32 s10, $0x1;
	s10 =	sld [smem:$0x3FB4]  }
0x3d: {  	_ =	shalt  }
0x3e: {  	_ =	shalt  }
0x3f: {  	_ =	shalt  }
0x40: {  	_ =	shalt  }
0x41: {  	_ =	shalt  }
0x42: {  	_ =	shalt  }
0x43: {  	_ =	shalt  }
0x44: {  	_ =	shalt  }
0x45: {  	_ =	shalt  }
0x46: {  	_ =	shalt  }
0x47: {  	_ =	shalt  }
0x48: {  	_ =	shalt  }
0x49: {  	_ =	shalt  }
0x4a: {  	_ =	shalt  }
0x4b: {  	_ =	shalt  }
0x4c: {  	_ =	shalt  }
0x4d: {  	_ =	shalt  }
0x4e: {  	_ =	shalt  }
0x4f: {  	_ =	shalt  }
0x50: {  	_ =	shalt  }
0x51: {  	_ =	shalt  }
0x52: {  	_ =	shalt  }
0x53: {  	_ =	shalt  }
0x54: {  	_ =	shalt  }
0x55: {  	_ =	shalt  }
0x56: {  	_ =	shalt  }
0x57: {  	_ =	shalt  }
0x58: {  	_ =	shalt  }
0x59: {  	_ =	shalt  }
0x5a: {  	_ =	shalt  }
0x5b: {  	_ =	shalt  }
0x5c: {  	_ =	shalt  }
0x5d: {  	_ =	shalt  }
0x5e: {  	_ =	shalt  }
0x5f: {  	_ =	shalt  }
0x60: {  	_ =	shalt  }
0x61: {  	_ =	shalt  }
0x62: {  	_ =	shalt  }
0x63: {  	_ =	shalt  }
0x64: {  	_ =	shalt  }
0x65: {  	_ =	shalt  }
0x66: {  	_ =	shalt  }
0x67: {  	_ =	shalt  }
0x68: {  	_ =	shalt  }
0x69: {  	_ =	shalt  }
0x6a: {  	_ =	shalt  }
0x6b: {  	_ =	shalt  }
0x6c: {  	_ =	shalt  }
0x6d: {  	_ =	shalt  }
0x6e: {  	_ =	shalt  }
0x6f: {  	_ =	shalt  }
0x70: {  	_ =	shalt  }
0x71: {  	_ =	shalt  }
0x72: {  	_ =	shalt  }
0x73: {  	_ =	shalt  }
0x74: {  	_ =	shalt  }
0x75: {  	_ =	shalt  }
0x76: {  	_ =	shalt  }
0x77: {  	_ =	shalt  }
0x78: {  	_ =	shalt  }
0x79: {  	_ =	shalt  }
0x7a: {  	_ =	shalt  }
0x7b: {  	_ =	shalt  }
0x7c: {  	_ =	shalt  }
0x7d: {  	_ =	shalt  }
0x7e: {  	_ =	shalt  }
0x7f: {  	_ =	shalt  }
0x80: {  	_ =	shalt  }
0x81: {  	_ =	shalt  }
0x82: {  	_ =	shalt  }
0x83: {  	_ =	shalt  }
0x84: {  	_ =	shalt  }
0x85: {  	_ =	shalt  }
0x86: {  	_ =	shalt  }
0x87: {  	_ =	shalt  }
.Lfunc_end0:
.L_simem_size_0:
called_computation_lowered:
.L_overlay_start_0:
0x88: {  	s2 =	sld [smem:$0x3FD9]  }
0x89: {  	s3 =	sld [smem:$0x3FFE];
	_ =	sdelay $0x1  }
0x8a: {  	s1 =	srdreg.scid  }
0x8b: {  	s0 =	sand.u32 $0x1, s1  }
0x8c: {  	s14 =	sshll.u32 s0, $0xA;
	s2 =	sadd.s32 s3, s2  }
0x8d: {  	s2 =	sadd.s32 s2, s14  }
0x8e: {  	[smem:$0x3FC0] =	sst s2  }
0x8f: {  	_ = 	snop  }
0x90: {  	s2 =	sld [smem:$0x3FD0];
	_ =	sdelay $0x2  }
0x91: {  	s15 =	simm.s32 $0xA;
	s4 =	simm.s32 $0x10  }
0x92: {  	[smem:s4], [sflag:s15] =	dma.local [hbm:s2], $0x1  }
0x93: {  	_ =	swait.eq [sflag:s15], $0x1  }
0x94: {  	[sflag:s15] =	ssyncset.done $0x0  }
0x95: {  	[sflag:s15] =	ssyncadd.s32 $0xFFFFFFFF  }
0x96: {  	s16 =	sld [smem:$0x10];
	(tm) =	ssettm $0x1  }
0x97: {  	s17 =	sld [smem:$0x3FFB];
	_ =	sdelay $0x3  }
0x98: {  	_ =	strace s17  }
0x99: {  	s3 =	sld [smem:$0x3FFC];
	_ =	sdelay $0x3  }
0x9a: {  	_ =	strace s3  }
0x9b: {  	s3 =	sld [smem:$0x3FFD];
	_ =	sdelay $0x3  }
0x9c: {  	_ =	strace s3  }
0x9d: {  	_ =	strace $0x8FFFFFFF  }
0x9e: {  	s18 =	sld [smem:$0x3FDB];
	_ =	sdelay $0x1  }
0x9f: {  	s19 =	simm.s32 $_scs_section_size  }
0xa0: {  	s5 =	simm.s32 $_size__tile_overlayer_lowered;
	s6 =	simm.s32 $_tile_overlayer_lowered  }
0xa1: {  	s22 =	simm.s32 $0x1BFF;
	s21 =	sshll.u32 s6, $0x1;
	s3 =	sadd.s32 s19, s18  }
0xa2: {  	s7 =	simm.s32 $0x0;
	s20 =	sshll.u32 s5, $0x1;
	s5 =	sadd.s32 s21, s3  }
0xa3: {  	[timem:s7], [sflag:s22] =	dma.local [hbm:s5], s20  }
0xa4: {  	_ =	swait.ge [sflag:s22], s20  }
0xa5: {  	s4 =	ssub.s32 $0x0, s20;
	[sflag:s22] =	ssyncset.done $0x0  }
0xa6: {  	[sflag:s22] =	ssyncadd.s32 s4;
	_ =	sdelay $0x1  }
0xa7: {  	s23 =	simm.s32 $0x1B8B  }
0xa8: {  	_ =	swait.ge [sflag:s23], $0x1  }
0xa9: {  	[sflag:s23] =	ssyncset.done $0x0  }
0xaa: {  	s25 =	simm.s32 $0x1B8E;
	s24 =	sld [smem:$0x3FFE];
	[sflag:s23] =	ssyncadd.s32 $0xFFFFFFFF  }
0xab: {  	s26 =	simm.s32 $execute0_lowered;
	[smem:$0x3FD2] =	sst s25  }
0xac: {  	s5 =	sshll.u32 s26, $0x1;
	_ =	strace $0x80000046;
	[dreg:$0x1] =	wrdreg $0xFFFFFFFF  }
0xad: {  	s28 =	simm.s32 $_size_execute0_lowered;
	s3 =	sadd.s32 s3, s5;
	[dreg:$0x0] =	wrdreg $0x0  }
0xae: {  	s5 =	sshll.u32 s28, $0x1;
	[dreg:$0x2] =	wrdreg s3  }
0xaf: {  	[dreg:$0x3] =	wrdreg s5  }
0xb0: {  	[dreg:$0x4] =	wrdreg $0xC0  }
0xb1: {  	_ =	task [dreg:s7], $0x5FFFF  }
0xb2: {  	[dreg:$0x1] =	wrdreg $0xFFFFFFFF  }
0xb3: {  	[dreg:$0x0] =	wrdreg $0x60  }
0xb4: {  	[dreg:$0x2] =	wrdreg s24  }
0xb5: {  	[dreg:$0x3] =	wrdreg s16  }
0xb6: {  	[dreg:$0x4] =	wrdreg $0x9  }
0xb7: {  	_ =	task.clear_ibuf [dreg:s7], $0x5FFFF;
	_ =	strace $0x90000046  }
0xb8: {  	s29 =	simm.s32 $0x9;
	_ =	strace $0x80000048  }
0xb9: {  	_ =	swait.ge [sflag:s29], $0x1  }
0xba: {  	[sflag:s29] =	ssyncadd.s32 $0xFFFFFFFF  }
0xbb: {  	_ =	strace $0x90000048  }
0xbc: {  	_ =	sfence  }
0xbd: {  	s30 =	sld [smem:$0x0];
	_ =	sdelay $0x2  }
0xbe: {  	s31 =	sshll.u32 s1, $0xD;
	s1 =	sshrl.u32 s1, $0x2  }
0xbf: {  	s3 =	sand.u32 $0x4000, s31;
	s1 =	sadd.s32 s1, s30  }
0xc0: {  	s0 =	sor.u32 s3, s0;
	s1 =	sshll.u32 s1, $0x11  }
0xc1: {  	s0 =	sor.u32 s1, s0  }
0xc2: {  	s0 =	sadd.s32 $0x8F2B, s0  }
0xc3: {  	[sflag:s0] =	ssyncadd.remote.s32 $0x1  }
0xc4: {  	_ =	sfence.sel $0xFFFF  }
0xc5: {  	[dreg:$0x0] =	wrdreg $0xFFFFFFFF;
	(pc) =	sbr.abs _section_cstart, $3  }
0xc6: {  	[dreg:$0x1] =	wrdreg $0xFFFFFFFF  }
0xc7: {  	_ =	task.clear_ibuf [dreg:s7], $0x2FFFF;
	_ =	strace $0x9FFFFFFF  }
0xc8: {  	(tm) =	ssettm $0x7FFFFFFF  }
0xc9: {  	_ =	shalt  }
tec
execute0_lowered:
.L_overlay_start_1:
0x0: {  	(tag) =	ssettag $0x1  }
0x1: {  	s0 =	rddreg [dreg:$0x0];
	s2 =	simm.s32 $0x0  }
0x2: {  	s1 =	srdreg.scid;
	s6 =	stileid.u32;
	s10 =	simm.s32 $0x6  }
0x3: {  	s11 =	simm.s32 $0x70;
	s13 =	simm.s32 $0x2400;
	s14 =	simm.s32 $0x12F0  }
0x4: {  	s15 =	simm.s32 $0x3200;
	s16 =	simm.s32 $0x1360;
	s17 =	simm.s32 $0x4000  }
0x5: {  	s18 =	simm.s32 $0x13D0;
	s19 =	simm.s32 $0x4E00;
	s20 =	simm.s32 $0x1  }
0x6: {  	s21 =	simm.s32 $0x2;
	s22 =	simm.s32 $0x3;
	s23 =	simm.s32 $0x4  }
0x7: {  	s24 =	simm.s32 $0x5C00;
	s25 =	simm.s32 $0x9400;
	s1 =	sand.u32 $0x1, s1  }
0x8: {  	[smem:$0x7FF] =	sst s2;
	s4 =	sadd.s32 $0xA4A00, s0;
	s3 =	ssub.s32 $0x2, s1  }
0x9: {  	s5 =	sadd.s32 $0x22B400, s0;
	s8 =	sshll.u32 s6, $0x1;
	s7 =	sshrl.u32 s3, $0x1  }
0xa: {  	s6 =	sadd.s32 $0xD0600, s0;
	s1 =	sor.u32 s1, s8;
	s3 =	ssub.s32 s3, s7  }
0xb: {  	_ =	strace $0x80000047;
	s8 =	smul.u32 $0x8C0, s1;
	s31 =	smax.u32 s3, $0x1  }
0xc: {  	v0 =	vimm.s32 $0x0;
	v1 =	vimm.f32 $0.0e+00;
	s7 =	sadd.s32 $0x15C600, s0;
	s3 =	simm.s32 $0x0;
	[dreg:$0x3] =	wrdreg s31  }
.LBB2_1:
0xd: {  	[dreg:$0x4] =	wrdreg s3;
	s29 =	simm.s32 $0x0  }
.LBB2_2:
0xe: {  	p0 =	seq.s32 s29, $0x0  }
0xf: {  	s0 =	smul.u32 $0xE0, s29;
	s1 =	simm.s32 @!p0 $0x5  }
0x10: {  	_ =	swait.ge @!p0 [sflag:s1], $0x3800  }
0x11: {  	s30 =	sadd.s32 s8, s0;
	[sflag:s1] =	ssyncset.done @!p0 $0x0  }
0x12: {  	s0 =	smul.u32 $0x14, s30;
	[sflag:s1] =	ssyncadd.s32 @!p0 $0xFFFFC800  }
0x13: {  	_ =	swait.ge @!p0 [sflag:s1], $0x100  }
0x14: {  	s0 =	sshrl.u32 s0, $0x3;
	[sflag:s1] =	ssyncset.done @!p0 $0x0  }
0x15: {  	s26 =	simm.s32 $0x0;
	s0 =	sadd.s32 s4, s0;
	[sflag:s1] =	ssyncadd.s32 @!p0 $0xFFFFFF00  }
0x16: {  	[tilespmem:s26], [sflag:$0x6] =	stream.linear.gather [hbm4b:s0+s26], $0x1180, $0x38;
	[tilespmem:$0x9500] =	vst v63  }
0x17: {  	s3 =	sshrl.u32 s30, $0x5;
	_ =	swait.ge [sflag:s10], $0x1180  }
0x18: {  	s3 =	smulhi.u32 $0x24924925, s3;
	[sflag:s10] =	ssyncset.done $0x0  }
0x19: {  	[sflag:s10] =	ssyncadd.s32 $0xFFFFEE80  }
0x1a: {  	s31 =	sshll.u32 s3, $0x5;
	s28 =	rddreg [dreg:$0x1]  }
0x1b: {  	s0 =	simm.s32 $0x1180;
	s3 =	sadd.s32 s28, s31  }
0x1c: {  	[tilespmem:s0], [sflag:$0x6] =	stream.linear.gather [hbm4b:s3+s26], $0x100, $0x38;
	[tilespmem:$0x9500] =	vst v63  }
0x1d: {  	_ =	swait.ge [sflag:s10], $0x100  }
0x1e: {  	[sflag:s10] =	ssyncset.done $0x0  }
0x1f: {  	[sflag:s10] =	ssyncadd.s32 $0xFFFFFF00  }
0x20: {  	s3 =	simm.s32 $0x8C0;
	v2 =	vld [tilespmem:s0+$0x0]  }
0x21: {  	v3 =	vld [tilespmem:s3+$0xFFFFF740]  }
0x22: {  	p0 =	por $0x0, $0x0;
	s1 =	simm.s32 $0xFFFFFF9  }
0x23: {  	s1 =	simm.s32 @!p0 $0x0  }
0x24: {  	s9 =	simm.s32 $0x70;
	s1 =	sadd.s32 $0x0, s1  }
0x25: {  	s9 =	simm.s32 @!p0 $0x0;
	s1 =	sshll.u32 s1, $0x4;
	vm3 =	vgt.s32 v2, $0x0  }
0x26: {  	s28 =	sadd.s32 s1, s9;
	v4 =	vnsel vm3, $0x0, v3  }
0x27: {  	[tilespmem:s28+$0x1280] =	vst v4  }
0x28: {  	v4 =	vld [tilespmem:s3+$0xFFFFF820];
	_ =	sdelay $0x3  }
0x29: {  	vm4 =	vgt.s32 v2, $0x1  }
0x2a: {  	v5 =	vnsel vm4, $0x0, v4  }
0x2b: {  	[tilespmem:s28+$0x1360] =	vst v5  }
0x2c: {  	v5 =	vld [tilespmem:s3+$0xFFFFF900];
	_ =	sdelay $0x3  }
0x2d: {  	vm7 =	vgt.s32 v2, $0x2  }
0x2e: {  	v6 =	vnsel vm7, $0x0, v5  }
0x2f: {  	[tilespmem:s28+$0x1440] =	vst v6  }
0x30: {  	v6 =	vld [tilespmem:s3+$0xFFFFF9E0];
	_ =	sdelay $0x3  }
0x31: {  	vm12 =	vgt.s32 v2, $0x3  }
0x32: {  	v7 =	vnsel vm12, $0x0, v6  }
0x33: {  	[tilespmem:s28+$0x1520] =	vst v7  }
0x34: {  	v7 =	vld [tilespmem:s3+$0xFFFFFAC0];
	_ =	sdelay $0x3  }
0x35: {  	vm8 =	vgt.s32 v2, $0x4  }
0x36: {  	v8 =	vnsel vm8, $0x0, v7  }
0x37: {  	[tilespmem:s28+$0x1600] =	vst v8  }
0x38: {  	v8 =	vld [tilespmem:s3+$0xFFFFFBA0];
	_ =	sdelay $0x3  }
0x39: {  	vm13 =	vgt.s32 v2, $0x5  }
0x3a: {  	v9 =	vnsel vm13, $0x0, v8  }
0x3b: {  	[tilespmem:s28+$0x16E0] =	vst v9  }
0x3c: {  	v9 =	vld [tilespmem:s3+$0xFFFFFC80];
	_ =	sdelay $0x3  }
0x3d: {  	vm9 =	vgt.s32 v2, $0x6  }
0x3e: {  	v10 =	vnsel vm9, $0x0, v9  }
0x3f: {  	[tilespmem:s28+$0x17C0] =	vst v10  }
0x40: {  	v10 =	vld [tilespmem:s3+$0xFFFFFD60];
	_ =	sdelay $0x3  }
0x41: {  	vm14 =	vgt.s32 v2, $0x7  }
0x42: {  	v11 =	vnsel vm14, $0x0, v10  }
0x43: {  	[tilespmem:s28+$0x18A0] =	vst v11  }
0x44: {  	v11 =	vld [tilespmem:s3+$0xFFFFFE40];
	_ =	sdelay $0x3  }
0x45: {  	vm11 =	vgt.s32 v2, $0x8  }
0x46: {  	v12 =	vnsel vm11, $0x0, v11  }
0x47: {  	[tilespmem:s28+$0x1980] =	vst v12  }
0x48: {  	v12 =	vld [tilespmem:s3+$0xFFFFFF20];
	_ =	sdelay $0x3  }
0x49: {  	vm15 =	vgt.s32 v2, $0x9  }
0x4a: {  	v13 =	vnsel vm15, $0x0, v12  }
0x4b: {  	[tilespmem:s28+$0x1A60] =	vst v13  }
0x4c: {  	v13 =	vld [tilespmem:s3+$0x0];
	_ =	sdelay $0x3  }
0x4d: {  	vm10 =	vgt.s32 v2, $0xA  }
0x4e: {  	v14 =	vnsel vm10, $0x0, v13  }
0x4f: {  	[tilespmem:s28+$0x1B40] =	vst v14  }
0x50: {  	v14 =	vld [tilespmem:s3+$0xE0];
	_ =	sdelay $0x3  }
0x51: {  	vm5 =	vgt.s32 v2, $0xB  }
0x52: {  	v15 =	vnsel vm5, $0x0, v14  }
0x53: {  	[tilespmem:s28+$0x1C20] =	vst v15  }
0x54: {  	v15 =	vld [tilespmem:s3+$0x1C0];
	_ =	sdelay $0x3  }
0x55: {  	vm0 =	vgt.s32 v2, $0xC  }
0x56: {  	v16 =	vimm.s32 $0x0;
	v34 =	vnsel vm0, $0x0, v15  }
0x57: {  	v16 =	vsel vm0, $0xFFFFFFFF, v16;
	[tilespmem:s28+$0x1D00] =	vst v34  }
0x58: {  	[tilespmem:$0x1FFD0] =	vst v16;
	v16 =	vld [tilespmem:s3+$0x2A0];
	_ =	sdelay $0x3  }
0x59: {  	vm6 =	vgt.s32 v2, $0xD  }
0x5a: {  	v17 =	vnsel vm6, $0x0, v16  }
0x5b: {  	[tilespmem:s28+$0x1DE0] =	vst v17  }
0x5c: {  	v17 =	vld [tilespmem:s3+$0x380];
	_ =	sdelay $0x3  }
0x5d: {  	vm0 =	vgt.s32 v2, $0xE  }
0x5e: {  	v18 =	vimm.s32 $0x0;
	v35 =	vnsel vm0, $0x0, v17  }
0x5f: {  	v18 =	vsel vm0, $0xFFFFFFFF, v18;
	[tilespmem:s28+$0x1EC0] =	vst v35  }
0x60: {  	[tilespmem:$0x1FFE0] =	vst v18;
	v18 =	vld [tilespmem:s3+$0x460];
	_ =	sdelay $0x3  }
0x61: {  	vm0 =	vgt.s32 v2, $0xF  }
0x62: {  	v19 =	vimm.s32 $0x0;
	vm1 =	vne.s32 v6, $0x0;
	v36 =	vnsel vm0, $0x0, v18  }
0x63: {  	vm1 =	vmand vm12, vm1;
	vm12 =	vne.s32 v8, $0x0;
	v19 =	vsel vm0, $0xFFFFFFFF, v19;
	[tilespmem:s28+$0x1FA0] =	vst v36  }
0x64: {  	v39 =	vsel vm1, $0x1, v0;
	vm1 =	vmand vm13, vm12;
	[tilespmem:$0x1FFF0] =	vst v19;
	vm0 =	vne.s32 v3, $0x0;
	v3 =	vld [tilespmem:s3+$0x540]  }
0x65: {  	v42 =	vsel vm1, $0x1, v0;
	vm13 =	vne.s32 v9, $0x0;
	v59 =	vld [tilespmem:$0x1FFF0]  }
0x66: {  	vm2 =	vmand vm3, vm0;
	vm3 =	vne.s32 v4, $0x0;
	vm0 =	vne.s32 v5, $0x0  }
0x67: {  	vm3 =	vmand vm4, vm3;
	vm0 =	vmand vm7, vm0;
	vm7 =	vne.s32 v7, $0x0  }
0x68: {  	v45 =	vsel vm2, $0x1, v0;
	v37 =	vsel vm3, $0x1, v0;
	vm3 =	vgt.s32 v2, $0x10  }
0x69: {  	vm4 =	vgt.s32 v2, $0x11;
	v38 =	vsel vm0, $0x1, v0;
	v40 =	vnsel vm3, $0x0, v3  }
0x6a: {  	v53 =	vld [tilespmem:$0x1FFD0];
	vm0 =	vmand vm8, vm7;
	vm8 =	vne.s32 v10, $0x0;
	vm7 =	vnez.u8 v59;
	[tilespmem:s28+$0x2080] =	vst v40  }
0x6b: {  	v41 =	vsel vm0, $0x1, v0;
	vm0 =	vmand vm9, vm13;
	vm12 =	vmand vm14, vm8;
	v43 =	vld [tilespmem:s3+$0x620]  }
0x6c: {  	vm13 =	vne.s32 v11, $0x0;
	vm14 =	vne.s32 v12, $0x0;
	v4 =	vadd.s32 v45, v37  }
0x6d: {  	vm9 =	vne.s32 v13, $0x0;
	v44 =	vsel vm0, $0x1, v0;
	vm0 =	vmand vm11, vm13  }
0x6e: {  	vm15 =	vmand vm15, vm14;
	v46 =	vsel vm12, $0x1, v0;
	v4 =	vadd.s32 v38, v4  }
0x6f: {  	v56 =	vld [tilespmem:$0x1FFE0];
	vm11 =	vne.s32 v15, $0x0;
	vm12 =	vne.s32 v16, $0x0;
	vm13 =	vnez.u8 v53  }
0x70: {  	vm14 =	vne.s32 v17, $0x0;
	v47 =	vsel vm0, $0x1, v0;
	v48 =	vnsel vm4, $0x0, v43  }
0x71: {  	vm0 =	vmand vm10, vm9;
	v4 =	vadd.s32 v39, v4;
	v49 =	vsel vm15, $0x1, v0;
	[tilespmem:s28+$0x2160] =	vst v48  }
0x72: {  	vm10 =	vne.s32 v14, $0x0;
	vm15 =	vgt.s32 v2, $0x12;
	v4 =	vadd.s32 v41, v4;
	v51 =	vld [tilespmem:s3+$0x700]  }
0x73: {  	vm1 =	vmand vm5, vm10;
	v50 =	vsel vm0, $0x1, v0;
	v4 =	vadd.s32 v42, v4  }
0x74: {  	vm0 =	vmand vm13, vm11;
	vm5 =	vnez.u8 v56;
	v4 =	vadd.s32 v44, v4  }
0x75: {  	vm8 =	vne.s32 v3, $0x0;
	vm13 =	vgt.s32 v2, $0x13;
	v4 =	vadd.s32 v46, v4  }
0x76: {  	v52 =	vsel vm1, $0x1, v0;
	vm1 =	vmand vm6, vm12;
	v4 =	vadd.s32 v47, v4  }
0x77: {  	v54 =	vsel vm0, $0x1, v0;
	v4 =	vadd.s32 v49, v4;
	v57 =	vnsel vm15, $0x0, v51  }
0x78: {  	vm0 =	vmand vm5, vm14;
	vm6 =	vne.s32 v18, $0x0;
	v4 =	vadd.s32 v50, v4;
	[tilespmem:s28+$0x2240] =	vst v57  }
0x79: {  	vm9 =	vmand vm3, vm8;
	v55 =	vsel vm1, $0x1, v0;
	v3 =	vadd.s32 v52, v4;
	v60 =	vld [tilespmem:s3+$0x7E0]  }
0x7a: {  	v58 =	vsel vm0, $0x1, v0;
	vm0 =	vmand vm7, vm6;
	v3 =	vadd.s32 v54, v3  }
0x7b: {  	v62 =	vsel vm9, $0x1, v0;
	vm10 =	vne.s32 v43, $0x0;
	v3 =	vadd.s32 v55, v3  }
0x7c: {  	v61 =	vsel vm0, $0x1, v0;
	vm0 =	vmand vm4, vm10;
	v3 =	vadd.s32 v58, v3  }
0x7d: {  	v63 =	vsel vm0, $0x1, v0;
	v3 =	vadd.s32 v61, v3;
	vm11 =	vne.s32 v51, $0x0  }
0x7e: {  	v2 =	vadd.s32 v62, v3;
	vm12 =	vmand vm15, vm11;
	vm14 =	vne.s32 v60, $0x0  }
0x7f: {  	v2 =	vadd.s32 v63, v2;
	v3 =	vsel vm12, $0x1, v0;
	vm15 =	vmand vm13, vm14  }
0x80: {  	v2 =	vadd.s32 v3, v2;
	v3 =	vsel vm15, $0x1, v0  }
0x81: {  	v4 =	vnsel vm13, $0x0, v60;
	v2 =	vadd.s32 v3, v2  }
0x82: {  	s9 =	simm.s32 $0x9400;
	s26 =	simm.s32 $0x1;
	[tilespmem:s28+$0x2320] =	vst v4;
	v2 =	vcvt.s32.f32 v2  }
.LBB2_3:
0x83: {  	_ = 	snop  }
0x84: {  	s0 =	sadd.s32 $0x10, s0;
	s3 =	sadd.s32 $0x10, s3;
	[tilespmem:s9+$0x0] =	vst v2;
	s9 =	sadd.s32 $0x10, s9  }
0x85: {  	p0 =	sne.s32 s26, $0xD;
	s1 =	smov.u32 s26;
	s26 =	sadd.s32 $0x1, s26;
	v2 =	vld [tilespmem:s0+$0x0]  }
0x86: {  	v3 =	vld [tilespmem:s3+$0xFFFFF740]  }
0x87: {  	s28 =	simm.s32 $0xFFFFFF9;
	p1 =	sgt.u32 s1, $0x6  }
0x88: {  	s28 =	simm.s32 @!p1 $0x0  }
0x89: {  	s1 =	sadd.s32 s1, s28;
	s28 =	simm.s32 $0x70  }
0x8a: {  	s1 =	sshll.u32 s1, $0x4;
	s28 =	simm.s32 @!p1 $0x0;
	vm0 =	vgt.s32 v2, $0x0  }
0x8b: {  	s28 =	sadd.s32 s1, s28;
	vm1 =	vne.s32 v3, $0x0;
	v3 =	vnsel vm0, $0x0, v3  }
0x8c: {  	vm0 =	vmand vm0, vm1;
	[tilespmem:s28+$0x1280] =	vst v3  }
0x8d: {  	v3 =	vld [tilespmem:s3+$0xFFFFF820];
	_ =	sdelay $0x3  }
0x8e: {  	vm1 =	vgt.s32 v2, $0x1  }
0x8f: {  	vm2 =	vne.s32 v3, $0x0;
	v3 =	vnsel vm1, $0x0, v3  }
0x90: {  	vm1 =	vmand vm1, vm2;
	[tilespmem:s28+$0x1360] =	vst v3  }
0x91: {  	v3 =	vsel vm1, $0x1, v0;
	v4 =	vld [tilespmem:s3+$0xFFFFF900];
	_ =	sdelay $0x3  }
0x92: {  	vm1 =	vgt.s32 v2, $0x2  }
0x93: {  	vm2 =	vne.s32 v4, $0x0;
	v4 =	vnsel vm1, $0x0, v4  }
0x94: {  	vm1 =	vmand vm1, vm2;
	[tilespmem:s28+$0x1440] =	vst v4  }
0x95: {  	v4 =	vsel vm1, $0x1, v0;
	v5 =	vld [tilespmem:s3+$0xFFFFF9E0];
	_ =	sdelay $0x3  }
0x96: {  	vm1 =	vgt.s32 v2, $0x3  }
0x97: {  	vm2 =	vne.s32 v5, $0x0;
	v5 =	vnsel vm1, $0x0, v5  }
0x98: {  	vm1 =	vmand vm1, vm2;
	[tilespmem:s28+$0x1520] =	vst v5  }
0x99: {  	v5 =	vsel vm1, $0x1, v0;
	v6 =	vld [tilespmem:s3+$0xFFFFFAC0];
	_ =	sdelay $0x3  }
0x9a: {  	vm1 =	vgt.s32 v2, $0x4  }
0x9b: {  	vm2 =	vne.s32 v6, $0x0;
	v6 =	vnsel vm1, $0x0, v6  }
0x9c: {  	vm1 =	vmand vm1, vm2;
	[tilespmem:s28+$0x1600] =	vst v6  }
0x9d: {  	v6 =	vsel vm1, $0x1, v0;
	v7 =	vld [tilespmem:s3+$0xFFFFFBA0];
	_ =	sdelay $0x3  }
0x9e: {  	vm1 =	vgt.s32 v2, $0x5  }
0x9f: {  	vm2 =	vne.s32 v7, $0x0;
	v7 =	vnsel vm1, $0x0, v7  }
0xa0: {  	vm1 =	vmand vm1, vm2;
	[tilespmem:s28+$0x16E0] =	vst v7  }
0xa1: {  	v7 =	vsel vm1, $0x1, v0;
	v8 =	vld [tilespmem:s3+$0xFFFFFC80];
	_ =	sdelay $0x3  }
0xa2: {  	vm1 =	vgt.s32 v2, $0x6  }
0xa3: {  	vm2 =	vne.s32 v8, $0x0;
	v8 =	vnsel vm1, $0x0, v8  }
0xa4: {  	vm1 =	vmand vm1, vm2;
	[tilespmem:s28+$0x17C0] =	vst v8  }
0xa5: {  	v8 =	vsel vm1, $0x1, v0;
	v9 =	vld [tilespmem:s3+$0xFFFFFD60];
	_ =	sdelay $0x3  }
0xa6: {  	vm1 =	vgt.s32 v2, $0x7  }
0xa7: {  	vm2 =	vne.s32 v9, $0x0;
	v9 =	vnsel vm1, $0x0, v9  }
0xa8: {  	vm1 =	vmand vm1, vm2;
	[tilespmem:s28+$0x18A0] =	vst v9  }
0xa9: {  	v9 =	vsel vm1, $0x1, v0;
	v10 =	vld [tilespmem:s3+$0xFFFFFE40];
	_ =	sdelay $0x3  }
0xaa: {  	vm1 =	vgt.s32 v2, $0x8  }
0xab: {  	vm2 =	vne.s32 v10, $0x0;
	v10 =	vnsel vm1, $0x0, v10  }
0xac: {  	vm1 =	vmand vm1, vm2;
	[tilespmem:s28+$0x1980] =	vst v10  }
0xad: {  	v10 =	vsel vm1, $0x1, v0;
	v11 =	vld [tilespmem:s3+$0xFFFFFF20];
	_ =	sdelay $0x3  }
0xae: {  	vm1 =	vgt.s32 v2, $0x9  }
0xaf: {  	vm2 =	vne.s32 v11, $0x0;
	v11 =	vnsel vm1, $0x0, v11  }
0xb0: {  	vm1 =	vmand vm1, vm2;
	[tilespmem:s28+$0x1A60] =	vst v11  }
0xb1: {  	v11 =	vsel vm1, $0x1, v0;
	v12 =	vld [tilespmem:s3+$0x0];
	_ =	sdelay $0x3  }
0xb2: {  	vm1 =	vgt.s32 v2, $0xA  }
0xb3: {  	vm2 =	vne.s32 v12, $0x0;
	v12 =	vnsel vm1, $0x0, v12  }
0xb4: {  	vm1 =	vmand vm1, vm2;
	[tilespmem:s28+$0x1B40] =	vst v12  }
0xb5: {  	v12 =	vsel vm1, $0x1, v0;
	v13 =	vld [tilespmem:s3+$0xE0];
	_ =	sdelay $0x3  }
0xb6: {  	vm1 =	vgt.s32 v2, $0xB  }
0xb7: {  	vm2 =	vne.s32 v13, $0x0;
	v13 =	vnsel vm1, $0x0, v13  }
0xb8: {  	vm1 =	vmand vm1, vm2;
	[tilespmem:s28+$0x1C20] =	vst v13  }
0xb9: {  	v13 =	vsel vm1, $0x1, v0;
	v14 =	vld [tilespmem:s3+$0x1C0];
	_ =	sdelay $0x3  }
0xba: {  	vm1 =	vgt.s32 v2, $0xC  }
0xbb: {  	vm2 =	vne.s32 v14, $0x0;
	v14 =	vnsel vm1, $0x0, v14  }
0xbc: {  	vm1 =	vmand vm1, vm2;
	[tilespmem:s28+$0x1D00] =	vst v14  }
0xbd: {  	v14 =	vsel vm1, $0x1, v0;
	v15 =	vld [tilespmem:s3+$0x2A0];
	_ =	sdelay $0x3  }
0xbe: {  	vm1 =	vgt.s32 v2, $0xD  }
0xbf: {  	vm2 =	vne.s32 v15, $0x0;
	v15 =	vnsel vm1, $0x0, v15  }
0xc0: {  	vm1 =	vmand vm1, vm2;
	[tilespmem:s28+$0x1DE0] =	vst v15  }
0xc1: {  	v15 =	vsel vm1, $0x1, v0;
	v16 =	vld [tilespmem:s3+$0x380];
	_ =	sdelay $0x3  }
0xc2: {  	vm1 =	vgt.s32 v2, $0xE  }
0xc3: {  	vm2 =	vne.s32 v16, $0x0;
	v16 =	vnsel vm1, $0x0, v16  }
0xc4: {  	vm1 =	vmand vm1, vm2;
	[tilespmem:s28+$0x1EC0] =	vst v16  }
0xc5: {  	v16 =	vsel vm1, $0x1, v0;
	v17 =	vld [tilespmem:s3+$0x460];
	_ =	sdelay $0x3  }
0xc6: {  	vm1 =	vgt.s32 v2, $0xF  }
0xc7: {  	vm2 =	vne.s32 v17, $0x0;
	v17 =	vnsel vm1, $0x0, v17  }
0xc8: {  	vm1 =	vmand vm1, vm2;
	[tilespmem:s28+$0x1FA0] =	vst v17  }
0xc9: {  	v17 =	vsel vm1, $0x1, v0;
	v18 =	vld [tilespmem:s3+$0x540];
	_ =	sdelay $0x3  }
0xca: {  	vm1 =	vgt.s32 v2, $0x10  }
0xcb: {  	vm2 =	vne.s32 v18, $0x0;
	v18 =	vnsel vm1, $0x0, v18  }
0xcc: {  	vm1 =	vmand vm1, vm2;
	[tilespmem:s28+$0x2080] =	vst v18  }
0xcd: {  	v18 =	vsel vm1, $0x1, v0;
	v19 =	vld [tilespmem:s3+$0x620];
	_ =	sdelay $0x2  }
0xce: {  	v20 =	vsel vm0, $0x1, v0  }
0xcf: {  	vm0 =	vgt.s32 v2, $0x11;
	v3 =	vadd.s32 v20, v3  }
0xd0: {  	v3 =	vadd.s32 v4, v3;
	vm1 =	vne.s32 v19, $0x0;
	v4 =	vnsel vm0, $0x0, v19  }
0xd1: {  	v3 =	vadd.s32 v5, v3;
	vm0 =	vmand vm0, vm1;
	[tilespmem:s28+$0x2160] =	vst v4  }
0xd2: {  	v3 =	vadd.s32 v6, v3;
	v4 =	vsel vm0, $0x1, v0;
	v5 =	vld [tilespmem:s3+$0x700]  }
0xd3: {  	v3 =	vadd.s32 v7, v3  }
0xd4: {  	v3 =	vadd.s32 v8, v3  }
0xd5: {  	v3 =	vadd.s32 v9, v3  }
0xd6: {  	v3 =	vadd.s32 v10, v3;
	vm0 =	vgt.s32 v2, $0x12  }
0xd7: {  	v3 =	vadd.s32 v11, v3;
	vm1 =	vne.s32 v5, $0x0;
	v5 =	vnsel vm0, $0x0, v5  }
0xd8: {  	v3 =	vadd.s32 v12, v3;
	vm0 =	vmand vm0, vm1;
	[tilespmem:s28+$0x2240] =	vst v5  }
0xd9: {  	v3 =	vadd.s32 v13, v3;
	v5 =	vsel vm0, $0x1, v0;
	v6 =	vld [tilespmem:s3+$0x7E0]  }
0xda: {  	v3 =	vadd.s32 v14, v3  }
0xdb: {  	v3 =	vadd.s32 v15, v3  }
0xdc: {  	v3 =	vadd.s32 v16, v3  }
0xdd: {  	v3 =	vadd.s32 v17, v3;
	vm0 =	vgt.s32 v2, $0x13  }
.Ltmp0:
0xde: {  	v2 =	vadd.s32 v18, v3;
	vm1 =	vne.s32 v6, $0x0;
	v3 =	vnsel vm0, $0x0, v6;
	(pc) =	sbr.rel @p0 .LBB2_3-.Ltmp0, $4  }
0xdf: {  	v2 =	vadd.s32 v4, v2;
	vm0 =	vmand vm0, vm1;
	[tilespmem:s28+$0x2320] =	vst v3  }
0xe0: {  	v2 =	vadd.s32 v5, v2;
	v3 =	vsel vm0, $0x1, v0  }
0xe1: {  	v2 =	vadd.s32 v3, v2  }
0xe2: {  	v2 =	vcvt.s32.f32 v2  }
0xe3: {  	_ = 	snop  }
0xe4: {  	s0 =	simm.s32 $0x1280;
	[tilespmem:s9+$0x0] =	vst v2  }
0xe5: {  	[tilespmem:s13], [sflag:$0x1] =	stream.indirect.gather [hbm4b:s5+s11], $0x20, s0, s11, $0xb8;
	[tilespmem:$0x9500] =	vst v63  }
0xe6: {  	_ = 	snop  }
0xe7: {  	[tilespmem:s15], [sflag:$0x2] =	stream.indirect.gather [hbm4b:s5+s11], $0x20, s14, s11, $0xb8;
	[tilespmem:$0x9500] =	vst v63  }
0xe8: {  	_ = 	snop  }
0xe9: {  	[tilespmem:s17], [sflag:$0x3] =	stream.indirect.gather [hbm4b:s5+s11], $0x20, s16, s11, $0xb8;
	[tilespmem:$0x9500] =	vst v63  }
0xea: {  	s1 =	simm.s32 $0x0;
	s3 =	simm.s32 $0x200;
	s0 =	simm.s32 $0x0  }
0xeb: {  	[tilespmem:s19], [sflag:$0x4] =	stream.indirect.gather [hbm4b:s5+s11], $0x20, s18, s11, $0xb8;
	[tilespmem:$0x9500] =	vst v63  }
.LBB2_5:
0xec: {  	p0 =	sne.s32 s3, $0xDE00;
	[tilespmem:s1+$0x5C70] =	vst v1  }
0xed: {  	[tilespmem:s1+$0x5C00] =	vst v1  }
0xee: {  	[tilespmem:s1+$0x5C10] =	vst v1  }
.Ltmp1:
0xef: {  	[tilespmem:s1+$0x5C20] =	vst v1;
	(pc) =	sbr.rel @p0 .LBB2_5-.Ltmp1, $4  }
0xf0: {  	[tilespmem:s1+$0x5C30] =	vst v1  }
0xf1: {  	[tilespmem:s1+$0x5C40] =	vst v1  }
0xf2: {  	[tilespmem:s1+$0x5C50] =	vst v1  }
0xf3: {  	[tilespmem:s1+$0x5C60] =	vst v1;
	s1 =	sshra.s32 s3, $0x2;
	s3 =	sadd.s32 $0x200, s3  }
0xf4: {  	[tilespmem:s1+$0x5C70] =	vst v1  }
0xf5: {  	[tilespmem:s1+$0x5C00] =	vst v1  }
0xf6: {  	[tilespmem:s1+$0x5C10] =	vst v1  }
0xf7: {  	[tilespmem:s1+$0x5C20] =	vst v1  }
0xf8: {  	[tilespmem:s1+$0x5C30] =	vst v1  }
0xf9: {  	[tilespmem:s1+$0x5C40] =	vst v1  }
0xfa: {  	[tilespmem:s1+$0x5C50] =	vst v1  }
0xfb: {  	[tilespmem:s1+$0x5C60] =	vst v1  }
.LBB2_7:
0xfc: {  	_ =	swait.ge [sflag:s20], $0xE00  }
0xfd: {  	[sflag:s20] =	ssyncset.done $0x0  }
0xfe: {  	s3 =	simm.s32 $0x2440;
	[sflag:s20] =	ssyncadd.s32 $0xFFFFF200  }
0xff: {  	v2 =	vld [tilespmem:s3+$0xFFFFFFC0];
	_ =	sdelay $0x4  }
0x100: {  	s9 =	simm.s32 $0x0;
	v3 =	vunpack.i.l.bf16.f32 v2  }
0x101: {  	v2 =	vunpack.i.u.bf16.f32 v2;
	[tilespmem:s9+$0x5C00] =	vst.add.f32.msk $0xffff, v3  }
0x102: {  	[tilespmem:s9+$0x5C10] =	vst.add.f32.msk $0xffff, v2  }
0x103: {  	v2 =	vld [tilespmem:s3+$0xFFFFFFD0];
	_ =	sdelay $0x4  }
0x104: {  	v3 =	vunpack.i.l.bf16.f32 v2  }
0x105: {  	v2 =	vunpack.i.u.bf16.f32 v2;
	[tilespmem:s9+$0x5C20] =	vst.add.f32.msk $0xffff, v3  }
0x106: {  	[tilespmem:s9+$0x5C30] =	vst.add.f32.msk $0xffff, v2  }
0x107: {  	v2 =	vld [tilespmem:s3+$0xFFFFFFE0];
	_ =	sdelay $0x4  }
0x108: {  	v3 =	vunpack.i.l.bf16.f32 v2  }
0x109: {  	v2 =	vunpack.i.u.bf16.f32 v2;
	[tilespmem:s9+$0x5C40] =	vst.add.f32.msk $0xffff, v3  }
0x10a: {  	[tilespmem:s9+$0x5C50] =	vst.add.f32.msk $0xffff, v2  }
0x10b: {  	v2 =	vld [tilespmem:s3+$0xFFFFFFF0];
	_ =	sdelay $0x4  }
0x10c: {  	v3 =	vunpack.i.l.bf16.f32 v2  }
0x10d: {  	v2 =	vunpack.i.u.bf16.f32 v2;
	[tilespmem:s9+$0x5C60] =	vst.add.f32.msk $0xffff, v3  }
0x10e: {  	[tilespmem:s9+$0x5C70] =	vst.add.f32.msk $0xffff, v2  }
0x10f: {  	v2 =	vld [tilespmem:s3+$0x0];
	_ =	sdelay $0x4  }
0x110: {  	v3 =	vunpack.i.l.bf16.f32 v2  }
0x111: {  	v2 =	vunpack.i.u.bf16.f32 v2;
	[tilespmem:s9+$0x5C80] =	vst.add.f32.msk $0xffff, v3  }
0x112: {  	[tilespmem:s9+$0x5C90] =	vst.add.f32.msk $0xffff, v2  }
0x113: {  	v2 =	vld [tilespmem:s3+$0x10];
	_ =	sdelay $0x4  }
0x114: {  	v3 =	vunpack.i.l.bf16.f32 v2  }
0x115: {  	v2 =	vunpack.i.u.bf16.f32 v2;
	[tilespmem:s9+$0x5CA0] =	vst.add.f32.msk $0xffff, v3  }
0x116: {  	[tilespmem:s9+$0x5CB0] =	vst.add.f32.msk $0xffff, v2  }
0x117: {  	v2 =	vld [tilespmem:s3+$0x20];
	_ =	sdelay $0x4  }
0x118: {  	v3 =	vunpack.i.l.bf16.f32 v2  }
0x119: {  	s26 =	simm.s32 $0x400;
	s28 =	simm.s32 $0x2440;
	v2 =	vunpack.i.u.bf16.f32 v2;
	[tilespmem:s9+$0x5CC0] =	vst.add.f32.msk $0xffff, v3  }
.LBB2_8:
0x11a: {  	p0 =	sne.s32 s26, $0x6C00  }
0x11b: {  	[tilespmem:s9+$0x5CD0] =	vst.add.f32.msk $0xffff, v2;
	s3 =	sadd.s32 $0x80, s3;
	s1 =	smov.u32 s26;
	s26 =	sadd.s32 $0x400, s26  }
0x11c: {  	v2 =	vld [tilespmem:s28+$0x30];
	s28 =	smov.u32 s3;
	_ =	sdelay $0x4  }
0x11d: {  	v3 =	vunpack.i.u.bf16.f32 v2;
	v2 =	vunpack.i.l.bf16.f32 v2  }
0x11e: {  	[tilespmem:s9+$0x5CE0] =	vst.add.f32.msk $0xffff, v2  }
0x11f: {  	[tilespmem:s9+$0x5CF0] =	vst.add.f32.msk $0xffff, v3  }
0x120: {  	v2 =	vld [tilespmem:s3+$0xFFFFFFC0];
	_ =	sdelay $0x4  }
0x121: {  	s9 =	sshra.s32 s1, $0x2;
	v3 =	vunpack.i.u.bf16.f32 v2;
	v2 =	vunpack.i.l.bf16.f32 v2  }
0x122: {  	[tilespmem:s9+$0x5C00] =	vst.add.f32.msk $0xffff, v2  }
0x123: {  	[tilespmem:s9+$0x5C10] =	vst.add.f32.msk $0xffff, v3  }
0x124: {  	v2 =	vld [tilespmem:s3+$0xFFFFFFD0];
	_ =	sdelay $0x4  }
0x125: {  	v3 =	vunpack.i.u.bf16.f32 v2;
	v2 =	vunpack.i.l.bf16.f32 v2  }
0x126: {  	[tilespmem:s9+$0x5C20] =	vst.add.f32.msk $0xffff, v2  }
0x127: {  	[tilespmem:s9+$0x5C30] =	vst.add.f32.msk $0xffff, v3  }
0x128: {  	v2 =	vld [tilespmem:s3+$0xFFFFFFE0];
	_ =	sdelay $0x4  }
0x129: {  	v3 =	vunpack.i.u.bf16.f32 v2;
	v2 =	vunpack.i.l.bf16.f32 v2  }
0x12a: {  	[tilespmem:s9+$0x5C40] =	vst.add.f32.msk $0xffff, v2  }
0x12b: {  	[tilespmem:s9+$0x5C50] =	vst.add.f32.msk $0xffff, v3  }
0x12c: {  	v2 =	vld [tilespmem:s3+$0xFFFFFFF0];
	_ =	sdelay $0x4  }
0x12d: {  	v3 =	vunpack.i.u.bf16.f32 v2;
	v2 =	vunpack.i.l.bf16.f32 v2  }
0x12e: {  	[tilespmem:s9+$0x5C60] =	vst.add.f32.msk $0xffff, v2  }
0x12f: {  	[tilespmem:s9+$0x5C70] =	vst.add.f32.msk $0xffff, v3  }
0x130: {  	v2 =	vld [tilespmem:s3+$0x0];
	_ =	sdelay $0x4  }
0x131: {  	v3 =	vunpack.i.u.bf16.f32 v2;
	v2 =	vunpack.i.l.bf16.f32 v2  }
0x132: {  	[tilespmem:s9+$0x5C80] =	vst.add.f32.msk $0xffff, v2  }
0x133: {  	[tilespmem:s9+$0x5C90] =	vst.add.f32.msk $0xffff, v3  }
0x134: {  	v2 =	vld [tilespmem:s3+$0x10];
	_ =	sdelay $0x4  }
0x135: {  	v3 =	vunpack.i.u.bf16.f32 v2;
	v2 =	vunpack.i.l.bf16.f32 v2  }
0x136: {  	[tilespmem:s9+$0x5CA0] =	vst.add.f32.msk $0xffff, v2  }
0x137: {  	[tilespmem:s9+$0x5CB0] =	vst.add.f32.msk $0xffff, v3  }
0x138: {  	v3 =	vld [tilespmem:s3+$0x20];
	_ =	sdelay $0x1  }
.Ltmp2:
0x139: {  	(pc) =	sbr.rel @p0 .LBB2_8-.Ltmp2, $3  }
0x13a: {  	_ =	sdelay $0x1  }
0x13b: {  	v2 =	vunpack.i.u.bf16.f32 v3;
	v3 =	vunpack.i.l.bf16.f32 v3  }
0x13c: {  	[tilespmem:s9+$0x5CC0] =	vst.add.f32.msk $0xffff, v3  }
0x13d: {  	[tilespmem:s9+$0x5CD0] =	vst.add.f32.msk $0xffff, v2  }
0x13e: {  	v2 =	vld [tilespmem:s28+$0x30];
	_ =	sdelay $0x3  }
0x13f: {  	s1 =	smul.u32 $0x700, s0  }
0x140: {  	v3 =	vunpack.i.l.bf16.f32 v2  }
0x141: {  	s3 =	sshra.s32 s1, $0x2;
	v2 =	vunpack.i.u.bf16.f32 v2;
	[tilespmem:s9+$0x5CE0] =	vst.add.f32.msk $0xffff, v3  }
0x142: {  	s1 =	sadd.s32 $0x1440, s3;
	[tilespmem:s9+$0x5CF0] =	vst.add.f32.msk $0xffff, v2  }
0x143: {  	[tilespmem:s13], [sflag:$0x1] =	stream.indirect.gather [hbm4b:s5+s11], $0x20, s1, s11, $0xb8;
	[tilespmem:$0x9500] =	vst v63  }
0x144: {  	_ =	swait.ge [sflag:s21], $0xE00  }
0x145: {  	[sflag:s21] =	ssyncset.done $0x0  }
0x146: {  	s9 =	simm.s32 $0x3270;
	[sflag:s21] =	ssyncadd.s32 $0xFFFFF200  }
0x147: {  	v2 =	vld [tilespmem:s9+$0xFFFFFF90];
	_ =	sdelay $0x4  }
0x148: {  	s26 =	simm.s32 $0x0;
	v3 =	vunpack.i.l.bf16.f32 v2  }
0x149: {  	v2 =	vunpack.i.u.bf16.f32 v2;
	[tilespmem:s26+$0x7800] =	vst.add.f32.msk $0xffff, v3  }
0x14a: {  	[tilespmem:s26+$0x7810] =	vst.add.f32.msk $0xffff, v2  }
0x14b: {  	v2 =	vld [tilespmem:s9+$0xFFFFFFA0];
	_ =	sdelay $0x4  }
0x14c: {  	v3 =	vunpack.i.l.bf16.f32 v2  }
0x14d: {  	v2 =	vunpack.i.u.bf16.f32 v2;
	[tilespmem:s26+$0x7820] =	vst.add.f32.msk $0xffff, v3  }
0x14e: {  	[tilespmem:s26+$0x7830] =	vst.add.f32.msk $0xffff, v2  }
0x14f: {  	v2 =	vld [tilespmem:s9+$0xFFFFFFB0];
	_ =	sdelay $0x4  }
0x150: {  	v3 =	vunpack.i.l.bf16.f32 v2  }
0x151: {  	v2 =	vunpack.i.u.bf16.f32 v2;
	[tilespmem:s26+$0x7840] =	vst.add.f32.msk $0xffff, v3  }
0x152: {  	[tilespmem:s26+$0x7850] =	vst.add.f32.msk $0xffff, v2  }
0x153: {  	v2 =	vld [tilespmem:s9+$0xFFFFFFC0];
	_ =	sdelay $0x4  }
0x154: {  	v3 =	vunpack.i.l.bf16.f32 v2  }
0x155: {  	v2 =	vunpack.i.u.bf16.f32 v2;
	[tilespmem:s26+$0x7860] =	vst.add.f32.msk $0xffff, v3  }
0x156: {  	[tilespmem:s26+$0x7870] =	vst.add.f32.msk $0xffff, v2  }
0x157: {  	v2 =	vld [tilespmem:s9+$0xFFFFFFD0];
	_ =	sdelay $0x4  }
0x158: {  	v3 =	vunpack.i.l.bf16.f32 v2  }
0x159: {  	v2 =	vunpack.i.u.bf16.f32 v2;
	[tilespmem:s26+$0x7880] =	vst.add.f32.msk $0xffff, v3  }
0x15a: {  	[tilespmem:s26+$0x7890] =	vst.add.f32.msk $0xffff, v2  }
0x15b: {  	v2 =	vld [tilespmem:s9+$0xFFFFFFE0];
	_ =	sdelay $0x4  }
0x15c: {  	v3 =	vunpack.i.l.bf16.f32 v2  }
0x15d: {  	v2 =	vunpack.i.u.bf16.f32 v2;
	[tilespmem:s26+$0x78A0] =	vst.add.f32.msk $0xffff, v3  }
0x15e: {  	[tilespmem:s26+$0x78B0] =	vst.add.f32.msk $0xffff, v2  }
0x15f: {  	v2 =	vld [tilespmem:s9+$0xFFFFFFF0];
	_ =	sdelay $0x4  }
0x160: {  	v3 =	vunpack.i.l.bf16.f32 v2  }
0x161: {  	s28 =	simm.s32 $0x400;
	s1 =	simm.s32 $0x3270;
	v2 =	vunpack.i.u.bf16.f32 v2;
	[tilespmem:s26+$0x78C0] =	vst.add.f32.msk $0xffff, v3  }
.LBB2_10:
0x162: {  	p0 =	sne.s32 s28, $0x6C00  }
0x163: {  	[tilespmem:s26+$0x78D0] =	vst.add.f32.msk $0xffff, v2;
	s9 =	sadd.s32 $0x80, s9;
	s12 =	smov.u32 s28;
	s28 =	sadd.s32 $0x400, s28  }
0x164: {  	v2 =	vld [tilespmem:s1+$0x0];
	s1 =	smov.u32 s9;
	_ =	sdelay $0x4  }
0x165: {  	v3 =	vunpack.i.u.bf16.f32 v2;
	v2 =	vunpack.i.l.bf16.f32 v2  }
0x166: {  	[tilespmem:s26+$0x78E0] =	vst.add.f32.msk $0xffff, v2  }
0x167: {  	[tilespmem:s26+$0x78F0] =	vst.add.f32.msk $0xffff, v3  }
0x168: {  	v2 =	vld [tilespmem:s9+$0xFFFFFF90];
	_ =	sdelay $0x4  }
0x169: {  	s26 =	sshra.s32 s12, $0x2;
	v3 =	vunpack.i.u.bf16.f32 v2;
	v2 =	vunpack.i.l.bf16.f32 v2  }
0x16a: {  	[tilespmem:s26+$0x7800] =	vst.add.f32.msk $0xffff, v2  }
0x16b: {  	[tilespmem:s26+$0x7810] =	vst.add.f32.msk $0xffff, v3  }
0x16c: {  	v2 =	vld [tilespmem:s9+$0xFFFFFFA0];
	_ =	sdelay $0x4  }
0x16d: {  	v3 =	vunpack.i.u.bf16.f32 v2;
	v2 =	vunpack.i.l.bf16.f32 v2  }
0x16e: {  	[tilespmem:s26+$0x7820] =	vst.add.f32.msk $0xffff, v2  }
0x16f: {  	[tilespmem:s26+$0x7830] =	vst.add.f32.msk $0xffff, v3  }
0x170: {  	v2 =	vld [tilespmem:s9+$0xFFFFFFB0];
	_ =	sdelay $0x4  }
0x171: {  	v3 =	vunpack.i.u.bf16.f32 v2;
	v2 =	vunpack.i.l.bf16.f32 v2  }
0x172: {  	[tilespmem:s26+$0x7840] =	vst.add.f32.msk $0xffff, v2  }
0x173: {  	[tilespmem:s26+$0x7850] =	vst.add.f32.msk $0xffff, v3  }
0x174: {  	v2 =	vld [tilespmem:s9+$0xFFFFFFC0];
	_ =	sdelay $0x4  }
0x175: {  	v3 =	vunpack.i.u.bf16.f32 v2;
	v2 =	vunpack.i.l.bf16.f32 v2  }
0x176: {  	[tilespmem:s26+$0x7860] =	vst.add.f32.msk $0xffff, v2  }
0x177: {  	[tilespmem:s26+$0x7870] =	vst.add.f32.msk $0xffff, v3  }
0x178: {  	v2 =	vld [tilespmem:s9+$0xFFFFFFD0];
	_ =	sdelay $0x4  }
0x179: {  	v3 =	vunpack.i.u.bf16.f32 v2;
	v2 =	vunpack.i.l.bf16.f32 v2  }
0x17a: {  	[tilespmem:s26+$0x7880] =	vst.add.f32.msk $0xffff, v2  }
0x17b: {  	[tilespmem:s26+$0x7890] =	vst.add.f32.msk $0xffff, v3  }
0x17c: {  	v2 =	vld [tilespmem:s9+$0xFFFFFFE0];
	_ =	sdelay $0x4  }
0x17d: {  	v3 =	vunpack.i.u.bf16.f32 v2;
	v2 =	vunpack.i.l.bf16.f32 v2  }
0x17e: {  	[tilespmem:s26+$0x78A0] =	vst.add.f32.msk $0xffff, v2  }
0x17f: {  	[tilespmem:s26+$0x78B0] =	vst.add.f32.msk $0xffff, v3  }
0x180: {  	v3 =	vld [tilespmem:s9+$0xFFFFFFF0];
	_ =	sdelay $0x1  }
.Ltmp3:
0x181: {  	(pc) =	sbr.rel @p0 .LBB2_10-.Ltmp3, $3  }
0x182: {  	_ =	sdelay $0x1  }
0x183: {  	v2 =	vunpack.i.u.bf16.f32 v3;
	v3 =	vunpack.i.l.bf16.f32 v3  }
0x184: {  	[tilespmem:s26+$0x78C0] =	vst.add.f32.msk $0xffff, v3  }
0x185: {  	[tilespmem:s26+$0x78D0] =	vst.add.f32.msk $0xffff, v2  }
0x186: {  	v2 =	vld [tilespmem:s1+$0x0];
	_ =	sdelay $0x4  }
0x187: {  	v3 =	vunpack.i.l.bf16.f32 v2  }
0x188: {  	v2 =	vunpack.i.u.bf16.f32 v2;
	[tilespmem:s26+$0x78E0] =	vst.add.f32.msk $0xffff, v3  }
0x189: {  	[tilespmem:s26+$0x78F0] =	vst.add.f32.msk $0xffff, v2;
	s26 =	sadd.s32 $0x14B0, s3  }
0x18a: {  	[tilespmem:s15], [sflag:$0x2] =	stream.indirect.gather [hbm4b:s5+s11], $0x20, s26, s11, $0xb8;
	[tilespmem:$0x9500] =	vst v63  }
0x18b: {  	_ =	swait.ge [sflag:s22], $0xE00  }
0x18c: {  	[sflag:s22] =	ssyncset.done $0x0  }
0x18d: {  	s9 =	simm.s32 $0x4070;
	[sflag:s22] =	ssyncadd.s32 $0xFFFFF200  }
0x18e: {  	v2 =	vld [tilespmem:s9+$0xFFFFFF90];
	_ =	sdelay $0x4  }
0x18f: {  	s26 =	simm.s32 $0x0;
	v3 =	vunpack.i.l.bf16.f32 v2  }
0x190: {  	v2 =	vunpack.i.u.bf16.f32 v2;
	[tilespmem:s26+$0x5C00] =	vst.add.f32.msk $0xffff, v3  }
0x191: {  	[tilespmem:s26+$0x5C10] =	vst.add.f32.msk $0xffff, v2  }
0x192: {  	v2 =	vld [tilespmem:s9+$0xFFFFFFA0];
	_ =	sdelay $0x4  }
0x193: {  	v3 =	vunpack.i.l.bf16.f32 v2  }
0x194: {  	v2 =	vunpack.i.u.bf16.f32 v2;
	[tilespmem:s26+$0x5C20] =	vst.add.f32.msk $0xffff, v3  }
0x195: {  	[tilespmem:s26+$0x5C30] =	vst.add.f32.msk $0xffff, v2  }
0x196: {  	v2 =	vld [tilespmem:s9+$0xFFFFFFB0];
	_ =	sdelay $0x4  }
0x197: {  	v3 =	vunpack.i.l.bf16.f32 v2  }
0x198: {  	v2 =	vunpack.i.u.bf16.f32 v2;
	[tilespmem:s26+$0x5C40] =	vst.add.f32.msk $0xffff, v3  }
0x199: {  	[tilespmem:s26+$0x5C50] =	vst.add.f32.msk $0xffff, v2  }
0x19a: {  	v2 =	vld [tilespmem:s9+$0xFFFFFFC0];
	_ =	sdelay $0x4  }
0x19b: {  	v3 =	vunpack.i.l.bf16.f32 v2  }
0x19c: {  	v2 =	vunpack.i.u.bf16.f32 v2;
	[tilespmem:s26+$0x5C60] =	vst.add.f32.msk $0xffff, v3  }
0x19d: {  	[tilespmem:s26+$0x5C70] =	vst.add.f32.msk $0xffff, v2  }
0x19e: {  	v2 =	vld [tilespmem:s9+$0xFFFFFFD0];
	_ =	sdelay $0x4  }
0x19f: {  	v3 =	vunpack.i.l.bf16.f32 v2  }
0x1a0: {  	v2 =	vunpack.i.u.bf16.f32 v2;
	[tilespmem:s26+$0x5C80] =	vst.add.f32.msk $0xffff, v3  }
0x1a1: {  	[tilespmem:s26+$0x5C90] =	vst.add.f32.msk $0xffff, v2  }
0x1a2: {  	v2 =	vld [tilespmem:s9+$0xFFFFFFE0];
	_ =	sdelay $0x4  }
0x1a3: {  	v3 =	vunpack.i.l.bf16.f32 v2  }
0x1a4: {  	v2 =	vunpack.i.u.bf16.f32 v2;
	[tilespmem:s26+$0x5CA0] =	vst.add.f32.msk $0xffff, v3  }
0x1a5: {  	[tilespmem:s26+$0x5CB0] =	vst.add.f32.msk $0xffff, v2  }
0x1a6: {  	v2 =	vld [tilespmem:s9+$0xFFFFFFF0];
	_ =	sdelay $0x4  }
0x1a7: {  	v3 =	vunpack.i.l.bf16.f32 v2  }
0x1a8: {  	s28 =	simm.s32 $0x400;
	s1 =	simm.s32 $0x4070;
	v2 =	vunpack.i.u.bf16.f32 v2;
	[tilespmem:s26+$0x5CC0] =	vst.add.f32.msk $0xffff, v3  }
.LBB2_12:
0x1a9: {  	p0 =	sne.s32 s28, $0x6C00  }
0x1aa: {  	[tilespmem:s26+$0x5CD0] =	vst.add.f32.msk $0xffff, v2;
	s9 =	sadd.s32 $0x80, s9;
	s12 =	smov.u32 s28;
	s28 =	sadd.s32 $0x400, s28  }
0x1ab: {  	v2 =	vld [tilespmem:s1+$0x0];
	s1 =	smov.u32 s9;
	_ =	sdelay $0x4  }
0x1ac: {  	v3 =	vunpack.i.u.bf16.f32 v2;
	v2 =	vunpack.i.l.bf16.f32 v2  }
0x1ad: {  	[tilespmem:s26+$0x5CE0] =	vst.add.f32.msk $0xffff, v2  }
0x1ae: {  	[tilespmem:s26+$0x5CF0] =	vst.add.f32.msk $0xffff, v3  }
0x1af: {  	v2 =	vld [tilespmem:s9+$0xFFFFFF90];
	_ =	sdelay $0x4  }
0x1b0: {  	s26 =	sshra.s32 s12, $0x2;
	v3 =	vunpack.i.u.bf16.f32 v2;
	v2 =	vunpack.i.l.bf16.f32 v2  }
0x1b1: {  	[tilespmem:s26+$0x5C00] =	vst.add.f32.msk $0xffff, v2  }
0x1b2: {  	[tilespmem:s26+$0x5C10] =	vst.add.f32.msk $0xffff, v3  }
0x1b3: {  	v2 =	vld [tilespmem:s9+$0xFFFFFFA0];
	_ =	sdelay $0x4  }
0x1b4: {  	v3 =	vunpack.i.u.bf16.f32 v2;
	v2 =	vunpack.i.l.bf16.f32 v2  }
0x1b5: {  	[tilespmem:s26+$0x5C20] =	vst.add.f32.msk $0xffff, v2  }
0x1b6: {  	[tilespmem:s26+$0x5C30] =	vst.add.f32.msk $0xffff, v3  }
0x1b7: {  	v2 =	vld [tilespmem:s9+$0xFFFFFFB0];
	_ =	sdelay $0x4  }
0x1b8: {  	v3 =	vunpack.i.u.bf16.f32 v2;
	v2 =	vunpack.i.l.bf16.f32 v2  }
0x1b9: {  	[tilespmem:s26+$0x5C40] =	vst.add.f32.msk $0xffff, v2  }
0x1ba: {  	[tilespmem:s26+$0x5C50] =	vst.add.f32.msk $0xffff, v3  }
0x1bb: {  	v2 =	vld [tilespmem:s9+$0xFFFFFFC0];
	_ =	sdelay $0x4  }
0x1bc: {  	v3 =	vunpack.i.u.bf16.f32 v2;
	v2 =	vunpack.i.l.bf16.f32 v2  }
0x1bd: {  	[tilespmem:s26+$0x5C60] =	vst.add.f32.msk $0xffff, v2  }
0x1be: {  	[tilespmem:s26+$0x5C70] =	vst.add.f32.msk $0xffff, v3  }
0x1bf: {  	v2 =	vld [tilespmem:s9+$0xFFFFFFD0];
	_ =	sdelay $0x4  }
0x1c0: {  	v3 =	vunpack.i.u.bf16.f32 v2;
	v2 =	vunpack.i.l.bf16.f32 v2  }
0x1c1: {  	[tilespmem:s26+$0x5C80] =	vst.add.f32.msk $0xffff, v2  }
0x1c2: {  	[tilespmem:s26+$0x5C90] =	vst.add.f32.msk $0xffff, v3  }
0x1c3: {  	v2 =	vld [tilespmem:s9+$0xFFFFFFE0];
	_ =	sdelay $0x4  }
0x1c4: {  	v3 =	vunpack.i.u.bf16.f32 v2;
	v2 =	vunpack.i.l.bf16.f32 v2  }
0x1c5: {  	[tilespmem:s26+$0x5CA0] =	vst.add.f32.msk $0xffff, v2  }
0x1c6: {  	[tilespmem:s26+$0x5CB0] =	vst.add.f32.msk $0xffff, v3  }
0x1c7: {  	v3 =	vld [tilespmem:s9+$0xFFFFFFF0];
	_ =	sdelay $0x1  }
.Ltmp4:
0x1c8: {  	(pc) =	sbr.rel @p0 .LBB2_12-.Ltmp4, $3  }
0x1c9: {  	_ =	sdelay $0x1  }
0x1ca: {  	v2 =	vunpack.i.u.bf16.f32 v3;
	v3 =	vunpack.i.l.bf16.f32 v3  }
0x1cb: {  	[tilespmem:s26+$0x5CC0] =	vst.add.f32.msk $0xffff, v3  }
0x1cc: {  	[tilespmem:s26+$0x5CD0] =	vst.add.f32.msk $0xffff, v2  }
0x1cd: {  	v2 =	vld [tilespmem:s1+$0x0];
	_ =	sdelay $0x4  }
0x1ce: {  	v3 =	vunpack.i.l.bf16.f32 v2  }
0x1cf: {  	v2 =	vunpack.i.u.bf16.f32 v2;
	[tilespmem:s26+$0x5CE0] =	vst.add.f32.msk $0xffff, v3  }
0x1d0: {  	[tilespmem:s26+$0x5CF0] =	vst.add.f32.msk $0xffff, v2;
	s26 =	sadd.s32 $0x1520, s3  }
0x1d1: {  	[tilespmem:s17], [sflag:$0x3] =	stream.indirect.gather [hbm4b:s5+s11], $0x20, s26, s11, $0xb8;
	[tilespmem:$0x9500] =	vst v63  }
0x1d2: {  	_ =	swait.ge [sflag:s23], $0xE00  }
0x1d3: {  	[sflag:s23] =	ssyncset.done $0x0  }
0x1d4: {  	s9 =	simm.s32 $0x4E70;
	[sflag:s23] =	ssyncadd.s32 $0xFFFFF200  }
0x1d5: {  	v2 =	vld [tilespmem:s9+$0xFFFFFF90];
	_ =	sdelay $0x4  }
0x1d6: {  	s26 =	simm.s32 $0x0;
	v3 =	vunpack.i.l.bf16.f32 v2  }
0x1d7: {  	v2 =	vunpack.i.u.bf16.f32 v2;
	[tilespmem:s26+$0x7800] =	vst.add.f32.msk $0xffff, v3  }
0x1d8: {  	[tilespmem:s26+$0x7810] =	vst.add.f32.msk $0xffff, v2  }
0x1d9: {  	v2 =	vld [tilespmem:s9+$0xFFFFFFA0];
	_ =	sdelay $0x4  }
0x1da: {  	v3 =	vunpack.i.l.bf16.f32 v2  }
0x1db: {  	v2 =	vunpack.i.u.bf16.f32 v2;
	[tilespmem:s26+$0x7820] =	vst.add.f32.msk $0xffff, v3  }
0x1dc: {  	[tilespmem:s26+$0x7830] =	vst.add.f32.msk $0xffff, v2  }
0x1dd: {  	v2 =	vld [tilespmem:s9+$0xFFFFFFB0];
	_ =	sdelay $0x4  }
0x1de: {  	v3 =	vunpack.i.l.bf16.f32 v2  }
0x1df: {  	v2 =	vunpack.i.u.bf16.f32 v2;
	[tilespmem:s26+$0x7840] =	vst.add.f32.msk $0xffff, v3  }
0x1e0: {  	[tilespmem:s26+$0x7850] =	vst.add.f32.msk $0xffff, v2  }
0x1e1: {  	v2 =	vld [tilespmem:s9+$0xFFFFFFC0];
	_ =	sdelay $0x4  }
0x1e2: {  	v3 =	vunpack.i.l.bf16.f32 v2  }
0x1e3: {  	v2 =	vunpack.i.u.bf16.f32 v2;
	[tilespmem:s26+$0x7860] =	vst.add.f32.msk $0xffff, v3  }
0x1e4: {  	[tilespmem:s26+$0x7870] =	vst.add.f32.msk $0xffff, v2  }
0x1e5: {  	v2 =	vld [tilespmem:s9+$0xFFFFFFD0];
	_ =	sdelay $0x4  }
0x1e6: {  	v3 =	vunpack.i.l.bf16.f32 v2  }
0x1e7: {  	v2 =	vunpack.i.u.bf16.f32 v2;
	[tilespmem:s26+$0x7880] =	vst.add.f32.msk $0xffff, v3  }
0x1e8: {  	[tilespmem:s26+$0x7890] =	vst.add.f32.msk $0xffff, v2  }
0x1e9: {  	v2 =	vld [tilespmem:s9+$0xFFFFFFE0];
	_ =	sdelay $0x4  }
0x1ea: {  	v3 =	vunpack.i.l.bf16.f32 v2  }
0x1eb: {  	v2 =	vunpack.i.u.bf16.f32 v2;
	[tilespmem:s26+$0x78A0] =	vst.add.f32.msk $0xffff, v3  }
0x1ec: {  	[tilespmem:s26+$0x78B0] =	vst.add.f32.msk $0xffff, v2  }
0x1ed: {  	v2 =	vld [tilespmem:s9+$0xFFFFFFF0];
	_ =	sdelay $0x4  }
0x1ee: {  	v3 =	vunpack.i.l.bf16.f32 v2  }
0x1ef: {  	s28 =	simm.s32 $0x400;
	s1 =	simm.s32 $0x4E70;
	v2 =	vunpack.i.u.bf16.f32 v2;
	[tilespmem:s26+$0x78C0] =	vst.add.f32.msk $0xffff, v3  }
.LBB2_14:
0x1f0: {  	p0 =	sne.s32 s28, $0x6C00  }
0x1f1: {  	[tilespmem:s26+$0x78D0] =	vst.add.f32.msk $0xffff, v2;
	s9 =	sadd.s32 $0x80, s9;
	s12 =	smov.u32 s28;
	s28 =	sadd.s32 $0x400, s28  }
0x1f2: {  	v2 =	vld [tilespmem:s1+$0x0];
	s1 =	smov.u32 s9;
	_ =	sdelay $0x4  }
0x1f3: {  	v3 =	vunpack.i.u.bf16.f32 v2;
	v2 =	vunpack.i.l.bf16.f32 v2  }
0x1f4: {  	[tilespmem:s26+$0x78E0] =	vst.add.f32.msk $0xffff, v2  }
0x1f5: {  	[tilespmem:s26+$0x78F0] =	vst.add.f32.msk $0xffff, v3  }
0x1f6: {  	v2 =	vld [tilespmem:s9+$0xFFFFFF90];
	_ =	sdelay $0x4  }
0x1f7: {  	s26 =	sshra.s32 s12, $0x2;
	v3 =	vunpack.i.u.bf16.f32 v2;
	v2 =	vunpack.i.l.bf16.f32 v2  }
0x1f8: {  	[tilespmem:s26+$0x7800] =	vst.add.f32.msk $0xffff, v2  }
0x1f9: {  	[tilespmem:s26+$0x7810] =	vst.add.f32.msk $0xffff, v3  }
0x1fa: {  	v2 =	vld [tilespmem:s9+$0xFFFFFFA0];
	_ =	sdelay $0x4  }
0x1fb: {  	v3 =	vunpack.i.u.bf16.f32 v2;
	v2 =	vunpack.i.l.bf16.f32 v2  }
0x1fc: {  	[tilespmem:s26+$0x7820] =	vst.add.f32.msk $0xffff, v2  }
0x1fd: {  	[tilespmem:s26+$0x7830] =	vst.add.f32.msk $0xffff, v3  }
0x1fe: {  	v2 =	vld [tilespmem:s9+$0xFFFFFFB0];
	_ =	sdelay $0x4  }
0x1ff: {  	v3 =	vunpack.i.u.bf16.f32 v2;
	v2 =	vunpack.i.l.bf16.f32 v2  }
0x200: {  	[tilespmem:s26+$0x7840] =	vst.add.f32.msk $0xffff, v2  }
0x201: {  	[tilespmem:s26+$0x7850] =	vst.add.f32.msk $0xffff, v3  }
0x202: {  	v2 =	vld [tilespmem:s9+$0xFFFFFFC0];
	_ =	sdelay $0x4  }
0x203: {  	v3 =	vunpack.i.u.bf16.f32 v2;
	v2 =	vunpack.i.l.bf16.f32 v2  }
0x204: {  	[tilespmem:s26+$0x7860] =	vst.add.f32.msk $0xffff, v2  }
0x205: {  	[tilespmem:s26+$0x7870] =	vst.add.f32.msk $0xffff, v3  }
0x206: {  	v2 =	vld [tilespmem:s9+$0xFFFFFFD0];
	_ =	sdelay $0x4  }
0x207: {  	v3 =	vunpack.i.u.bf16.f32 v2;
	v2 =	vunpack.i.l.bf16.f32 v2  }
0x208: {  	[tilespmem:s26+$0x7880] =	vst.add.f32.msk $0xffff, v2  }
0x209: {  	[tilespmem:s26+$0x7890] =	vst.add.f32.msk $0xffff, v3  }
0x20a: {  	v2 =	vld [tilespmem:s9+$0xFFFFFFE0];
	_ =	sdelay $0x4  }
0x20b: {  	v3 =	vunpack.i.u.bf16.f32 v2;
	v2 =	vunpack.i.l.bf16.f32 v2  }
0x20c: {  	[tilespmem:s26+$0x78A0] =	vst.add.f32.msk $0xffff, v2  }
0x20d: {  	[tilespmem:s26+$0x78B0] =	vst.add.f32.msk $0xffff, v3  }
0x20e: {  	v3 =	vld [tilespmem:s9+$0xFFFFFFF0];
	_ =	sdelay $0x1  }
.Ltmp5:
0x20f: {  	(pc) =	sbr.rel @p0 .LBB2_14-.Ltmp5, $3  }
0x210: {  	_ =	sdelay $0x1  }
0x211: {  	v2 =	vunpack.i.u.bf16.f32 v3;
	v3 =	vunpack.i.l.bf16.f32 v3  }
0x212: {  	[tilespmem:s26+$0x78C0] =	vst.add.f32.msk $0xffff, v3  }
0x213: {  	[tilespmem:s26+$0x78D0] =	vst.add.f32.msk $0xffff, v2  }
0x214: {  	v2 =	vld [tilespmem:s1+$0x0];
	_ =	sdelay $0x1  }
0x215: {  	s0 =	sadd.s32 $0x1, s0  }
0x216: {  	p0 =	sne.s32 s0, $0x9  }
.Ltmp6:
0x217: {  	_ = 	snop;
	(pc) =	sbr.rel @p0 .LBB2_7-.Ltmp6, $4  }
0x218: {  	v3 =	vunpack.i.l.bf16.f32 v2  }
0x219: {  	v2 =	vunpack.i.u.bf16.f32 v2;
	[tilespmem:s26+$0x78E0] =	vst.add.f32.msk $0xffff, v3  }
0x21a: {  	s28 =	sadd.s32 $0x1590, s3;
	[tilespmem:s26+$0x78F0] =	vst.add.f32.msk $0xffff, v2  }
0x21b: {  	[tilespmem:s19], [sflag:$0x4] =	stream.indirect.gather [hbm4b:s5+s11], $0x20, s28, s11, $0xb8;
	[tilespmem:$0x9500] =	vst v63  }
0x21c: {  	_ =	swait.ge [sflag:s20], $0xE00  }
0x21d: {  	[sflag:s20] =	ssyncset.done $0x0  }
0x21e: {  	s0 =	simm.s32 $0x2440;
	[sflag:s20] =	ssyncadd.s32 $0xFFFFF200  }
0x21f: {  	v2 =	vld [tilespmem:s0+$0xFFFFFFC0];
	_ =	sdelay $0x4  }
0x220: {  	s3 =	simm.s32 $0x0;
	v3 =	vunpack.i.l.bf16.f32 v2  }
0x221: {  	v2 =	vunpack.i.u.bf16.f32 v2;
	[tilespmem:s3+$0x5C00] =	vst.add.f32.msk $0xffff, v3  }
0x222: {  	[tilespmem:s3+$0x5C10] =	vst.add.f32.msk $0xffff, v2  }
0x223: {  	v2 =	vld [tilespmem:s0+$0xFFFFFFD0];
	_ =	sdelay $0x4  }
0x224: {  	v3 =	vunpack.i.l.bf16.f32 v2  }
0x225: {  	v2 =	vunpack.i.u.bf16.f32 v2;
	[tilespmem:s3+$0x5C20] =	vst.add.f32.msk $0xffff, v3  }
0x226: {  	[tilespmem:s3+$0x5C30] =	vst.add.f32.msk $0xffff, v2  }
0x227: {  	v2 =	vld [tilespmem:s0+$0xFFFFFFE0];
	_ =	sdelay $0x4  }
0x228: {  	v3 =	vunpack.i.l.bf16.f32 v2  }
0x229: {  	v2 =	vunpack.i.u.bf16.f32 v2;
	[tilespmem:s3+$0x5C40] =	vst.add.f32.msk $0xffff, v3  }
0x22a: {  	[tilespmem:s3+$0x5C50] =	vst.add.f32.msk $0xffff, v2  }
0x22b: {  	v2 =	vld [tilespmem:s0+$0xFFFFFFF0];
	_ =	sdelay $0x4  }
0x22c: {  	v3 =	vunpack.i.l.bf16.f32 v2  }
0x22d: {  	v2 =	vunpack.i.u.bf16.f32 v2;
	[tilespmem:s3+$0x5C60] =	vst.add.f32.msk $0xffff, v3  }
0x22e: {  	[tilespmem:s3+$0x5C70] =	vst.add.f32.msk $0xffff, v2  }
0x22f: {  	v2 =	vld [tilespmem:s0+$0x0];
	_ =	sdelay $0x4  }
0x230: {  	v3 =	vunpack.i.l.bf16.f32 v2  }
0x231: {  	v2 =	vunpack.i.u.bf16.f32 v2;
	[tilespmem:s3+$0x5C80] =	vst.add.f32.msk $0xffff, v3  }
0x232: {  	[tilespmem:s3+$0x5C90] =	vst.add.f32.msk $0xffff, v2  }
0x233: {  	v2 =	vld [tilespmem:s0+$0x10];
	_ =	sdelay $0x4  }
0x234: {  	v3 =	vunpack.i.l.bf16.f32 v2  }
0x235: {  	v2 =	vunpack.i.u.bf16.f32 v2;
	[tilespmem:s3+$0x5CA0] =	vst.add.f32.msk $0xffff, v3  }
0x236: {  	[tilespmem:s3+$0x5CB0] =	vst.add.f32.msk $0xffff, v2  }
0x237: {  	v2 =	vld [tilespmem:s0+$0x20];
	_ =	sdelay $0x4  }
0x238: {  	v3 =	vunpack.i.l.bf16.f32 v2  }
0x239: {  	s9 =	simm.s32 $0x400;
	s1 =	simm.s32 $0x2440;
	v2 =	vunpack.i.u.bf16.f32 v2;
	[tilespmem:s3+$0x5CC0] =	vst.add.f32.msk $0xffff, v3  }
.LBB2_17:
0x23a: {  	p0 =	sne.s32 s9, $0x6C00  }
0x23b: {  	[tilespmem:s3+$0x5CD0] =	vst.add.f32.msk $0xffff, v2;
	s0 =	sadd.s32 $0x80, s0;
	s12 =	smov.u32 s9;
	s9 =	sadd.s32 $0x400, s9  }
0x23c: {  	v2 =	vld [tilespmem:s1+$0x30];
	s1 =	smov.u32 s0;
	_ =	sdelay $0x4  }
0x23d: {  	v3 =	vunpack.i.u.bf16.f32 v2;
	v2 =	vunpack.i.l.bf16.f32 v2  }
0x23e: {  	[tilespmem:s3+$0x5CE0] =	vst.add.f32.msk $0xffff, v2  }
0x23f: {  	[tilespmem:s3+$0x5CF0] =	vst.add.f32.msk $0xffff, v3  }
0x240: {  	v2 =	vld [tilespmem:s0+$0xFFFFFFC0];
	_ =	sdelay $0x4  }
0x241: {  	s3 =	sshra.s32 s12, $0x2;
	v3 =	vunpack.i.u.bf16.f32 v2;
	v2 =	vunpack.i.l.bf16.f32 v2  }
0x242: {  	[tilespmem:s3+$0x5C00] =	vst.add.f32.msk $0xffff, v2  }
0x243: {  	[tilespmem:s3+$0x5C10] =	vst.add.f32.msk $0xffff, v3  }
0x244: {  	v2 =	vld [tilespmem:s0+$0xFFFFFFD0];
	_ =	sdelay $0x4  }
0x245: {  	v3 =	vunpack.i.u.bf16.f32 v2;
	v2 =	vunpack.i.l.bf16.f32 v2  }
0x246: {  	[tilespmem:s3+$0x5C20] =	vst.add.f32.msk $0xffff, v2  }
0x247: {  	[tilespmem:s3+$0x5C30] =	vst.add.f32.msk $0xffff, v3  }
0x248: {  	v2 =	vld [tilespmem:s0+$0xFFFFFFE0];
	_ =	sdelay $0x4  }
0x249: {  	v3 =	vunpack.i.u.bf16.f32 v2;
	v2 =	vunpack.i.l.bf16.f32 v2  }
0x24a: {  	[tilespmem:s3+$0x5C40] =	vst.add.f32.msk $0xffff, v2  }
0x24b: {  	[tilespmem:s3+$0x5C50] =	vst.add.f32.msk $0xffff, v3  }
0x24c: {  	v2 =	vld [tilespmem:s0+$0xFFFFFFF0];
	_ =	sdelay $0x4  }
0x24d: {  	v3 =	vunpack.i.u.bf16.f32 v2;
	v2 =	vunpack.i.l.bf16.f32 v2  }
0x24e: {  	[tilespmem:s3+$0x5C60] =	vst.add.f32.msk $0xffff, v2  }
0x24f: {  	[tilespmem:s3+$0x5C70] =	vst.add.f32.msk $0xffff, v3  }
0x250: {  	v2 =	vld [tilespmem:s0+$0x0];
	_ =	sdelay $0x4  }
0x251: {  	v3 =	vunpack.i.u.bf16.f32 v2;
	v2 =	vunpack.i.l.bf16.f32 v2  }
0x252: {  	[tilespmem:s3+$0x5C80] =	vst.add.f32.msk $0xffff, v2  }
0x253: {  	[tilespmem:s3+$0x5C90] =	vst.add.f32.msk $0xffff, v3  }
0x254: {  	v2 =	vld [tilespmem:s0+$0x10];
	_ =	sdelay $0x4  }
0x255: {  	v3 =	vunpack.i.u.bf16.f32 v2;
	v2 =	vunpack.i.l.bf16.f32 v2  }
0x256: {  	[tilespmem:s3+$0x5CA0] =	vst.add.f32.msk $0xffff, v2  }
0x257: {  	[tilespmem:s3+$0x5CB0] =	vst.add.f32.msk $0xffff, v3  }
0x258: {  	v3 =	vld [tilespmem:s0+$0x20];
	_ =	sdelay $0x1  }
.Ltmp7:
0x259: {  	(pc) =	sbr.rel @p0 .LBB2_17-.Ltmp7, $3  }
0x25a: {  	_ =	sdelay $0x1  }
0x25b: {  	v2 =	vunpack.i.u.bf16.f32 v3;
	v3 =	vunpack.i.l.bf16.f32 v3  }
0x25c: {  	[tilespmem:s3+$0x5CC0] =	vst.add.f32.msk $0xffff, v3  }
0x25d: {  	[tilespmem:s3+$0x5CD0] =	vst.add.f32.msk $0xffff, v2  }
0x25e: {  	v2 =	vld [tilespmem:s1+$0x30];
	_ =	sdelay $0x4  }
0x25f: {  	v3 =	vunpack.i.l.bf16.f32 v2  }
0x260: {  	v2 =	vunpack.i.u.bf16.f32 v2;
	[tilespmem:s3+$0x5CE0] =	vst.add.f32.msk $0xffff, v3  }
0x261: {  	[tilespmem:s3+$0x5CF0] =	vst.add.f32.msk $0xffff, v2  }
0x262: {  	_ =	swait.ge [sflag:s21], $0xE00  }
0x263: {  	[sflag:s21] =	ssyncset.done $0x0  }
0x264: {  	s0 =	simm.s32 $0x3270;
	[sflag:s21] =	ssyncadd.s32 $0xFFFFF200  }
0x265: {  	v2 =	vld [tilespmem:s0+$0xFFFFFF90];
	_ =	sdelay $0x4  }
0x266: {  	s3 =	simm.s32 $0x0;
	v3 =	vunpack.i.l.bf16.f32 v2  }
0x267: {  	v2 =	vunpack.i.u.bf16.f32 v2;
	[tilespmem:s3+$0x7800] =	vst.add.f32.msk $0xffff, v3  }
0x268: {  	[tilespmem:s3+$0x7810] =	vst.add.f32.msk $0xffff, v2  }
0x269: {  	v2 =	vld [tilespmem:s0+$0xFFFFFFA0];
	_ =	sdelay $0x4  }
0x26a: {  	v3 =	vunpack.i.l.bf16.f32 v2  }
0x26b: {  	v2 =	vunpack.i.u.bf16.f32 v2;
	[tilespmem:s3+$0x7820] =	vst.add.f32.msk $0xffff, v3  }
0x26c: {  	[tilespmem:s3+$0x7830] =	vst.add.f32.msk $0xffff, v2  }
0x26d: {  	v2 =	vld [tilespmem:s0+$0xFFFFFFB0];
	_ =	sdelay $0x4  }
0x26e: {  	v3 =	vunpack.i.l.bf16.f32 v2  }
0x26f: {  	v2 =	vunpack.i.u.bf16.f32 v2;
	[tilespmem:s3+$0x7840] =	vst.add.f32.msk $0xffff, v3  }
0x270: {  	[tilespmem:s3+$0x7850] =	vst.add.f32.msk $0xffff, v2  }
0x271: {  	v2 =	vld [tilespmem:s0+$0xFFFFFFC0];
	_ =	sdelay $0x4  }
0x272: {  	v3 =	vunpack.i.l.bf16.f32 v2  }
0x273: {  	v2 =	vunpack.i.u.bf16.f32 v2;
	[tilespmem:s3+$0x7860] =	vst.add.f32.msk $0xffff, v3  }
0x274: {  	[tilespmem:s3+$0x7870] =	vst.add.f32.msk $0xffff, v2  }
0x275: {  	v2 =	vld [tilespmem:s0+$0xFFFFFFD0];
	_ =	sdelay $0x4  }
0x276: {  	v3 =	vunpack.i.l.bf16.f32 v2  }
0x277: {  	v2 =	vunpack.i.u.bf16.f32 v2;
	[tilespmem:s3+$0x7880] =	vst.add.f32.msk $0xffff, v3  }
0x278: {  	[tilespmem:s3+$0x7890] =	vst.add.f32.msk $0xffff, v2  }
0x279: {  	v2 =	vld [tilespmem:s0+$0xFFFFFFE0];
	_ =	sdelay $0x4  }
0x27a: {  	v3 =	vunpack.i.l.bf16.f32 v2  }
0x27b: {  	v2 =	vunpack.i.u.bf16.f32 v2;
	[tilespmem:s3+$0x78A0] =	vst.add.f32.msk $0xffff, v3  }
0x27c: {  	[tilespmem:s3+$0x78B0] =	vst.add.f32.msk $0xffff, v2  }
0x27d: {  	v2 =	vld [tilespmem:s0+$0xFFFFFFF0];
	_ =	sdelay $0x4  }
0x27e: {  	v3 =	vunpack.i.l.bf16.f32 v2  }
0x27f: {  	s9 =	simm.s32 $0x400;
	s1 =	simm.s32 $0x3270;
	v2 =	vunpack.i.u.bf16.f32 v2;
	[tilespmem:s3+$0x78C0] =	vst.add.f32.msk $0xffff, v3  }
.LBB2_19:
0x280: {  	p0 =	sne.s32 s9, $0x6C00  }
0x281: {  	[tilespmem:s3+$0x78D0] =	vst.add.f32.msk $0xffff, v2;
	s0 =	sadd.s32 $0x80, s0;
	s12 =	smov.u32 s9;
	s9 =	sadd.s32 $0x400, s9  }
0x282: {  	v2 =	vld [tilespmem:s1+$0x0];
	s1 =	smov.u32 s0;
	_ =	sdelay $0x4  }
0x283: {  	v3 =	vunpack.i.u.bf16.f32 v2;
	v2 =	vunpack.i.l.bf16.f32 v2  }
0x284: {  	[tilespmem:s3+$0x78E0] =	vst.add.f32.msk $0xffff, v2  }
0x285: {  	[tilespmem:s3+$0x78F0] =	vst.add.f32.msk $0xffff, v3  }
0x286: {  	v2 =	vld [tilespmem:s0+$0xFFFFFF90];
	_ =	sdelay $0x4  }
0x287: {  	s3 =	sshra.s32 s12, $0x2;
	v3 =	vunpack.i.u.bf16.f32 v2;
	v2 =	vunpack.i.l.bf16.f32 v2  }
0x288: {  	[tilespmem:s3+$0x7800] =	vst.add.f32.msk $0xffff, v2  }
0x289: {  	[tilespmem:s3+$0x7810] =	vst.add.f32.msk $0xffff, v3  }
0x28a: {  	v2 =	vld [tilespmem:s0+$0xFFFFFFA0];
	_ =	sdelay $0x4  }
0x28b: {  	v3 =	vunpack.i.u.bf16.f32 v2;
	v2 =	vunpack.i.l.bf16.f32 v2  }
0x28c: {  	[tilespmem:s3+$0x7820] =	vst.add.f32.msk $0xffff, v2  }
0x28d: {  	[tilespmem:s3+$0x7830] =	vst.add.f32.msk $0xffff, v3  }
0x28e: {  	v2 =	vld [tilespmem:s0+$0xFFFFFFB0];
	_ =	sdelay $0x4  }
0x28f: {  	v3 =	vunpack.i.u.bf16.f32 v2;
	v2 =	vunpack.i.l.bf16.f32 v2  }
0x290: {  	[tilespmem:s3+$0x7840] =	vst.add.f32.msk $0xffff, v2  }
0x291: {  	[tilespmem:s3+$0x7850] =	vst.add.f32.msk $0xffff, v3  }
0x292: {  	v2 =	vld [tilespmem:s0+$0xFFFFFFC0];
	_ =	sdelay $0x4  }
0x293: {  	v3 =	vunpack.i.u.bf16.f32 v2;
	v2 =	vunpack.i.l.bf16.f32 v2  }
0x294: {  	[tilespmem:s3+$0x7860] =	vst.add.f32.msk $0xffff, v2  }
0x295: {  	[tilespmem:s3+$0x7870] =	vst.add.f32.msk $0xffff, v3  }
0x296: {  	v2 =	vld [tilespmem:s0+$0xFFFFFFD0];
	_ =	sdelay $0x4  }
0x297: {  	v3 =	vunpack.i.u.bf16.f32 v2;
	v2 =	vunpack.i.l.bf16.f32 v2  }
0x298: {  	[tilespmem:s3+$0x7880] =	vst.add.f32.msk $0xffff, v2  }
0x299: {  	[tilespmem:s3+$0x7890] =	vst.add.f32.msk $0xffff, v3  }
0x29a: {  	v2 =	vld [tilespmem:s0+$0xFFFFFFE0];
	_ =	sdelay $0x4  }
0x29b: {  	v3 =	vunpack.i.u.bf16.f32 v2;
	v2 =	vunpack.i.l.bf16.f32 v2  }
0x29c: {  	[tilespmem:s3+$0x78A0] =	vst.add.f32.msk $0xffff, v2  }
0x29d: {  	[tilespmem:s3+$0x78B0] =	vst.add.f32.msk $0xffff, v3  }
0x29e: {  	v3 =	vld [tilespmem:s0+$0xFFFFFFF0];
	_ =	sdelay $0x1  }
.Ltmp8:
0x29f: {  	(pc) =	sbr.rel @p0 .LBB2_19-.Ltmp8, $3  }
0x2a0: {  	_ =	sdelay $0x1  }
0x2a1: {  	v2 =	vunpack.i.u.bf16.f32 v3;
	v3 =	vunpack.i.l.bf16.f32 v3  }
0x2a2: {  	[tilespmem:s3+$0x78C0] =	vst.add.f32.msk $0xffff, v3  }
0x2a3: {  	[tilespmem:s3+$0x78D0] =	vst.add.f32.msk $0xffff, v2  }
0x2a4: {  	v2 =	vld [tilespmem:s1+$0x0];
	_ =	sdelay $0x4  }
0x2a5: {  	v3 =	vunpack.i.l.bf16.f32 v2  }
0x2a6: {  	v2 =	vunpack.i.u.bf16.f32 v2;
	[tilespmem:s3+$0x78E0] =	vst.add.f32.msk $0xffff, v3  }
0x2a7: {  	[tilespmem:s3+$0x78F0] =	vst.add.f32.msk $0xffff, v2  }
0x2a8: {  	_ =	swait.ge [sflag:s22], $0xE00  }
0x2a9: {  	[sflag:s22] =	ssyncset.done $0x0  }
0x2aa: {  	s0 =	simm.s32 $0x4070;
	[sflag:s22] =	ssyncadd.s32 $0xFFFFF200  }
0x2ab: {  	v2 =	vld [tilespmem:s0+$0xFFFFFF90];
	_ =	sdelay $0x4  }
0x2ac: {  	s3 =	simm.s32 $0x0;
	v3 =	vunpack.i.l.bf16.f32 v2  }
0x2ad: {  	v2 =	vunpack.i.u.bf16.f32 v2;
	[tilespmem:s3+$0x5C00] =	vst.add.f32.msk $0xffff, v3  }
0x2ae: {  	[tilespmem:s3+$0x5C10] =	vst.add.f32.msk $0xffff, v2  }
0x2af: {  	v2 =	vld [tilespmem:s0+$0xFFFFFFA0];
	_ =	sdelay $0x4  }
0x2b0: {  	v3 =	vunpack.i.l.bf16.f32 v2  }
0x2b1: {  	v2 =	vunpack.i.u.bf16.f32 v2;
	[tilespmem:s3+$0x5C20] =	vst.add.f32.msk $0xffff, v3  }
0x2b2: {  	[tilespmem:s3+$0x5C30] =	vst.add.f32.msk $0xffff, v2  }
0x2b3: {  	v2 =	vld [tilespmem:s0+$0xFFFFFFB0];
	_ =	sdelay $0x4  }
0x2b4: {  	v3 =	vunpack.i.l.bf16.f32 v2  }
0x2b5: {  	v2 =	vunpack.i.u.bf16.f32 v2;
	[tilespmem:s3+$0x5C40] =	vst.add.f32.msk $0xffff, v3  }
0x2b6: {  	[tilespmem:s3+$0x5C50] =	vst.add.f32.msk $0xffff, v2  }
0x2b7: {  	v2 =	vld [tilespmem:s0+$0xFFFFFFC0];
	_ =	sdelay $0x4  }
0x2b8: {  	v3 =	vunpack.i.l.bf16.f32 v2  }
0x2b9: {  	v2 =	vunpack.i.u.bf16.f32 v2;
	[tilespmem:s3+$0x5C60] =	vst.add.f32.msk $0xffff, v3  }
0x2ba: {  	[tilespmem:s3+$0x5C70] =	vst.add.f32.msk $0xffff, v2  }
0x2bb: {  	v2 =	vld [tilespmem:s0+$0xFFFFFFD0];
	_ =	sdelay $0x4  }
0x2bc: {  	v3 =	vunpack.i.l.bf16.f32 v2  }
0x2bd: {  	v2 =	vunpack.i.u.bf16.f32 v2;
	[tilespmem:s3+$0x5C80] =	vst.add.f32.msk $0xffff, v3  }
0x2be: {  	[tilespmem:s3+$0x5C90] =	vst.add.f32.msk $0xffff, v2  }
0x2bf: {  	v2 =	vld [tilespmem:s0+$0xFFFFFFE0];
	_ =	sdelay $0x4  }
0x2c0: {  	v3 =	vunpack.i.l.bf16.f32 v2  }
0x2c1: {  	v2 =	vunpack.i.u.bf16.f32 v2;
	[tilespmem:s3+$0x5CA0] =	vst.add.f32.msk $0xffff, v3  }
0x2c2: {  	[tilespmem:s3+$0x5CB0] =	vst.add.f32.msk $0xffff, v2  }
0x2c3: {  	v2 =	vld [tilespmem:s0+$0xFFFFFFF0];
	_ =	sdelay $0x4  }
0x2c4: {  	v3 =	vunpack.i.l.bf16.f32 v2  }
0x2c5: {  	s9 =	simm.s32 $0x400;
	s1 =	simm.s32 $0x4070;
	v2 =	vunpack.i.u.bf16.f32 v2;
	[tilespmem:s3+$0x5CC0] =	vst.add.f32.msk $0xffff, v3  }
.LBB2_21:
0x2c6: {  	p0 =	sne.s32 s9, $0x6C00  }
0x2c7: {  	[tilespmem:s3+$0x5CD0] =	vst.add.f32.msk $0xffff, v2;
	s0 =	sadd.s32 $0x80, s0;
	s12 =	smov.u32 s9;
	s9 =	sadd.s32 $0x400, s9  }
0x2c8: {  	v2 =	vld [tilespmem:s1+$0x0];
	s1 =	smov.u32 s0;
	_ =	sdelay $0x4  }
0x2c9: {  	v3 =	vunpack.i.u.bf16.f32 v2;
	v2 =	vunpack.i.l.bf16.f32 v2  }
0x2ca: {  	[tilespmem:s3+$0x5CE0] =	vst.add.f32.msk $0xffff, v2  }
0x2cb: {  	[tilespmem:s3+$0x5CF0] =	vst.add.f32.msk $0xffff, v3  }
0x2cc: {  	v2 =	vld [tilespmem:s0+$0xFFFFFF90];
	_ =	sdelay $0x4  }
0x2cd: {  	s3 =	sshra.s32 s12, $0x2;
	v3 =	vunpack.i.u.bf16.f32 v2;
	v2 =	vunpack.i.l.bf16.f32 v2  }
0x2ce: {  	[tilespmem:s3+$0x5C00] =	vst.add.f32.msk $0xffff, v2  }
0x2cf: {  	[tilespmem:s3+$0x5C10] =	vst.add.f32.msk $0xffff, v3  }
0x2d0: {  	v2 =	vld [tilespmem:s0+$0xFFFFFFA0];
	_ =	sdelay $0x4  }
0x2d1: {  	v3 =	vunpack.i.u.bf16.f32 v2;
	v2 =	vunpack.i.l.bf16.f32 v2  }
0x2d2: {  	[tilespmem:s3+$0x5C20] =	vst.add.f32.msk $0xffff, v2  }
0x2d3: {  	[tilespmem:s3+$0x5C30] =	vst.add.f32.msk $0xffff, v3  }
0x2d4: {  	v2 =	vld [tilespmem:s0+$0xFFFFFFB0];
	_ =	sdelay $0x4  }
0x2d5: {  	v3 =	vunpack.i.u.bf16.f32 v2;
	v2 =	vunpack.i.l.bf16.f32 v2  }
0x2d6: {  	[tilespmem:s3+$0x5C40] =	vst.add.f32.msk $0xffff, v2  }
0x2d7: {  	[tilespmem:s3+$0x5C50] =	vst.add.f32.msk $0xffff, v3  }
0x2d8: {  	v2 =	vld [tilespmem:s0+$0xFFFFFFC0];
	_ =	sdelay $0x4  }
0x2d9: {  	v3 =	vunpack.i.u.bf16.f32 v2;
	v2 =	vunpack.i.l.bf16.f32 v2  }
0x2da: {  	[tilespmem:s3+$0x5C60] =	vst.add.f32.msk $0xffff, v2  }
0x2db: {  	[tilespmem:s3+$0x5C70] =	vst.add.f32.msk $0xffff, v3  }
0x2dc: {  	v2 =	vld [tilespmem:s0+$0xFFFFFFD0];
	_ =	sdelay $0x4  }
0x2dd: {  	v3 =	vunpack.i.u.bf16.f32 v2;
	v2 =	vunpack.i.l.bf16.f32 v2  }
0x2de: {  	[tilespmem:s3+$0x5C80] =	vst.add.f32.msk $0xffff, v2  }
0x2df: {  	[tilespmem:s3+$0x5C90] =	vst.add.f32.msk $0xffff, v3  }
0x2e0: {  	v2 =	vld [tilespmem:s0+$0xFFFFFFE0];
	_ =	sdelay $0x4  }
0x2e1: {  	v3 =	vunpack.i.u.bf16.f32 v2;
	v2 =	vunpack.i.l.bf16.f32 v2  }
0x2e2: {  	[tilespmem:s3+$0x5CA0] =	vst.add.f32.msk $0xffff, v2  }
0x2e3: {  	[tilespmem:s3+$0x5CB0] =	vst.add.f32.msk $0xffff, v3  }
0x2e4: {  	v3 =	vld [tilespmem:s0+$0xFFFFFFF0];
	_ =	sdelay $0x1  }
.Ltmp9:
0x2e5: {  	(pc) =	sbr.rel @p0 .LBB2_21-.Ltmp9, $3  }
0x2e6: {  	_ =	sdelay $0x1  }
0x2e7: {  	v2 =	vunpack.i.u.bf16.f32 v3;
	v3 =	vunpack.i.l.bf16.f32 v3  }
0x2e8: {  	[tilespmem:s3+$0x5CC0] =	vst.add.f32.msk $0xffff, v3  }
0x2e9: {  	[tilespmem:s3+$0x5CD0] =	vst.add.f32.msk $0xffff, v2  }
0x2ea: {  	v2 =	vld [tilespmem:s1+$0x0];
	_ =	sdelay $0x4  }
0x2eb: {  	v3 =	vunpack.i.l.bf16.f32 v2  }
0x2ec: {  	v2 =	vunpack.i.u.bf16.f32 v2;
	[tilespmem:s3+$0x5CE0] =	vst.add.f32.msk $0xffff, v3  }
0x2ed: {  	[tilespmem:s3+$0x5CF0] =	vst.add.f32.msk $0xffff, v2  }
0x2ee: {  	_ =	swait.ge [sflag:s23], $0xE00  }
0x2ef: {  	[sflag:s23] =	ssyncset.done $0x0  }
0x2f0: {  	s0 =	simm.s32 $0x4E70;
	[sflag:s23] =	ssyncadd.s32 $0xFFFFF200  }
0x2f1: {  	v2 =	vld [tilespmem:s0+$0xFFFFFF90];
	_ =	sdelay $0x4  }
0x2f2: {  	s3 =	simm.s32 $0x0;
	v3 =	vunpack.i.l.bf16.f32 v2  }
0x2f3: {  	v2 =	vunpack.i.u.bf16.f32 v2;
	[tilespmem:s3+$0x7800] =	vst.add.f32.msk $0xffff, v3  }
0x2f4: {  	[tilespmem:s3+$0x7810] =	vst.add.f32.msk $0xffff, v2  }
0x2f5: {  	v2 =	vld [tilespmem:s0+$0xFFFFFFA0];
	_ =	sdelay $0x4  }
0x2f6: {  	v3 =	vunpack.i.l.bf16.f32 v2  }
0x2f7: {  	v2 =	vunpack.i.u.bf16.f32 v2;
	[tilespmem:s3+$0x7820] =	vst.add.f32.msk $0xffff, v3  }
0x2f8: {  	[tilespmem:s3+$0x7830] =	vst.add.f32.msk $0xffff, v2  }
0x2f9: {  	v2 =	vld [tilespmem:s0+$0xFFFFFFB0];
	_ =	sdelay $0x4  }
0x2fa: {  	v3 =	vunpack.i.l.bf16.f32 v2  }
0x2fb: {  	v2 =	vunpack.i.u.bf16.f32 v2;
	[tilespmem:s3+$0x7840] =	vst.add.f32.msk $0xffff, v3  }
0x2fc: {  	[tilespmem:s3+$0x7850] =	vst.add.f32.msk $0xffff, v2  }
0x2fd: {  	v2 =	vld [tilespmem:s0+$0xFFFFFFC0];
	_ =	sdelay $0x4  }
0x2fe: {  	v3 =	vunpack.i.l.bf16.f32 v2  }
0x2ff: {  	v2 =	vunpack.i.u.bf16.f32 v2;
	[tilespmem:s3+$0x7860] =	vst.add.f32.msk $0xffff, v3  }
0x300: {  	[tilespmem:s3+$0x7870] =	vst.add.f32.msk $0xffff, v2  }
0x301: {  	v2 =	vld [tilespmem:s0+$0xFFFFFFD0];
	_ =	sdelay $0x4  }
0x302: {  	v3 =	vunpack.i.l.bf16.f32 v2  }
0x303: {  	v2 =	vunpack.i.u.bf16.f32 v2;
	[tilespmem:s3+$0x7880] =	vst.add.f32.msk $0xffff, v3  }
0x304: {  	[tilespmem:s3+$0x7890] =	vst.add.f32.msk $0xffff, v2  }
0x305: {  	v2 =	vld [tilespmem:s0+$0xFFFFFFE0];
	_ =	sdelay $0x4  }
0x306: {  	v3 =	vunpack.i.l.bf16.f32 v2  }
0x307: {  	v2 =	vunpack.i.u.bf16.f32 v2;
	[tilespmem:s3+$0x78A0] =	vst.add.f32.msk $0xffff, v3  }
0x308: {  	[tilespmem:s3+$0x78B0] =	vst.add.f32.msk $0xffff, v2  }
0x309: {  	v2 =	vld [tilespmem:s0+$0xFFFFFFF0];
	_ =	sdelay $0x4  }
0x30a: {  	v3 =	vunpack.i.l.bf16.f32 v2  }
0x30b: {  	s9 =	simm.s32 $0x400;
	s1 =	simm.s32 $0x4E70;
	v2 =	vunpack.i.u.bf16.f32 v2;
	[tilespmem:s3+$0x78C0] =	vst.add.f32.msk $0xffff, v3  }
.LBB2_23:
0x30c: {  	p0 =	sne.s32 s9, $0x6C00  }
0x30d: {  	[tilespmem:s3+$0x78D0] =	vst.add.f32.msk $0xffff, v2;
	s0 =	sadd.s32 $0x80, s0;
	s12 =	smov.u32 s9;
	s9 =	sadd.s32 $0x400, s9  }
0x30e: {  	v2 =	vld [tilespmem:s1+$0x0];
	s1 =	smov.u32 s0;
	_ =	sdelay $0x4  }
0x30f: {  	v3 =	vunpack.i.u.bf16.f32 v2;
	v2 =	vunpack.i.l.bf16.f32 v2  }
0x310: {  	[tilespmem:s3+$0x78E0] =	vst.add.f32.msk $0xffff, v2  }
0x311: {  	[tilespmem:s3+$0x78F0] =	vst.add.f32.msk $0xffff, v3  }
0x312: {  	v2 =	vld [tilespmem:s0+$0xFFFFFF90];
	_ =	sdelay $0x4  }
0x313: {  	s3 =	sshra.s32 s12, $0x2;
	v3 =	vunpack.i.u.bf16.f32 v2;
	v2 =	vunpack.i.l.bf16.f32 v2  }
0x314: {  	[tilespmem:s3+$0x7800] =	vst.add.f32.msk $0xffff, v2  }
0x315: {  	[tilespmem:s3+$0x7810] =	vst.add.f32.msk $0xffff, v3  }
0x316: {  	v2 =	vld [tilespmem:s0+$0xFFFFFFA0];
	_ =	sdelay $0x4  }
0x317: {  	v3 =	vunpack.i.u.bf16.f32 v2;
	v2 =	vunpack.i.l.bf16.f32 v2  }
0x318: {  	[tilespmem:s3+$0x7820] =	vst.add.f32.msk $0xffff, v2  }
0x319: {  	[tilespmem:s3+$0x7830] =	vst.add.f32.msk $0xffff, v3  }
0x31a: {  	v2 =	vld [tilespmem:s0+$0xFFFFFFB0];
	_ =	sdelay $0x4  }
0x31b: {  	v3 =	vunpack.i.u.bf16.f32 v2;
	v2 =	vunpack.i.l.bf16.f32 v2  }
0x31c: {  	[tilespmem:s3+$0x7840] =	vst.add.f32.msk $0xffff, v2  }
0x31d: {  	[tilespmem:s3+$0x7850] =	vst.add.f32.msk $0xffff, v3  }
0x31e: {  	v2 =	vld [tilespmem:s0+$0xFFFFFFC0];
	_ =	sdelay $0x4  }
0x31f: {  	v3 =	vunpack.i.u.bf16.f32 v2;
	v2 =	vunpack.i.l.bf16.f32 v2  }
0x320: {  	[tilespmem:s3+$0x7860] =	vst.add.f32.msk $0xffff, v2  }
0x321: {  	[tilespmem:s3+$0x7870] =	vst.add.f32.msk $0xffff, v3  }
0x322: {  	v2 =	vld [tilespmem:s0+$0xFFFFFFD0];
	_ =	sdelay $0x4  }
0x323: {  	v3 =	vunpack.i.u.bf16.f32 v2;
	v2 =	vunpack.i.l.bf16.f32 v2  }
0x324: {  	[tilespmem:s3+$0x7880] =	vst.add.f32.msk $0xffff, v2  }
0x325: {  	[tilespmem:s3+$0x7890] =	vst.add.f32.msk $0xffff, v3  }
0x326: {  	v2 =	vld [tilespmem:s0+$0xFFFFFFE0];
	_ =	sdelay $0x4  }
0x327: {  	v3 =	vunpack.i.u.bf16.f32 v2;
	v2 =	vunpack.i.l.bf16.f32 v2  }
0x328: {  	[tilespmem:s3+$0x78A0] =	vst.add.f32.msk $0xffff, v2  }
0x329: {  	[tilespmem:s3+$0x78B0] =	vst.add.f32.msk $0xffff, v3  }
0x32a: {  	v3 =	vld [tilespmem:s0+$0xFFFFFFF0];
	_ =	sdelay $0x1  }
.Ltmp10:
0x32b: {  	(pc) =	sbr.rel @p0 .LBB2_23-.Ltmp10, $3  }
0x32c: {  	_ =	sdelay $0x1  }
0x32d: {  	v2 =	vunpack.i.u.bf16.f32 v3;
	v3 =	vunpack.i.l.bf16.f32 v3  }
0x32e: {  	[tilespmem:s3+$0x78C0] =	vst.add.f32.msk $0xffff, v3  }
0x32f: {  	[tilespmem:s3+$0x78D0] =	vst.add.f32.msk $0xffff, v2  }
0x330: {  	v2 =	vld [tilespmem:s1+$0x0];
	_ =	sdelay $0x3  }
0x331: {  	s29 =	sadd.s32 $0x1, s29  }
0x332: {  	p0 =	sne.s32 s29, $0xA;
	v3 =	vunpack.i.l.bf16.f32 v2  }
.Ltmp11:
0x333: {  	s0 =	sshll.u32 s30, $0x3;
	v2 =	vunpack.i.u.bf16.f32 v2;
	[tilespmem:s3+$0x78E0] =	vst.add.f32.msk $0xffff, v3;
	(pc) =	sbr.rel @p0 .LBB2_2-.Ltmp11, $4  }
0x334: {  	s0 =	sadd.s32 s6, s0;
	[tilespmem:s3+$0x78F0] =	vst.add.f32.msk $0xffff, v2  }
0x335: {  	[hbm4b:s0+s2] =	stream.linear.scatter [tilespmem:s24], [sflag:$0x5], $0x3800, $0x38;
	[tilespmem:$0x9500] =	vst v63  }
0x336: {  	s31 =	sadd.s32 s7, s31  }
0x337: {  	[hbm4b:s31+s2] =	stream.linear.scatter [tilespmem:s25], [sflag:$0x5], $0x100, $0x38;
	[tilespmem:$0x9500] =	vst v63  }
0x338: {  	s1 =	simm.s32 $0x5  }
0x339: {  	_ =	swait.ge [sflag:s1], $0x3800  }
0x33a: {  	[sflag:s1] =	ssyncset.done $0x0  }
0x33b: {  	[sflag:s1] =	ssyncadd.s32 $0xFFFFC800  }
0x33c: {  	_ =	swait.ge [sflag:s1], $0x100  }
0x33d: {  	s3 =	rddreg [dreg:$0x4]  }
0x33e: {  	s0 =	rddreg [dreg:$0x3];
	s3 =	sadd.s32 $0x1, s3  }
0x33f: {  	p0 =	sne.s32 s3, s0  }
.Ltmp12:
0x340: {  	_ = 	snop;
	(pc) =	sbr.rel @p0 .LBB2_1-.Ltmp12, $3  }
0x341: {  	_ =	sdelay $0x1  }
0x342: {  	[sflag:s1] =	ssyncset.done $0x0  }
0x343: {  	[sflag:s1] =	ssyncadd.s32 $0xFFFFFF00  }
0x344: {  	_ =	sfence.sel $0x180000  }
0x345: {  	[bflag:$0x0] =	sbarrier.arrive $0xFFFF  }
0x346: {  	_ =	strace $0x90000047  }
0x347: {  	s0 =	stileid.u32;
	[bflag:$0x2] =	sbarrier.arrive $0xFFFF  }
0x348: {  	p0 =	sne.s32 s0, $0x0;
	s0 =	rddreg [dreg:$0x2]  }
0x349: {  	s0 =	sadd.s32 @!p0 $0x100000, s0  }
0x34a: {  	[sflag:s0] =	ssyncadd.tile.s32 @!p0 $0x1;
	_ =	shalt  }
.Lfunc_end2:
_tile_overlayer_lowered:
.L_overlay_start_2:
0x34b: {  	(tag) =	ssettag $0x2  }
0x34c: {  	s0 =	rddreg [dreg:$0x0];
	s2 =	stileid.u32  }
0x34d: {  	s1 =	rddreg [dreg:$0x1];
	p0 =	sne.s32 s2, $0x0  }
0x34e: {  	s3 =	rddreg [dreg:$0x2];
	[bflag:$0x3] =	sbarrier.arrive $0xFFFF;
	s2 =	simm.s32 @!p0 $0x1C06  }
0x34f: {  	[timem:s3], [sflag:s2] =	dma.local @!p0 [hbm:s0], s1  }
0x350: {  	s0 =	simm.s32 @!p0 $0x6  }
0x351: {  	_ =	swait.ge @!p0 [sflag:s0], s1  }
0x352: {  	s1 =	ssub.s32 @!p0 $0x0, s1;
	[sflag:s0] =	ssyncset.done @!p0 $0x0  }
0x353: {  	[sflag:s0] =	ssyncadd.s32 @!p0 s1  }
0x354: {  	[bflag:$0x3] =	sbarrier.arrive $0xFFFF  }
0x355: {  	_ =	shalt  }

</sc_bundles>
